<compile_context>
chip_gen: v7x
topology: tpu7x:2x2x1
jax: 0.10.2.dev20260603
libtpu: 0.0.44.dev20260713+nightly
codegen_flags: <defaults>
</compile_context>

<pallas_src>
import jax
import jax.numpy as jnp
from jax import lax
from jax.experimental import pallas as pl
from jax.experimental.pallas import tpu as pltpu
from jax.experimental.pallas import tpu_sc as plsc

VOCAB = 100000
DIM = 64
BATCH = 4096
HIST = 200

NUM_CORES = 2
NUM_SUBCORES = 16
NUM_WORKERS = NUM_CORES * NUM_SUBCORES
BLK = BATCH // NUM_WORKERS
NPAIR = NUM_WORKERS // 2
HCHUNKS = (50, 50, 50, 50)
HOFFS = (0, 50, 100, 150)


def _gather_body(table_hbm, idxp_hbm, out_hbm,
                 idx_v, rows0, rows1, sem_g0, sem_g1, sem_s0, sem_s1,
                 *, h0, hlen):
    wid = lax.axis_index("s") * NUM_CORES + lax.axis_index("c")
    pair = wid // 2
    member = lax.rem(wid, 2)
    rows_v = (rows0, rows1)
    sem_g = (sem_g0, sem_g1)
    sem_s = (sem_s0, sem_s1)

    pltpu.sync_copy(idxp_hbm.at[pl.ds(h0, hlen), pl.ds(wid * BLK, BLK)],
                    idx_v)

    pltpu.async_copy(table_hbm.at[idx_v.at[0]], rows_v[0], sem_g[0])

    def step(h, carry):
        par = lax.rem(h, 2)

        def run(b, p):
            @pl.when(h >= 2)
            def _():
                pltpu.make_async_copy(rows_v[b], out_hbm.at[0, 0],
                                      sem_s[b]).wait()

            @pl.when(h < hlen)
            def _():
                pltpu.async_copy(table_hbm.at[idx_v.at[h]], rows_v[b],
                                 sem_g[b])

            pltpu.make_async_copy(table_hbm.at[idx_v.at[0]], rows_v[p],
                                  sem_g[p]).wait()
            pltpu.async_copy(rows_v[p],
                             out_hbm.at[(h - 1) * NPAIR + pair, member],
                             sem_s[p])

        @pl.when(par == 0)
        def _():
            run(0, 1)

        @pl.when(par == 1)
        def _():
            run(1, 0)

        return carry

    lax.fori_loop(1, hlen + 1, step, 0)

    pltpu.make_async_copy(rows_v[1], out_hbm.at[0, 0], sem_s[1]).wait()


def _make_gather(h0, hlen):
    import functools
    mesh = plsc.VectorSubcoreMesh(core_axis_name="c", subcore_axis_name="s")
    return pl.kernel(
        functools.partial(_gather_body, h0=h0, hlen=hlen),
        mesh=mesh,
        compiler_params=pltpu.CompilerParams(use_tc_tiling_on_sc=False),
        out_type=jax.ShapeDtypeStruct((hlen * NPAIR, 2, BLK, DIM),
                                      jnp.float32),
        scratch_types=[
            pltpu.VMEM((hlen, BLK), jnp.int32),
            pltpu.VMEM((BLK, DIM), jnp.float32),
            pltpu.VMEM((BLK, DIM), jnp.float32),
            pltpu.SemaphoreType.DMA,
            pltpu.SemaphoreType.DMA,
            pltpu.SemaphoreType.DMA,
            pltpu.SemaphoreType.DMA,
        ],
    )


def _tc_body(x_ref, o_ref):
    for k in range(NPAIR):
        xs = x_ref[pl.ds(k * 128, 128), :]
        t = xs.T
        y = t.reshape(2, 8, 8, 128).transpose(1, 0, 2, 3)
        o_ref[0, :, pl.ds(2 * k, 2), :, :] = y


def _tc_format_first(x, hlen):
    return pl.pallas_call(
        _tc_body,
        grid=(hlen,),
        in_specs=[pl.BlockSpec((NPAIR * 128, 128), lambda u: (u, 0))],
        out_specs=pl.BlockSpec((1, 8, NUM_WORKERS, 8, 128),
                               lambda u: (u, 0, 0, 0, 0)),
        out_shape=jax.ShapeDtypeStruct((HIST, 8, NUM_WORKERS, 8, 128),
                                       jnp.float32),
    )(x)


def _tc_format_chunk(acc, x, h0, hlen):
    def body(acc_ref, x_ref, o_ref):
        _tc_body(x_ref, o_ref)

    return pl.pallas_call(
        body,
        grid=(hlen,),
        in_specs=[pl.BlockSpec(memory_space=pl.ANY),
                  pl.BlockSpec((NPAIR * 128, 128), lambda u: (u, 0))],
        out_specs=pl.BlockSpec((1, 8, NUM_WORKERS, 8, 128),
                               lambda u, h0=h0: (h0 + u, 0, 0, 0, 0)),
        out_shape=jax.ShapeDtypeStruct((HIST, 8, NUM_WORKERS, 8, 128),
                                       jnp.float32),
        input_output_aliases={0: 0},
    )(acc, x)


@jax.jit
def _embed(embeddings, idxp):
    gathers = [_make_gather(h0, hlen)(embeddings, idxp)
               for h0, hlen in zip(HOFFS, HCHUNKS)]
    acc = _tc_format_first(
        gathers[0].reshape(HCHUNKS[0] * NPAIR * BLK, 2 * DIM), HCHUNKS[0])
    for k in range(1, len(HCHUNKS)):
        acc = _tc_format_chunk(
            acc, gathers[k].reshape(HCHUNKS[k] * NPAIR * BLK, 2 * DIM),
            HOFFS[k], HCHUNKS[k])
    return acc


def kernel(inputs, embeddings):
    idxp = (inputs.reshape(NPAIR, 2, BLK, HIST)
            .transpose(3, 0, 2, 1).reshape(HIST, BATCH))
    out5 = _embed(embeddings, idxp)
    return out5.transpose(2, 4, 0, 1, 3).reshape(BATCH, HIST, DIM)

# --- scband reference (transcript-rebuilt; emitter-appended) ---
"""Pipeline reference for scband-standard-word-embedding-12799002542451 (READ-ONLY COPY).

The authoritative reference and input builder live on the scoring server;
editing this copy changes nothing except your own understanding.
"""

import jax, jax.numpy as jnp
import numpy as np

VOCAB = 100000
DIM = 64
BATCH = 4096
HIST = 200
PAD_IDX = 0


def setup_inputs(seed: int = 0) -> dict:
    key = jax.random.key(seed)
    k_idx, k_emb = jax.random.split(key)
    inputs = jax.random.randint(k_idx, (BATCH, HIST), 0, VOCAB, dtype=jnp.int32)
    # StandardWordEmbedding: size = len(vocab) rounded up to multiple (multiple=1 -> 100000)
    # NormalInitializer on the embedding table
    embeddings = jax.random.normal(k_emb, (VOCAB, DIM), dtype=jnp.float32)
    return {"inputs": inputs, "embeddings": embeddings}


def reference(inputs, embeddings):
    # Eval path (dropout inactive): F.embedding(inputs, self.embeddings, padding_idx)
    # padding_idx has no effect on the forward gather values.
    return jnp.take(embeddings, inputs, axis=0)

if __name__ == "__main__":
    import jax
    _d = setup_inputs()
    print(jax.jit(kernel)(*tuple(_d.values())))

</pallas_src>

<mosaic_0001>
#map = affine_map<(d0, d1) -> (0, 0)>
#map1 = affine_map<(d0, d1) -> (0, 0, 0, 0)>
module attributes {stable_mosaic.version = 14 : i64} {
  func.func @_gather_body(%arg0: i32, %arg1: i32, %arg2: memref<100000x64xf32, #tpu.memory_space<hbm>>, %arg3: memref<200x4096xi32, #tpu.memory_space<hbm>>, %arg4: memref<800x2x128x64xf32, #tpu.memory_space<hbm>>, %arg5: memref<50x128xi32, #tpu.memory_space<vmem>>, %arg6: memref<128x64xf32, #tpu.memory_space<vmem>>, %arg7: memref<128x64xf32, #tpu.memory_space<vmem>>, %arg8: memref<!tpu.dma_semaphore, #tpu.memory_space<semaphore_mem>>, %arg9: memref<!tpu.dma_semaphore, #tpu.memory_space<semaphore_mem>>, %arg10: memref<!tpu.dma_semaphore, #tpu.memory_space<semaphore_mem>>, %arg11: memref<!tpu.dma_semaphore, #tpu.memory_space<semaphore_mem>>) attributes {dimension_semantics = [#tpu.dimension_semantics<core_parallel>, #tpu.dimension_semantics<subcore_parallel>], iteration_bounds = array<i64: 2, 16>, scalar_prefetch = 0 : i64, scratch_operands = 7 : i64, tpu.core_type = #tpu.core_type<sc_vector_subcore>, window_params = [{transform_indices = #map}, {transform_indices = #map}, {transform_indices = #map1}]} {
    %mul3A = arith.constant 2 : i32
    %mul3A_0 = arith.muli %arg1, %mul3A : i32
    %add3A = arith.addi %mul3A_0, %arg0 : i32
    %jit3A = arith.constant 2 : i32
    %div3A = arith.divsi %add3A, %jit3A : i32
    %sign3A = arith.constant 0 : i32
    %sign3A_1 = arith.cmpi sgt, %add3A, %sign3A : i32
    %sign3A_2 = arith.extui %sign3A_1 : i1 to i32
    %sign3A_3 = arith.constant 0 : i32
    %sign3A_4 = arith.cmpi slt, %add3A, %sign3A_3 : i32
    %sign3A_5 = arith.extui %sign3A_4 : i1 to i32
    %sign3A_6 = arith.subi %sign3A_2, %sign3A_5 : i32
    %sign3A_7 = arith.constant 0 : i32
    %sign3A_8 = arith.cmpi sgt, %jit3A, %sign3A_7 : i32
    %sign3A_9 = arith.extui %sign3A_8 : i1 to i32
    %sign3A_10 = arith.constant 0 : i32
    %sign3A_11 = arith.cmpi slt, %jit3A, %sign3A_10 : i32
    %sign3A_12 = arith.extui %sign3A_11 : i1 to i32
    %sign3A_13 = arith.subi %sign3A_9, %sign3A_12 : i32
    %ne3A = arith.cmpi ne, %sign3A_6, %sign3A_13 : i32
    %rem3A = arith.remsi %add3A, %jit3A : i32
    %ne3A_14 = arith.constant 0 : i32
    %ne3A_15 = arith.cmpi ne, %rem3A, %ne3A_14 : i32
    %and3A = arith.andi %ne3A, %ne3A_15 : i1
    %sub3A = arith.constant 1 : i32
    %sub3A_16 = arith.subi %div3A, %sub3A : i32
    %select_n3A = arith.select %and3A, %sub3A_16, %div3A : i32
    %rem3A_17 = arith.constant 2 : i32
    %rem3A_18 = arith.remsi %add3A, %rem3A_17 : i32
    %mul3A_19 = arith.constant 128 : i32
    %mul3A_20 = arith.muli %add3A, %mul3A_19 : i32
    "tpu.region"() ({
      %run_scoped3A = tpu.sem_alloc : memref<!tpu.dma_semaphore, #tpu.memory_space<semaphore_mem>>
      %dma_start3A_41 = arith.constant 50 : i32
      %dma_start3A_42 = tpu.memref_slice %arg3[%dma_start3A_41, %mul3A_20] : memref<200x4096xi32, #tpu.memory_space<hbm>> -> memref<50x128xi32, #tpu.memory_space<hbm>>
      %dma_start3A_43 = arith.constant 50 : i32
      %dma_start3A_44 = tpu.memref_slice %arg3[%dma_start3A_43, %mul3A_20] : memref<200x4096xi32, #tpu.memory_space<hbm>> -> memref<50x128xi32, #tpu.memory_space<hbm>>
      tpu.enqueue_dma source(%dma_start3A_44 : memref<50x128xi32, #tpu.memory_space<hbm>>) target(%arg5 : memref<50x128xi32, #tpu.memory_space<vmem>>) target_semaphore(%run_scoped3A : memref<!tpu.dma_semaphore, #tpu.memory_space<semaphore_mem>>)
      %dma_wait3A_45 = arith.constant 50 : i32
      %dma_wait3A_46 = tpu.memref_slice %arg3[%dma_wait3A_45, %mul3A_20] : memref<200x4096xi32, #tpu.memory_space<hbm>> -> memref<50x128xi32, #tpu.memory_space<hbm>>
      %dma_wait3A_47 = arith.constant 50 : i32
      %dma_wait3A_48 = tpu.memref_slice %arg3[%dma_wait3A_47, %mul3A_20] : memref<200x4096xi32, #tpu.memory_space<hbm>> -> memref<50x128xi32, #tpu.memory_space<hbm>>
      tpu.wait_dma2 semaphore(%run_scoped3A : memref<!tpu.dma_semaphore, #tpu.memory_space<semaphore_mem>>) src(%dma_wait3A_48 : memref<50x128xi32, #tpu.memory_space<hbm>>) dst(%arg5 : memref<50x128xi32, #tpu.memory_space<vmem>>)
      tpu.yield
    }) : () -> ()
    %dma_start3A = arith.constant 0 : i32
    %dma_start3A_21 = arith.constant 0 : i32
    %dma_start3A_22 = tpu.memref_slice %arg5[%dma_start3A, %dma_start3A_21] : memref<50x128xi32, #tpu.memory_space<vmem>> -> memref<1x128xi32, #tpu.memory_space<vmem>>
    %dma_start3A_23 = tpu.memref_squeeze %dma_start3A_22 : memref<1x128xi32, #tpu.memory_space<vmem>> -> memref<128xi32, #tpu.memory_space<vmem>>
    %dma_start3A_24 = arith.constant 0 : i32
    %dma_start3A_25 = arith.constant 0 : i32
    %dma_start3A_26 = tpu.memref_slice %arg2[%dma_start3A_24, %dma_start3A_25] : memref<100000x64xf32, #tpu.memory_space<hbm>> -> memref<100000x64xf32, #tpu.memory_space<hbm>>
    tpu.enqueue_indirect_dma source(%dma_start3A_26 : memref<100000x64xf32, #tpu.memory_space<hbm>>) target(%arg6 : memref<128x64xf32, #tpu.memory_space<vmem>>) offsets(%dma_start3A_23 : memref<128xi32, #tpu.memory_space<vmem>>) semaphore(%arg8 : memref<!tpu.dma_semaphore, #tpu.memory_space<semaphore_mem>>)
    %scan3A = arith.constant 0 : i32
    %scan3A_27 = arith.constant 1 : i32
    %scan3A_28 = arith.constant 50 : i32
    %scan3A_29 = arith.addi %scan3A_27, %scan3A_28 : i32
    %scan3A_30 = arith.constant 1 : i32
    scf.for %scan3A_41 = %scan3A_27 to %scan3A_29 step %scan3A_30  : i32 {
      %rem3A_42 = arith.constant 2 : i32
      %rem3A_43 = arith.remsi %scan3A_41, %rem3A_42 : i32
      %eq3A = arith.constant 0 : i32
      %eq3A_44 = arith.cmpi eq, %rem3A_43, %eq3A : i32
      %convert_element_type3A = arith.extui %eq3A_44 : i1 to i32
      %cond3A = arith.constant 0 : i32
      %cond3A_45 = arith.cmpi ne, %convert_element_type3A, %cond3A : i32
      scf.if %cond3A_45 {
        %ge3A = arith.constant 2 : i32
        %ge3A_51 = arith.cmpi sge, %scan3A_41, %ge3A : i32
        %convert_element_type3A_52 = arith.extui %ge3A_51 : i1 to i32
        %cond3A_53 = arith.constant 0 : i32
        %cond3A_54 = arith.cmpi ne, %convert_element_type3A_52, %cond3A_53 : i32
        scf.if %cond3A_54 {
          %dma_wait3A_79 = arith.constant 0 : i32
          %dma_wait3A_80 = arith.constant 0 : i32
          %dma_wait3A_81 = arith.constant 0 : i32
          %dma_wait3A_82 = arith.constant 0 : i32
          %dma_wait3A_83 = tpu.memref_slice %arg4[%dma_wait3A_79, %dma_wait3A_80, %dma_wait3A_81, %dma_wait3A_82] : memref<800x2x128x64xf32, #tpu.memory_space<hbm>> -> memref<1x1x128x64xf32, #tpu.memory_space<hbm>>
          %dma_wait3A_84 = tpu.memref_squeeze %dma_wait3A_83 : memref<1x1x128x64xf32, #tpu.memory_space<hbm>> -> memref<128x64xf32, #tpu.memory_space<hbm>>
          %dma_wait3A_85 = arith.constant 0 : i32
          %dma_wait3A_86 = arith.constant 0 : i32
          %dma_wait3A_87 = tpu.memref_slice %arg4[%dma_wait3A_79, %dma_wait3A_80, %dma_wait3A_85, %dma_wait3A_86] : memref<800x2x128x64xf32, #tpu.memory_space<hbm>> -> memref<1x1x128x64xf32, #tpu.memory_space<hbm>>
          %dma_wait3A_88 = tpu.memref_squeeze %dma_wait3A_87 : memref<1x1x128x64xf32, #tpu.memory_space<hbm>> -> memref<128x64xf32, #tpu.memory_space<hbm>>
          tpu.wait_dma2 semaphore(%arg10 : memref<!tpu.dma_semaphore, #tpu.memory_space<semaphore_mem>>) src(%arg6 : memref<128x64xf32, #tpu.memory_space<vmem>>) dst(%dma_wait3A_88 : memref<128x64xf32, #tpu.memory_space<hbm>>)
        } else {
        }
        %lt3A = arith.constant 50 : i32
        %lt3A_55 = arith.cmpi slt, %scan3A_41, %lt3A : i32
        %convert_element_type3A_56 = arith.extui %lt3A_55 : i1 to i32
        %cond3A_57 = arith.constant 0 : i32
        %cond3A_58 = arith.cmpi ne, %convert_element_type3A_56, %cond3A_57 : i32
        scf.if %cond3A_58 {
          %dma_start3A_79 = arith.constant 0 : i32
          %dma_start3A_80 = tpu.memref_slice %arg5[%scan3A_41, %dma_start3A_79] : memref<50x128xi32, #tpu.memory_space<vmem>> -> memref<1x128xi32, #tpu.memory_space<vmem>>
          %dma_start3A_81 = tpu.memref_squeeze %dma_start3A_80 : memref<1x128xi32, #tpu.memory_space<vmem>> -> memref<128xi32, #tpu.memory_space<vmem>>
          %dma_start3A_82 = arith.constant 0 : i32
          %dma_start3A_83 = arith.constant 0 : i32
          %dma_start3A_84 = tpu.memref_slice %arg2[%dma_start3A_82, %dma_start3A_83] : memref<100000x64xf32, #tpu.memory_space<hbm>> -> memref<100000x64xf32, #tpu.memory_space<hbm>>
          tpu.enqueue_indirect_dma source(%dma_start3A_84 : memref<100000x64xf32, #tpu.memory_space<hbm>>) target(%arg6 : memref<128x64xf32, #tpu.memory_space<vmem>>) offsets(%dma_start3A_81 : memref<128xi32, #tpu.memory_space<vmem>>) semaphore(%arg8 : memref<!tpu.dma_semaphore, #tpu.memory_space<semaphore_mem>>)
        } else {
        }
        %dma_wait3A_59 = arith.constant 0 : i32
        %dma_wait3A_60 = arith.constant 0 : i32
        %dma_wait3A_61 = tpu.memref_slice %arg5[%dma_wait3A_59, %dma_wait3A_60] : memref<50x128xi32, #tpu.memory_space<vmem>> -> memref<1x128xi32, #tpu.memory_space<vmem>>
        %dma_wait3A_62 = tpu.memref_squeeze %dma_wait3A_61 : memref<1x128xi32, #tpu.memory_space<vmem>> -> memref<128xi32, #tpu.memory_space<vmem>>
        %dma_wait3A_63 = arith.constant 0 : i32
        %dma_wait3A_64 = arith.constant 0 : i32
        %dma_wait3A_65 = tpu.memref_slice %arg2[%dma_wait3A_63, %dma_wait3A_64] : memref<100000x64xf32, #tpu.memory_space<hbm>> -> memref<100000x64xf32, #tpu.memory_space<hbm>>
        tpu.wait_indirect_dma semaphore(%arg9 : memref<!tpu.dma_semaphore, #tpu.memory_space<semaphore_mem>>) src(%dma_wait3A_65 : memref<100000x64xf32, #tpu.memory_space<hbm>>) dst(%arg7 : memref<128x64xf32, #tpu.memory_space<vmem>>)
        %sub3A_66 = arith.constant 1 : i32
        %sub3A_67 = arith.subi %scan3A_41, %sub3A_66 : i32
        %mul3A_68 = arith.constant 16 : i32
        %mul3A_69 = arith.muli %sub3A_67, %mul3A_68 : i32
        %add3A_70 = arith.addi %mul3A_69, %select_n3A : i32
        %dma_start3A_71 = arith.constant 0 : i32
        %dma_start3A_72 = arith.constant 0 : i32
        %dma_start3A_73 = tpu.memref_slice %arg4[%add3A_70, %rem3A_18, %dma_start3A_71, %dma_start3A_72] : memref<800x2x128x64xf32, #tpu.memory_space<hbm>> -> memref<1x1x128x64xf32, #tpu.memory_space<hbm>>
        %dma_start3A_74 = tpu.memref_squeeze %dma_start3A_73 : memref<1x1x128x64xf32, #tpu.memory_space<hbm>> -> memref<128x64xf32, #tpu.memory_space<hbm>>
        %dma_start3A_75 = arith.constant 0 : i32
        %dma_start3A_76 = arith.constant 0 : i32
        %dma_start3A_77 = tpu.memref_slice %arg4[%add3A_70, %rem3A_18, %dma_start3A_75, %dma_start3A_76] : memref<800x2x128x64xf32, #tpu.memory_space<hbm>> -> memref<1x1x128x64xf32, #tpu.memory_space<hbm>>
        %dma_start3A_78 = tpu.memref_squeeze %dma_start3A_77 : memref<1x1x128x64xf32, #tpu.memory_space<hbm>> -> memref<128x64xf32, #tpu.memory_space<hbm>>
        tpu.enqueue_dma source(%arg7 : memref<128x64xf32, #tpu.memory_space<vmem>>) target(%dma_start3A_78 : memref<128x64xf32, #tpu.memory_space<hbm>>) target_semaphore(%arg11 : memref<!tpu.dma_semaphore, #tpu.memory_space<semaphore_mem>>)
      } else {
      }
      %eq3A_46 = arith.constant 1 : i32
      %eq3A_47 = arith.cmpi eq, %rem3A_43, %eq3A_46 : i32
      %convert_element_type3A_48 = arith.extui %eq3A_47 : i1 to i32
      %cond3A_49 = arith.constant 0 : i32
      %cond3A_50 = arith.cmpi ne, %convert_element_type3A_48, %cond3A_49 : i32
      scf.if %cond3A_50 {
        %ge3A = arith.constant 2 : i32
        %ge3A_51 = arith.cmpi sge, %scan3A_41, %ge3A : i32
        %convert_element_type3A_52 = arith.extui %ge3A_51 : i1 to i32
        %cond3A_53 = arith.constant 0 : i32
        %cond3A_54 = arith.cmpi ne, %convert_element_type3A_52, %cond3A_53 : i32
        scf.if %cond3A_54 {
          %dma_wait3A_79 = arith.constant 0 : i32
          %dma_wait3A_80 = arith.constant 0 : i32
          %dma_wait3A_81 = arith.constant 0 : i32
          %dma_wait3A_82 = arith.constant 0 : i32
          %dma_wait3A_83 = tpu.memref_slice %arg4[%dma_wait3A_79, %dma_wait3A_80, %dma_wait3A_81, %dma_wait3A_82] : memref<800x2x128x64xf32, #tpu.memory_space<hbm>> -> memref<1x1x128x64xf32, #tpu.memory_space<hbm>>
          %dma_wait3A_84 = tpu.memref_squeeze %dma_wait3A_83 : memref<1x1x128x64xf32, #tpu.memory_space<hbm>> -> memref<128x64xf32, #tpu.memory_space<hbm>>
          %dma_wait3A_85 = arith.constant 0 : i32
          %dma_wait3A_86 = arith.constant 0 : i32
          %dma_wait3A_87 = tpu.memref_slice %arg4[%dma_wait3A_79, %dma_wait3A_80, %dma_wait3A_85, %dma_wait3A_86] : memref<800x2x128x64xf32, #tpu.memory_space<hbm>> -> memref<1x1x128x64xf32, #tpu.memory_space<hbm>>
          %dma_wait3A_88 = tpu.memref_squeeze %dma_wait3A_87 : memref<1x1x128x64xf32, #tpu.memory_space<hbm>> -> memref<128x64xf32, #tpu.memory_space<hbm>>
          tpu.wait_dma2 semaphore(%arg11 : memref<!tpu.dma_semaphore, #tpu.memory_space<semaphore_mem>>) src(%arg7 : memref<128x64xf32, #tpu.memory_space<vmem>>) dst(%dma_wait3A_88 : memref<128x64xf32, #tpu.memory_space<hbm>>)
        } else {
        }
        %lt3A = arith.constant 50 : i32
        %lt3A_55 = arith.cmpi slt, %scan3A_41, %lt3A : i32
        %convert_element_type3A_56 = arith.extui %lt3A_55 : i1 to i32
        %cond3A_57 = arith.constant 0 : i32
        %cond3A_58 = arith.cmpi ne, %convert_element_type3A_56, %cond3A_57 : i32
        scf.if %cond3A_58 {
          %dma_start3A_79 = arith.constant 0 : i32
          %dma_start3A_80 = tpu.memref_slice %arg5[%scan3A_41, %dma_start3A_79] : memref<50x128xi32, #tpu.memory_space<vmem>> -> memref<1x128xi32, #tpu.memory_space<vmem>>
          %dma_start3A_81 = tpu.memref_squeeze %dma_start3A_80 : memref<1x128xi32, #tpu.memory_space<vmem>> -> memref<128xi32, #tpu.memory_space<vmem>>
          %dma_start3A_82 = arith.constant 0 : i32
          %dma_start3A_83 = arith.constant 0 : i32
          %dma_start3A_84 = tpu.memref_slice %arg2[%dma_start3A_82, %dma_start3A_83] : memref<100000x64xf32, #tpu.memory_space<hbm>> -> memref<100000x64xf32, #tpu.memory_space<hbm>>
          tpu.enqueue_indirect_dma source(%dma_start3A_84 : memref<100000x64xf32, #tpu.memory_space<hbm>>) target(%arg7 : memref<128x64xf32, #tpu.memory_space<vmem>>) offsets(%dma_start3A_81 : memref<128xi32, #tpu.memory_space<vmem>>) semaphore(%arg9 : memref<!tpu.dma_semaphore, #tpu.memory_space<semaphore_mem>>)
        } else {
        }
        %dma_wait3A_59 = arith.constant 0 : i32
        %dma_wait3A_60 = arith.constant 0 : i32
        %dma_wait3A_61 = tpu.memref_slice %arg5[%dma_wait3A_59, %dma_wait3A_60] : memref<50x128xi32, #tpu.memory_space<vmem>> -> memref<1x128xi32, #tpu.memory_space<vmem>>
        %dma_wait3A_62 = tpu.memref_squeeze %dma_wait3A_61 : memref<1x128xi32, #tpu.memory_space<vmem>> -> memref<128xi32, #tpu.memory_space<vmem>>
        %dma_wait3A_63 = arith.constant 0 : i32
        %dma_wait3A_64 = arith.constant 0 : i32
        %dma_wait3A_65 = tpu.memref_slice %arg2[%dma_wait3A_63, %dma_wait3A_64] : memref<100000x64xf32, #tpu.memory_space<hbm>> -> memref<100000x64xf32, #tpu.memory_space<hbm>>
        tpu.wait_indirect_dma semaphore(%arg8 : memref<!tpu.dma_semaphore, #tpu.memory_space<semaphore_mem>>) src(%dma_wait3A_65 : memref<100000x64xf32, #tpu.memory_space<hbm>>) dst(%arg6 : memref<128x64xf32, #tpu.memory_space<vmem>>)
        %sub3A_66 = arith.constant 1 : i32
        %sub3A_67 = arith.subi %scan3A_41, %sub3A_66 : i32
        %mul3A_68 = arith.constant 16 : i32
        %mul3A_69 = arith.muli %sub3A_67, %mul3A_68 : i32
        %add3A_70 = arith.addi %mul3A_69, %select_n3A : i32
        %dma_start3A_71 = arith.constant 0 : i32
        %dma_start3A_72 = arith.constant 0 : i32
        %dma_start3A_73 = tpu.memref_slice %arg4[%add3A_70, %rem3A_18, %dma_start3A_71, %dma_start3A_72] : memref<800x2x128x64xf32, #tpu.memory_space<hbm>> -> memref<1x1x128x64xf32, #tpu.memory_space<hbm>>
        %dma_start3A_74 = tpu.memref_squeeze %dma_start3A_73 : memref<1x1x128x64xf32, #tpu.memory_space<hbm>> -> memref<128x64xf32, #tpu.memory_space<hbm>>
        %dma_start3A_75 = arith.constant 0 : i32
        %dma_start3A_76 = arith.constant 0 : i32
        %dma_start3A_77 = tpu.memref_slice %arg4[%add3A_70, %rem3A_18, %dma_start3A_75, %dma_start3A_76] : memref<800x2x128x64xf32, #tpu.memory_space<hbm>> -> memref<1x1x128x64xf32, #tpu.memory_space<hbm>>
        %dma_start3A_78 = tpu.memref_squeeze %dma_start3A_77 : memref<1x1x128x64xf32, #tpu.memory_space<hbm>> -> memref<128x64xf32, #tpu.memory_space<hbm>>
        tpu.enqueue_dma source(%arg6 : memref<128x64xf32, #tpu.memory_space<vmem>>) target(%dma_start3A_78 : memref<128x64xf32, #tpu.memory_space<hbm>>) target_semaphore(%arg10 : memref<!tpu.dma_semaphore, #tpu.memory_space<semaphore_mem>>)
      } else {
      }
    }
    %scan3A_31 = arith.constant 50 : i32
    %dma_wait3A = arith.constant 0 : i32
    %dma_wait3A_32 = arith.constant 0 : i32
    %dma_wait3A_33 = arith.constant 0 : i32
    %dma_wait3A_34 = arith.constant 0 : i32
    %dma_wait3A_35 = tpu.memref_slice %arg4[%dma_wait3A, %dma_wait3A_32, %dma_wait3A_33, %dma_wait3A_34] : memref<800x2x128x64xf32, #tpu.memory_space<hbm>> -> memref<1x1x128x64xf32, #tpu.memory_space<hbm>>
    %dma_wait3A_36 = tpu.memref_squeeze %dma_wait3A_35 : memref<1x1x128x64xf32, #tpu.memory_space<hbm>> -> memref<128x64xf32, #tpu.memory_space<hbm>>
    %dma_wait3A_37 = arith.constant 0 : i32
    %dma_wait3A_38 = arith.constant 0 : i32
    %dma_wait3A_39 = tpu.memref_slice %arg4[%dma_wait3A, %dma_wait3A_32, %dma_wait3A_37, %dma_wait3A_38] : memref<800x2x128x64xf32, #tpu.memory_space<hbm>> -> memref<1x1x128x64xf32, #tpu.memory_space<hbm>>
    %dma_wait3A_40 = tpu.memref_squeeze %dma_wait3A_39 : memref<1x1x128x64xf32, #tpu.memory_space<hbm>> -> memref<128x64xf32, #tpu.memory_space<hbm>>
    tpu.wait_dma2 semaphore(%arg11 : memref<!tpu.dma_semaphore, #tpu.memory_space<semaphore_mem>>) src(%arg7 : memref<128x64xf32, #tpu.memory_space<vmem>>) dst(%dma_wait3A_40 : memref<128x64xf32, #tpu.memory_space<hbm>>)
    return
  }
}

#map = affine_map<(d0, d1) -> (0, 0)>
#map1 = affine_map<(d0, d1) -> (0, 0, 0, 0)>
module attributes {stable_mosaic.version = 14 : i64} {
  func.func @_gather_body(%arg0: i32, %arg1: i32, %arg2: memref<100000x64xf32, #tpu.memory_space<hbm>>, %arg3: memref<200x4096xi32, #tpu.memory_space<hbm>>, %arg4: memref<800x2x128x64xf32, #tpu.memory_space<hbm>>, %arg5: memref<50x128xi32, #tpu.memory_space<vmem>>, %arg6: memref<128x64xf32, #tpu.memory_space<vmem>>, %arg7: memref<128x64xf32, #tpu.memory_space<vmem>>, %arg8: memref<!tpu.dma_semaphore, #tpu.memory_space<semaphore_mem>>, %arg9: memref<!tpu.dma_semaphore, #tpu.memory_space<semaphore_mem>>, %arg10: memref<!tpu.dma_semaphore, #tpu.memory_space<semaphore_mem>>, %arg11: memref<!tpu.dma_semaphore, #tpu.memory_space<semaphore_mem>>) attributes {dimension_semantics = [#tpu.dimension_semantics<core_parallel>, #tpu.dimension_semantics<subcore_parallel>], iteration_bounds = array<i64: 2, 16>, scalar_prefetch = 0 : i64, scratch_operands = 7 : i64, tpu.core_type = #tpu.core_type<sc_vector_subcore>, window_params = [{transform_indices = #map}, {transform_indices = #map}, {transform_indices = #map1}]} {
    %mul3A = arith.constant 2 : i32
    %mul3A_0 = arith.muli %arg1, %mul3A : i32
    %add3A = arith.addi %mul3A_0, %arg0 : i32
    %jit3A = arith.constant 2 : i32
    %div3A = arith.divsi %add3A, %jit3A : i32
    %sign3A = arith.constant 0 : i32
    %sign3A_1 = arith.cmpi sgt, %add3A, %sign3A : i32
    %sign3A_2 = arith.extui %sign3A_1 : i1 to i32
    %sign3A_3 = arith.constant 0 : i32
    %sign3A_4 = arith.cmpi slt, %add3A, %sign3A_3 : i32
    %sign3A_5 = arith.extui %sign3A_4 : i1 to i32
    %sign3A_6 = arith.subi %sign3A_2, %sign3A_5 : i32
    %sign3A_7 = arith.constant 0 : i32
    %sign3A_8 = arith.cmpi sgt, %jit3A, %sign3A_7 : i32
    %sign3A_9 = arith.extui %sign3A_8 : i1 to i32
    %sign3A_10 = arith.constant 0 : i32
    %sign3A_11 = arith.cmpi slt, %jit3A, %sign3A_10 : i32
    %sign3A_12 = arith.extui %sign3A_11 : i1 to i32
    %sign3A_13 = arith.subi %sign3A_9, %sign3A_12 : i32
    %ne3A = arith.cmpi ne, %sign3A_6, %sign3A_13 : i32
    %rem3A = arith.remsi %add3A, %jit3A : i32
    %ne3A_14 = arith.constant 0 : i32
    %ne3A_15 = arith.cmpi ne, %rem3A, %ne3A_14 : i32
    %and3A = arith.andi %ne3A, %ne3A_15 : i1
    %sub3A = arith.constant 1 : i32
    %sub3A_16 = arith.subi %div3A, %sub3A : i32
    %select_n3A = arith.select %and3A, %sub3A_16, %div3A : i32
    %rem3A_17 = arith.constant 2 : i32
    %rem3A_18 = arith.remsi %add3A, %rem3A_17 : i32
    %mul3A_19 = arith.constant 128 : i32
    %mul3A_20 = arith.muli %add3A, %mul3A_19 : i32
    "tpu.region"() ({
      %run_scoped3A = tpu.sem_alloc : memref<!tpu.dma_semaphore, #tpu.memory_space<semaphore_mem>>
      %dma_start3A_41 = arith.constant 0 : i32
      %dma_start3A_42 = tpu.memref_slice %arg3[%dma_start3A_41, %mul3A_20] : memref<200x4096xi32, #tpu.memory_space<hbm>> -> memref<50x128xi32, #tpu.memory_space<hbm>>
      %dma_start3A_43 = arith.constant 0 : i32
      %dma_start3A_44 = tpu.memref_slice %arg3[%dma_start3A_43, %mul3A_20] : memref<200x4096xi32, #tpu.memory_space<hbm>> -> memref<50x128xi32, #tpu.memory_space<hbm>>
      tpu.enqueue_dma source(%dma_start3A_44 : memref<50x128xi32, #tpu.memory_space<hbm>>) target(%arg5 : memref<50x128xi32, #tpu.memory_space<vmem>>) target_semaphore(%run_scoped3A : memref<!tpu.dma_semaphore, #tpu.memory_space<semaphore_mem>>)
      %dma_wait3A_45 = arith.constant 0 : i32
      %dma_wait3A_46 = tpu.memref_slice %arg3[%dma_wait3A_45, %mul3A_20] : memref<200x4096xi32, #tpu.memory_space<hbm>> -> memref<50x128xi32, #tpu.memory_space<hbm>>
      %dma_wait3A_47 = arith.constant 0 : i32
      %dma_wait3A_48 = tpu.memref_slice %arg3[%dma_wait3A_47, %mul3A_20] : memref<200x4096xi32, #tpu.memory_space<hbm>> -> memref<50x128xi32, #tpu.memory_space<hbm>>
      tpu.wait_dma2 semaphore(%run_scoped3A : memref<!tpu.dma_semaphore, #tpu.memory_space<semaphore_mem>>) src(%dma_wait3A_48 : memref<50x128xi32, #tpu.memory_space<hbm>>) dst(%arg5 : memref<50x128xi32, #tpu.memory_space<vmem>>)
      tpu.yield
    }) : () -> ()
    %dma_start3A = arith.constant 0 : i32
    %dma_start3A_21 = arith.constant 0 : i32
    %dma_start3A_22 = tpu.memref_slice %arg5[%dma_start3A, %dma_start3A_21] : memref<50x128xi32, #tpu.memory_space<vmem>> -> memref<1x128xi32, #tpu.memory_space<vmem>>
    %dma_start3A_23 = tpu.memref_squeeze %dma_start3A_22 : memref<1x128xi32, #tpu.memory_space<vmem>> -> memref<128xi32, #tpu.memory_space<vmem>>
    %dma_start3A_24 = arith.constant 0 : i32
    %dma_start3A_25 = arith.constant 0 : i32
    %dma_start3A_26 = tpu.memref_slice %arg2[%dma_start3A_24, %dma_start3A_25] : memref<100000x64xf32, #tpu.memory_space<hbm>> -> memref<100000x64xf32, #tpu.memory_space<hbm>>
    tpu.enqueue_indirect_dma source(%dma_start3A_26 : memref<100000x64xf32, #tpu.memory_space<hbm>>) target(%arg6 : memref<128x64xf32, #tpu.memory_space<vmem>>) offsets(%dma_start3A_23 : memref<128xi32, #tpu.memory_space<vmem>>) semaphore(%arg8 : memref<!tpu.dma_semaphore, #tpu.memory_space<semaphore_mem>>)
    %scan3A = arith.constant 0 : i32
    %scan3A_27 = arith.constant 1 : i32
    %scan3A_28 = arith.constant 50 : i32
    %scan3A_29 = arith.addi %scan3A_27, %scan3A_28 : i32
    %scan3A_30 = arith.constant 1 : i32
    scf.for %scan3A_41 = %scan3A_27 to %scan3A_29 step %scan3A_30  : i32 {
      %rem3A_42 = arith.constant 2 : i32
      %rem3A_43 = arith.remsi %scan3A_41, %rem3A_42 : i32
      %eq3A = arith.constant 0 : i32
      %eq3A_44 = arith.cmpi eq, %rem3A_43, %eq3A : i32
      %convert_element_type3A = arith.extui %eq3A_44 : i1 to i32
      %cond3A = arith.constant 0 : i32
      %cond3A_45 = arith.cmpi ne, %convert_element_type3A, %cond3A : i32
      scf.if %cond3A_45 {
        %ge3A = arith.constant 2 : i32
        %ge3A_51 = arith.cmpi sge, %scan3A_41, %ge3A : i32
        %convert_element_type3A_52 = arith.extui %ge3A_51 : i1 to i32
        %cond3A_53 = arith.constant 0 : i32
        %cond3A_54 = arith.cmpi ne, %convert_element_type3A_52, %cond3A_53 : i32
        scf.if %cond3A_54 {
          %dma_wait3A_79 = arith.constant 0 : i32
          %dma_wait3A_80 = arith.constant 0 : i32
          %dma_wait3A_81 = arith.constant 0 : i32
          %dma_wait3A_82 = arith.constant 0 : i32
          %dma_wait3A_83 = tpu.memref_slice %arg4[%dma_wait3A_79, %dma_wait3A_80, %dma_wait3A_81, %dma_wait3A_82] : memref<800x2x128x64xf32, #tpu.memory_space<hbm>> -> memref<1x1x128x64xf32, #tpu.memory_space<hbm>>
          %dma_wait3A_84 = tpu.memref_squeeze %dma_wait3A_83 : memref<1x1x128x64xf32, #tpu.memory_space<hbm>> -> memref<128x64xf32, #tpu.memory_space<hbm>>
          %dma_wait3A_85 = arith.constant 0 : i32
          %dma_wait3A_86 = arith.constant 0 : i32
          %dma_wait3A_87 = tpu.memref_slice %arg4[%dma_wait3A_79, %dma_wait3A_80, %dma_wait3A_85, %dma_wait3A_86] : memref<800x2x128x64xf32, #tpu.memory_space<hbm>> -> memref<1x1x128x64xf32, #tpu.memory_space<hbm>>
          %dma_wait3A_88 = tpu.memref_squeeze %dma_wait3A_87 : memref<1x1x128x64xf32, #tpu.memory_space<hbm>> -> memref<128x64xf32, #tpu.memory_space<hbm>>
          tpu.wait_dma2 semaphore(%arg10 : memref<!tpu.dma_semaphore, #tpu.memory_space<semaphore_mem>>) src(%arg6 : memref<128x64xf32, #tpu.memory_space<vmem>>) dst(%dma_wait3A_88 : memref<128x64xf32, #tpu.memory_space<hbm>>)
        } else {
        }
        %lt3A = arith.constant 50 : i32
        %lt3A_55 = arith.cmpi slt, %scan3A_41, %lt3A : i32
        %convert_element_type3A_56 = arith.extui %lt3A_55 : i1 to i32
        %cond3A_57 = arith.constant 0 : i32
        %cond3A_58 = arith.cmpi ne, %convert_element_type3A_56, %cond3A_57 : i32
        scf.if %cond3A_58 {
          %dma_start3A_79 = arith.constant 0 : i32
          %dma_start3A_80 = tpu.memref_slice %arg5[%scan3A_41, %dma_start3A_79] : memref<50x128xi32, #tpu.memory_space<vmem>> -> memref<1x128xi32, #tpu.memory_space<vmem>>
          %dma_start3A_81 = tpu.memref_squeeze %dma_start3A_80 : memref<1x128xi32, #tpu.memory_space<vmem>> -> memref<128xi32, #tpu.memory_space<vmem>>
          %dma_start3A_82 = arith.constant 0 : i32
          %dma_start3A_83 = arith.constant 0 : i32
          %dma_start3A_84 = tpu.memref_slice %arg2[%dma_start3A_82, %dma_start3A_83] : memref<100000x64xf32, #tpu.memory_space<hbm>> -> memref<100000x64xf32, #tpu.memory_space<hbm>>
          tpu.enqueue_indirect_dma source(%dma_start3A_84 : memref<100000x64xf32, #tpu.memory_space<hbm>>) target(%arg6 : memref<128x64xf32, #tpu.memory_space<vmem>>) offsets(%dma_start3A_81 : memref<128xi32, #tpu.memory_space<vmem>>) semaphore(%arg8 : memref<!tpu.dma_semaphore, #tpu.memory_space<semaphore_mem>>)
        } else {
        }
        %dma_wait3A_59 = arith.constant 0 : i32
        %dma_wait3A_60 = arith.constant 0 : i32
        %dma_wait3A_61 = tpu.memref_slice %arg5[%dma_wait3A_59, %dma_wait3A_60] : memref<50x128xi32, #tpu.memory_space<vmem>> -> memref<1x128xi32, #tpu.memory_space<vmem>>
        %dma_wait3A_62 = tpu.memref_squeeze %dma_wait3A_61 : memref<1x128xi32, #tpu.memory_space<vmem>> -> memref<128xi32, #tpu.memory_space<vmem>>
        %dma_wait3A_63 = arith.constant 0 : i32
        %dma_wait3A_64 = arith.constant 0 : i32
        %dma_wait3A_65 = tpu.memref_slice %arg2[%dma_wait3A_63, %dma_wait3A_64] : memref<100000x64xf32, #tpu.memory_space<hbm>> -> memref<100000x64xf32, #tpu.memory_space<hbm>>
        tpu.wait_indirect_dma semaphore(%arg9 : memref<!tpu.dma_semaphore, #tpu.memory_space<semaphore_mem>>) src(%dma_wait3A_65 : memref<100000x64xf32, #tpu.memory_space<hbm>>) dst(%arg7 : memref<128x64xf32, #tpu.memory_space<vmem>>)
        %sub3A_66 = arith.constant 1 : i32
        %sub3A_67 = arith.subi %scan3A_41, %sub3A_66 : i32
        %mul3A_68 = arith.constant 16 : i32
        %mul3A_69 = arith.muli %sub3A_67, %mul3A_68 : i32
        %add3A_70 = arith.addi %mul3A_69, %select_n3A : i32
        %dma_start3A_71 = arith.constant 0 : i32
        %dma_start3A_72 = arith.constant 0 : i32
        %dma_start3A_73 = tpu.memref_slice %arg4[%add3A_70, %rem3A_18, %dma_start3A_71, %dma_start3A_72] : memref<800x2x128x64xf32, #tpu.memory_space<hbm>> -> memref<1x1x128x64xf32, #tpu.memory_space<hbm>>
        %dma_start3A_74 = tpu.memref_squeeze %dma_start3A_73 : memref<1x1x128x64xf32, #tpu.memory_space<hbm>> -> memref<128x64xf32, #tpu.memory_space<hbm>>
        %dma_start3A_75 = arith.constant 0 : i32
        %dma_start3A_76 = arith.constant 0 : i32
        %dma_start3A_77 = tpu.memref_slice %arg4[%add3A_70, %rem3A_18, %dma_start3A_75, %dma_start3A_76] : memref<800x2x128x64xf32, #tpu.memory_space<hbm>> -> memref<1x1x128x64xf32, #tpu.memory_space<hbm>>
        %dma_start3A_78 = tpu.memref_squeeze %dma_start3A_77 : memref<1x1x128x64xf32, #tpu.memory_space<hbm>> -> memref<128x64xf32, #tpu.memory_space<hbm>>
        tpu.enqueue_dma source(%arg7 : memref<128x64xf32, #tpu.memory_space<vmem>>) target(%dma_start3A_78 : memref<128x64xf32, #tpu.memory_space<hbm>>) target_semaphore(%arg11 : memref<!tpu.dma_semaphore, #tpu.memory_space<semaphore_mem>>)
      } else {
      }
      %eq3A_46 = arith.constant 1 : i32
      %eq3A_47 = arith.cmpi eq, %rem3A_43, %eq3A_46 : i32
      %convert_element_type3A_48 = arith.extui %eq3A_47 : i1 to i32
      %cond3A_49 = arith.constant 0 : i32
      %cond3A_50 = arith.cmpi ne, %convert_element_type3A_48, %cond3A_49 : i32
      scf.if %cond3A_50 {
        %ge3A = arith.constant 2 : i32
        %ge3A_51 = arith.cmpi sge, %scan3A_41, %ge3A : i32
        %convert_element_type3A_52 = arith.extui %ge3A_51 : i1 to i32
        %cond3A_53 = arith.constant 0 : i32
        %cond3A_54 = arith.cmpi ne, %convert_element_type3A_52, %cond3A_53 : i32
        scf.if %cond3A_54 {
          %dma_wait3A_79 = arith.constant 0 : i32
          %dma_wait3A_80 = arith.constant 0 : i32
          %dma_wait3A_81 = arith.constant 0 : i32
          %dma_wait3A_82 = arith.constant 0 : i32
          %dma_wait3A_83 = tpu.memref_slice %arg4[%dma_wait3A_79, %dma_wait3A_80, %dma_wait3A_81, %dma_wait3A_82] : memref<800x2x128x64xf32, #tpu.memory_space<hbm>> -> memref<1x1x128x64xf32, #tpu.memory_space<hbm>>
          %dma_wait3A_84 = tpu.memref_squeeze %dma_wait3A_83 : memref<1x1x128x64xf32, #tpu.memory_space<hbm>> -> memref<128x64xf32, #tpu.memory_space<hbm>>
          %dma_wait3A_85 = arith.constant 0 : i32
          %dma_wait3A_86 = arith.constant 0 : i32
          %dma_wait3A_87 = tpu.memref_slice %arg4[%dma_wait3A_79, %dma_wait3A_80, %dma_wait3A_85, %dma_wait3A_86] : memref<800x2x128x64xf32, #tpu.memory_space<hbm>> -> memref<1x1x128x64xf32, #tpu.memory_space<hbm>>
          %dma_wait3A_88 = tpu.memref_squeeze %dma_wait3A_87 : memref<1x1x128x64xf32, #tpu.memory_space<hbm>> -> memref<128x64xf32, #tpu.memory_space<hbm>>
          tpu.wait_dma2 semaphore(%arg11 : memref<!tpu.dma_semaphore, #tpu.memory_space<semaphore_mem>>) src(%arg7 : memref<128x64xf32, #tpu.memory_space<vmem>>) dst(%dma_wait3A_88 : memref<128x64xf32, #tpu.memory_space<hbm>>)
        } else {
        }
        %lt3A = arith.constant 50 : i32
        %lt3A_55 = arith.cmpi slt, %scan3A_41, %lt3A : i32
        %convert_element_type3A_56 = arith.extui %lt3A_55 : i1 to i32
        %cond3A_57 = arith.constant 0 : i32
        %cond3A_58 = arith.cmpi ne, %convert_element_type3A_56, %cond3A_57 : i32
        scf.if %cond3A_58 {
          %dma_start3A_79 = arith.constant 0 : i32
          %dma_start3A_80 = tpu.memref_slice %arg5[%scan3A_41, %dma_start3A_79] : memref<50x128xi32, #tpu.memory_space<vmem>> -> memref<1x128xi32, #tpu.memory_space<vmem>>
          %dma_start3A_81 = tpu.memref_squeeze %dma_start3A_80 : memref<1x128xi32, #tpu.memory_space<vmem>> -> memref<128xi32, #tpu.memory_space<vmem>>
          %dma_start3A_82 = arith.constant 0 : i32
          %dma_start3A_83 = arith.constant 0 : i32
          %dma_start3A_84 = tpu.memref_slice %arg2[%dma_start3A_82, %dma_start3A_83] : memref<100000x64xf32, #tpu.memory_space<hbm>> -> memref<100000x64xf32, #tpu.memory_space<hbm>>
          tpu.enqueue_indirect_dma source(%dma_start3A_84 : memref<100000x64xf32, #tpu.memory_space<hbm>>) target(%arg7 : memref<128x64xf32, #tpu.memory_space<vmem>>) offsets(%dma_start3A_81 : memref<128xi32, #tpu.memory_space<vmem>>) semaphore(%arg9 : memref<!tpu.dma_semaphore, #tpu.memory_space<semaphore_mem>>)
        } else {
        }
        %dma_wait3A_59 = arith.constant 0 : i32
        %dma_wait3A_60 = arith.constant 0 : i32
        %dma_wait3A_61 = tpu.memref_slice %arg5[%dma_wait3A_59, %dma_wait3A_60] : memref<50x128xi32, #tpu.memory_space<vmem>> -> memref<1x128xi32, #tpu.memory_space<vmem>>
        %dma_wait3A_62 = tpu.memref_squeeze %dma_wait3A_61 : memref<1x128xi32, #tpu.memory_space<vmem>> -> memref<128xi32, #tpu.memory_space<vmem>>
        %dma_wait3A_63 = arith.constant 0 : i32
        %dma_wait3A_64 = arith.constant 0 : i32
        %dma_wait3A_65 = tpu.memref_slice %arg2[%dma_wait3A_63, %dma_wait3A_64] : memref<100000x64xf32, #tpu.memory_space<hbm>> -> memref<100000x64xf32, #tpu.memory_space<hbm>>
        tpu.wait_indirect_dma semaphore(%arg8 : memref<!tpu.dma_semaphore, #tpu.memory_space<semaphore_mem>>) src(%dma_wait3A_65 : memref<100000x64xf32, #tpu.memory_space<hbm>>) dst(%arg6 : memref<128x64xf32, #tpu.memory_space<vmem>>)
        %sub3A_66 = arith.constant 1 : i32
        %sub3A_67 = arith.subi %scan3A_41, %sub3A_66 : i32
        %mul3A_68 = arith.constant 16 : i32
        %mul3A_69 = arith.muli %sub3A_67, %mul3A_68 : i32
        %add3A_70 = arith.addi %mul3A_69, %select_n3A : i32
        %dma_start3A_71 = arith.constant 0 : i32
        %dma_start3A_72 = arith.constant 0 : i32
        %dma_start3A_73 = tpu.memref_slice %arg4[%add3A_70, %rem3A_18, %dma_start3A_71, %dma_start3A_72] : memref<800x2x128x64xf32, #tpu.memory_space<hbm>> -> memref<1x1x128x64xf32, #tpu.memory_space<hbm>>
        %dma_start3A_74 = tpu.memref_squeeze %dma_start3A_73 : memref<1x1x128x64xf32, #tpu.memory_space<hbm>> -> memref<128x64xf32, #tpu.memory_space<hbm>>
        %dma_start3A_75 = arith.constant 0 : i32
        %dma_start3A_76 = arith.constant 0 : i32
        %dma_start3A_77 = tpu.memref_slice %arg4[%add3A_70, %rem3A_18, %dma_start3A_75, %dma_start3A_76] : memref<800x2x128x64xf32, #tpu.memory_space<hbm>> -> memref<1x1x128x64xf32, #tpu.memory_space<hbm>>
        %dma_start3A_78 = tpu.memref_squeeze %dma_start3A_77 : memref<1x1x128x64xf32, #tpu.memory_space<hbm>> -> memref<128x64xf32, #tpu.memory_space<hbm>>
        tpu.enqueue_dma source(%arg6 : memref<128x64xf32, #tpu.memory_space<vmem>>) target(%dma_start3A_78 : memref<128x64xf32, #tpu.memory_space<hbm>>) target_semaphore(%arg10 : memref<!tpu.dma_semaphore, #tpu.memory_space<semaphore_mem>>)
      } else {
      }
    }
    %scan3A_31 = arith.constant 50 : i32
    %dma_wait3A = arith.constant 0 : i32
    %dma_wait3A_32 = arith.constant 0 : i32
    %dma_wait3A_33 = arith.constant 0 : i32
    %dma_wait3A_34 = arith.constant 0 : i32
    %dma_wait3A_35 = tpu.memref_slice %arg4[%dma_wait3A, %dma_wait3A_32, %dma_wait3A_33, %dma_wait3A_34] : memref<800x2x128x64xf32, #tpu.memory_space<hbm>> -> memref<1x1x128x64xf32, #tpu.memory_space<hbm>>
    %dma_wait3A_36 = tpu.memref_squeeze %dma_wait3A_35 : memref<1x1x128x64xf32, #tpu.memory_space<hbm>> -> memref<128x64xf32, #tpu.memory_space<hbm>>
    %dma_wait3A_37 = arith.constant 0 : i32
    %dma_wait3A_38 = arith.constant 0 : i32
    %dma_wait3A_39 = tpu.memref_slice %arg4[%dma_wait3A, %dma_wait3A_32, %dma_wait3A_37, %dma_wait3A_38] : memref<800x2x128x64xf32, #tpu.memory_space<hbm>> -> memref<1x1x128x64xf32, #tpu.memory_space<hbm>>
    %dma_wait3A_40 = tpu.memref_squeeze %dma_wait3A_39 : memref<1x1x128x64xf32, #tpu.memory_space<hbm>> -> memref<128x64xf32, #tpu.memory_space<hbm>>
    tpu.wait_dma2 semaphore(%arg11 : memref<!tpu.dma_semaphore, #tpu.memory_space<semaphore_mem>>) src(%arg7 : memref<128x64xf32, #tpu.memory_space<vmem>>) dst(%dma_wait3A_40 : memref<128x64xf32, #tpu.memory_space<hbm>>)
    return
  }
}

#map = affine_map<(d0, d1) -> (0, 0)>
#map1 = affine_map<(d0, d1) -> (0, 0, 0, 0)>
module attributes {stable_mosaic.version = 14 : i64} {
  func.func @_gather_body(%arg0: i32, %arg1: i32, %arg2: memref<100000x64xf32, #tpu.memory_space<hbm>>, %arg3: memref<200x4096xi32, #tpu.memory_space<hbm>>, %arg4: memref<800x2x128x64xf32, #tpu.memory_space<hbm>>, %arg5: memref<50x128xi32, #tpu.memory_space<vmem>>, %arg6: memref<128x64xf32, #tpu.memory_space<vmem>>, %arg7: memref<128x64xf32, #tpu.memory_space<vmem>>, %arg8: memref<!tpu.dma_semaphore, #tpu.memory_space<semaphore_mem>>, %arg9: memref<!tpu.dma_semaphore, #tpu.memory_space<semaphore_mem>>, %arg10: memref<!tpu.dma_semaphore, #tpu.memory_space<semaphore_mem>>, %arg11: memref<!tpu.dma_semaphore, #tpu.memory_space<semaphore_mem>>) attributes {dimension_semantics = [#tpu.dimension_semantics<core_parallel>, #tpu.dimension_semantics<subcore_parallel>], iteration_bounds = array<i64: 2, 16>, scalar_prefetch = 0 : i64, scratch_operands = 7 : i64, tpu.core_type = #tpu.core_type<sc_vector_subcore>, window_params = [{transform_indices = #map}, {transform_indices = #map}, {transform_indices = #map1}]} {
    %mul3A = arith.constant 2 : i32
    %mul3A_0 = arith.muli %arg1, %mul3A : i32
    %add3A = arith.addi %mul3A_0, %arg0 : i32
    %jit3A = arith.constant 2 : i32
    %div3A = arith.divsi %add3A, %jit3A : i32
    %sign3A = arith.constant 0 : i32
    %sign3A_1 = arith.cmpi sgt, %add3A, %sign3A : i32
    %sign3A_2 = arith.extui %sign3A_1 : i1 to i32
    %sign3A_3 = arith.constant 0 : i32
    %sign3A_4 = arith.cmpi slt, %add3A, %sign3A_3 : i32
    %sign3A_5 = arith.extui %sign3A_4 : i1 to i32
    %sign3A_6 = arith.subi %sign3A_2, %sign3A_5 : i32
    %sign3A_7 = arith.constant 0 : i32
    %sign3A_8 = arith.cmpi sgt, %jit3A, %sign3A_7 : i32
    %sign3A_9 = arith.extui %sign3A_8 : i1 to i32
    %sign3A_10 = arith.constant 0 : i32
    %sign3A_11 = arith.cmpi slt, %jit3A, %sign3A_10 : i32
    %sign3A_12 = arith.extui %sign3A_11 : i1 to i32
    %sign3A_13 = arith.subi %sign3A_9, %sign3A_12 : i32
    %ne3A = arith.cmpi ne, %sign3A_6, %sign3A_13 : i32
    %rem3A = arith.remsi %add3A, %jit3A : i32
    %ne3A_14 = arith.constant 0 : i32
    %ne3A_15 = arith.cmpi ne, %rem3A, %ne3A_14 : i32
    %and3A = arith.andi %ne3A, %ne3A_15 : i1
    %sub3A = arith.constant 1 : i32
    %sub3A_16 = arith.subi %div3A, %sub3A : i32
    %select_n3A = arith.select %and3A, %sub3A_16, %div3A : i32
    %rem3A_17 = arith.constant 2 : i32
    %rem3A_18 = arith.remsi %add3A, %rem3A_17 : i32
    %mul3A_19 = arith.constant 128 : i32
    %mul3A_20 = arith.muli %add3A, %mul3A_19 : i32
    "tpu.region"() ({
      %run_scoped3A = tpu.sem_alloc : memref<!tpu.dma_semaphore, #tpu.memory_space<semaphore_mem>>
      %dma_start3A_41 = arith.constant 100 : i32
      %dma_start3A_42 = tpu.memref_slice %arg3[%dma_start3A_41, %mul3A_20] : memref<200x4096xi32, #tpu.memory_space<hbm>> -> memref<50x128xi32, #tpu.memory_space<hbm>>
      %dma_start3A_43 = arith.constant 100 : i32
      %dma_start3A_44 = tpu.memref_slice %arg3[%dma_start3A_43, %mul3A_20] : memref<200x4096xi32, #tpu.memory_space<hbm>> -> memref<50x128xi32, #tpu.memory_space<hbm>>
      tpu.enqueue_dma source(%dma_start3A_44 : memref<50x128xi32, #tpu.memory_space<hbm>>) target(%arg5 : memref<50x128xi32, #tpu.memory_space<vmem>>) target_semaphore(%run_scoped3A : memref<!tpu.dma_semaphore, #tpu.memory_space<semaphore_mem>>)
      %dma_wait3A_45 = arith.constant 100 : i32
      %dma_wait3A_46 = tpu.memref_slice %arg3[%dma_wait3A_45, %mul3A_20] : memref<200x4096xi32, #tpu.memory_space<hbm>> -> memref<50x128xi32, #tpu.memory_space<hbm>>
      %dma_wait3A_47 = arith.constant 100 : i32
      %dma_wait3A_48 = tpu.memref_slice %arg3[%dma_wait3A_47, %mul3A_20] : memref<200x4096xi32, #tpu.memory_space<hbm>> -> memref<50x128xi32, #tpu.memory_space<hbm>>
      tpu.wait_dma2 semaphore(%run_scoped3A : memref<!tpu.dma_semaphore, #tpu.memory_space<semaphore_mem>>) src(%dma_wait3A_48 : memref<50x128xi32, #tpu.memory_space<hbm>>) dst(%arg5 : memref<50x128xi32, #tpu.memory_space<vmem>>)
      tpu.yield
    }) : () -> ()
    %dma_start3A = arith.constant 0 : i32
    %dma_start3A_21 = arith.constant 0 : i32
    %dma_start3A_22 = tpu.memref_slice %arg5[%dma_start3A, %dma_start3A_21] : memref<50x128xi32, #tpu.memory_space<vmem>> -> memref<1x128xi32, #tpu.memory_space<vmem>>
    %dma_start3A_23 = tpu.memref_squeeze %dma_start3A_22 : memref<1x128xi32, #tpu.memory_space<vmem>> -> memref<128xi32, #tpu.memory_space<vmem>>
    %dma_start3A_24 = arith.constant 0 : i32
    %dma_start3A_25 = arith.constant 0 : i32
    %dma_start3A_26 = tpu.memref_slice %arg2[%dma_start3A_24, %dma_start3A_25] : memref<100000x64xf32, #tpu.memory_space<hbm>> -> memref<100000x64xf32, #tpu.memory_space<hbm>>
    tpu.enqueue_indirect_dma source(%dma_start3A_26 : memref<100000x64xf32, #tpu.memory_space<hbm>>) target(%arg6 : memref<128x64xf32, #tpu.memory_space<vmem>>) offsets(%dma_start3A_23 : memref<128xi32, #tpu.memory_space<vmem>>) semaphore(%arg8 : memref<!tpu.dma_semaphore, #tpu.memory_space<semaphore_mem>>)
    %scan3A = arith.constant 0 : i32
    %scan3A_27 = arith.constant 1 : i32
    %scan3A_28 = arith.constant 50 : i32
    %scan3A_29 = arith.addi %scan3A_27, %scan3A_28 : i32
    %scan3A_30 = arith.constant 1 : i32
    scf.for %scan3A_41 = %scan3A_27 to %scan3A_29 step %scan3A_30  : i32 {
      %rem3A_42 = arith.constant 2 : i32
      %rem3A_43 = arith.remsi %scan3A_41, %rem3A_42 : i32
      %eq3A = arith.constant 0 : i32
      %eq3A_44 = arith.cmpi eq, %rem3A_43, %eq3A : i32
      %convert_element_type3A = arith.extui %eq3A_44 : i1 to i32
      %cond3A = arith.constant 0 : i32
      %cond3A_45 = arith.cmpi ne, %convert_element_type3A, %cond3A : i32
      scf.if %cond3A_45 {
        %ge3A = arith.constant 2 : i32
        %ge3A_51 = arith.cmpi sge, %scan3A_41, %ge3A : i32
        %convert_element_type3A_52 = arith.extui %ge3A_51 : i1 to i32
        %cond3A_53 = arith.constant 0 : i32
        %cond3A_54 = arith.cmpi ne, %convert_element_type3A_52, %cond3A_53 : i32
        scf.if %cond3A_54 {
          %dma_wait3A_79 = arith.constant 0 : i32
          %dma_wait3A_80 = arith.constant 0 : i32
          %dma_wait3A_81 = arith.constant 0 : i32
          %dma_wait3A_82 = arith.constant 0 : i32
          %dma_wait3A_83 = tpu.memref_slice %arg4[%dma_wait3A_79, %dma_wait3A_80, %dma_wait3A_81, %dma_wait3A_82] : memref<800x2x128x64xf32, #tpu.memory_space<hbm>> -> memref<1x1x128x64xf32, #tpu.memory_space<hbm>>
          %dma_wait3A_84 = tpu.memref_squeeze %dma_wait3A_83 : memref<1x1x128x64xf32, #tpu.memory_space<hbm>> -> memref<128x64xf32, #tpu.memory_space<hbm>>
          %dma_wait3A_85 = arith.constant 0 : i32
          %dma_wait3A_86 = arith.constant 0 : i32
          %dma_wait3A_87 = tpu.memref_slice %arg4[%dma_wait3A_79, %dma_wait3A_80, %dma_wait3A_85, %dma_wait3A_86] : memref<800x2x128x64xf32, #tpu.memory_space<hbm>> -> memref<1x1x128x64xf32, #tpu.memory_space<hbm>>
          %dma_wait3A_88 = tpu.memref_squeeze %dma_wait3A_87 : memref<1x1x128x64xf32, #tpu.memory_space<hbm>> -> memref<128x64xf32, #tpu.memory_space<hbm>>
          tpu.wait_dma2 semaphore(%arg10 : memref<!tpu.dma_semaphore, #tpu.memory_space<semaphore_mem>>) src(%arg6 : memref<128x64xf32, #tpu.memory_space<vmem>>) dst(%dma_wait3A_88 : memref<128x64xf32, #tpu.memory_space<hbm>>)
        } else {
        }
        %lt3A = arith.constant 50 : i32
        %lt3A_55 = arith.cmpi slt, %scan3A_41, %lt3A : i32
        %convert_element_type3A_56 = arith.extui %lt3A_55 : i1 to i32
        %cond3A_57 = arith.constant 0 : i32
        %cond3A_58 = arith.cmpi ne, %convert_element_type3A_56, %cond3A_57 : i32
        scf.if %cond3A_58 {
          %dma_start3A_79 = arith.constant 0 : i32
          %dma_start3A_80 = tpu.memref_slice %arg5[%scan3A_41, %dma_start3A_79] : memref<50x128xi32, #tpu.memory_space<vmem>> -> memref<1x128xi32, #tpu.memory_space<vmem>>
          %dma_start3A_81 = tpu.memref_squeeze %dma_start3A_80 : memref<1x128xi32, #tpu.memory_space<vmem>> -> memref<128xi32, #tpu.memory_space<vmem>>
          %dma_start3A_82 = arith.constant 0 : i32
          %dma_start3A_83 = arith.constant 0 : i32
          %dma_start3A_84 = tpu.memref_slice %arg2[%dma_start3A_82, %dma_start3A_83] : memref<100000x64xf32, #tpu.memory_space<hbm>> -> memref<100000x64xf32, #tpu.memory_space<hbm>>
          tpu.enqueue_indirect_dma source(%dma_start3A_84 : memref<100000x64xf32, #tpu.memory_space<hbm>>) target(%arg6 : memref<128x64xf32, #tpu.memory_space<vmem>>) offsets(%dma_start3A_81 : memref<128xi32, #tpu.memory_space<vmem>>) semaphore(%arg8 : memref<!tpu.dma_semaphore, #tpu.memory_space<semaphore_mem>>)
        } else {
        }
        %dma_wait3A_59 = arith.constant 0 : i32
        %dma_wait3A_60 = arith.constant 0 : i32
        %dma_wait3A_61 = tpu.memref_slice %arg5[%dma_wait3A_59, %dma_wait3A_60] : memref<50x128xi32, #tpu.memory_space<vmem>> -> memref<1x128xi32, #tpu.memory_space<vmem>>
        %dma_wait3A_62 = tpu.memref_squeeze %dma_wait3A_61 : memref<1x128xi32, #tpu.memory_space<vmem>> -> memref<128xi32, #tpu.memory_space<vmem>>
        %dma_wait3A_63 = arith.constant 0 : i32
        %dma_wait3A_64 = arith.constant 0 : i32
        %dma_wait3A_65 = tpu.memref_slice %arg2[%dma_wait3A_63, %dma_wait3A_64] : memref<100000x64xf32, #tpu.memory_space<hbm>> -> memref<100000x64xf32, #tpu.memory_space<hbm>>
        tpu.wait_indirect_dma semaphore(%arg9 : memref<!tpu.dma_semaphore, #tpu.memory_space<semaphore_mem>>) src(%dma_wait3A_65 : memref<100000x64xf32, #tpu.memory_space<hbm>>) dst(%arg7 : memref<128x64xf32, #tpu.memory_space<vmem>>)
        %sub3A_66 = arith.constant 1 : i32
        %sub3A_67 = arith.subi %scan3A_41, %sub3A_66 : i32
        %mul3A_68 = arith.constant 16 : i32
        %mul3A_69 = arith.muli %sub3A_67, %mul3A_68 : i32
        %add3A_70 = arith.addi %mul3A_69, %select_n3A : i32
        %dma_start3A_71 = arith.constant 0 : i32
        %dma_start3A_72 = arith.constant 0 : i32
        %dma_start3A_73 = tpu.memref_slice %arg4[%add3A_70, %rem3A_18, %dma_start3A_71, %dma_start3A_72] : memref<800x2x128x64xf32, #tpu.memory_space<hbm>> -> memref<1x1x128x64xf32, #tpu.memory_space<hbm>>
        %dma_start3A_74 = tpu.memref_squeeze %dma_start3A_73 : memref<1x1x128x64xf32, #tpu.memory_space<hbm>> -> memref<128x64xf32, #tpu.memory_space<hbm>>
        %dma_start3A_75 = arith.constant 0 : i32
        %dma_start3A_76 = arith.constant 0 : i32
        %dma_start3A_77 = tpu.memref_slice %arg4[%add3A_70, %rem3A_18, %dma_start3A_75, %dma_start3A_76] : memref<800x2x128x64xf32, #tpu.memory_space<hbm>> -> memref<1x1x128x64xf32, #tpu.memory_space<hbm>>
        %dma_start3A_78 = tpu.memref_squeeze %dma_start3A_77 : memref<1x1x128x64xf32, #tpu.memory_space<hbm>> -> memref<128x64xf32, #tpu.memory_space<hbm>>
        tpu.enqueue_dma source(%arg7 : memref<128x64xf32, #tpu.memory_space<vmem>>) target(%dma_start3A_78 : memref<128x64xf32, #tpu.memory_space<hbm>>) target_semaphore(%arg11 : memref<!tpu.dma_semaphore, #tpu.memory_space<semaphore_mem>>)
      } else {
      }
      %eq3A_46 = arith.constant 1 : i32
      %eq3A_47 = arith.cmpi eq, %rem3A_43, %eq3A_46 : i32
      %convert_element_type3A_48 = arith.extui %eq3A_47 : i1 to i32
      %cond3A_49 = arith.constant 0 : i32
      %cond3A_50 = arith.cmpi ne, %convert_element_type3A_48, %cond3A_49 : i32
      scf.if %cond3A_50 {
        %ge3A = arith.constant 2 : i32
        %ge3A_51 = arith.cmpi sge, %scan3A_41, %ge3A : i32
        %convert_element_type3A_52 = arith.extui %ge3A_51 : i1 to i32
        %cond3A_53 = arith.constant 0 : i32
        %cond3A_54 = arith.cmpi ne, %convert_element_type3A_52, %cond3A_53 : i32
        scf.if %cond3A_54 {
          %dma_wait3A_79 = arith.constant 0 : i32
          %dma_wait3A_80 = arith.constant 0 : i32
          %dma_wait3A_81 = arith.constant 0 : i32
          %dma_wait3A_82 = arith.constant 0 : i32
          %dma_wait3A_83 = tpu.memref_slice %arg4[%dma_wait3A_79, %dma_wait3A_80, %dma_wait3A_81, %dma_wait3A_82] : memref<800x2x128x64xf32, #tpu.memory_space<hbm>> -> memref<1x1x128x64xf32, #tpu.memory_space<hbm>>
          %dma_wait3A_84 = tpu.memref_squeeze %dma_wait3A_83 : memref<1x1x128x64xf32, #tpu.memory_space<hbm>> -> memref<128x64xf32, #tpu.memory_space<hbm>>
          %dma_wait3A_85 = arith.constant 0 : i32
          %dma_wait3A_86 = arith.constant 0 : i32
          %dma_wait3A_87 = tpu.memref_slice %arg4[%dma_wait3A_79, %dma_wait3A_80, %dma_wait3A_85, %dma_wait3A_86] : memref<800x2x128x64xf32, #tpu.memory_space<hbm>> -> memref<1x1x128x64xf32, #tpu.memory_space<hbm>>
          %dma_wait3A_88 = tpu.memref_squeeze %dma_wait3A_87 : memref<1x1x128x64xf32, #tpu.memory_space<hbm>> -> memref<128x64xf32, #tpu.memory_space<hbm>>
          tpu.wait_dma2 semaphore(%arg11 : memref<!tpu.dma_semaphore, #tpu.memory_space<semaphore_mem>>) src(%arg7 : memref<128x64xf32, #tpu.memory_space<vmem>>) dst(%dma_wait3A_88 : memref<128x64xf32, #tpu.memory_space<hbm>>)
        } else {
        }
        %lt3A = arith.constant 50 : i32
        %lt3A_55 = arith.cmpi slt, %scan3A_41, %lt3A : i32
        %convert_element_type3A_56 = arith.extui %lt3A_55 : i1 to i32
        %cond3A_57 = arith.constant 0 : i32
        %cond3A_58 = arith.cmpi ne, %convert_element_type3A_56, %cond3A_57 : i32
        scf.if %cond3A_58 {
          %dma_start3A_79 = arith.constant 0 : i32
          %dma_start3A_80 = tpu.memref_slice %arg5[%scan3A_41, %dma_start3A_79] : memref<50x128xi32, #tpu.memory_space<vmem>> -> memref<1x128xi32, #tpu.memory_space<vmem>>
          %dma_start3A_81 = tpu.memref_squeeze %dma_start3A_80 : memref<1x128xi32, #tpu.memory_space<vmem>> -> memref<128xi32, #tpu.memory_space<vmem>>
          %dma_start3A_82 = arith.constant 0 : i32
          %dma_start3A_83 = arith.constant 0 : i32
          %dma_start3A_84 = tpu.memref_slice %arg2[%dma_start3A_82, %dma_start3A_83] : memref<100000x64xf32, #tpu.memory_space<hbm>> -> memref<100000x64xf32, #tpu.memory_space<hbm>>
          tpu.enqueue_indirect_dma source(%dma_start3A_84 : memref<100000x64xf32, #tpu.memory_space<hbm>>) target(%arg7 : memref<128x64xf32, #tpu.memory_space<vmem>>) offsets(%dma_start3A_81 : memref<128xi32, #tpu.memory_space<vmem>>) semaphore(%arg9 : memref<!tpu.dma_semaphore, #tpu.memory_space<semaphore_mem>>)
        } else {
        }
        %dma_wait3A_59 = arith.constant 0 : i32
        %dma_wait3A_60 = arith.constant 0 : i32
        %dma_wait3A_61 = tpu.memref_slice %arg5[%dma_wait3A_59, %dma_wait3A_60] : memref<50x128xi32, #tpu.memory_space<vmem>> -> memref<1x128xi32, #tpu.memory_space<vmem>>
        %dma_wait3A_62 = tpu.memref_squeeze %dma_wait3A_61 : memref<1x128xi32, #tpu.memory_space<vmem>> -> memref<128xi32, #tpu.memory_space<vmem>>
        %dma_wait3A_63 = arith.constant 0 : i32
        %dma_wait3A_64 = arith.constant 0 : i32
        %dma_wait3A_65 = tpu.memref_slice %arg2[%dma_wait3A_63, %dma_wait3A_64] : memref<100000x64xf32, #tpu.memory_space<hbm>> -> memref<100000x64xf32, #tpu.memory_space<hbm>>
        tpu.wait_indirect_dma semaphore(%arg8 : memref<!tpu.dma_semaphore, #tpu.memory_space<semaphore_mem>>) src(%dma_wait3A_65 : memref<100000x64xf32, #tpu.memory_space<hbm>>) dst(%arg6 : memref<128x64xf32, #tpu.memory_space<vmem>>)
        %sub3A_66 = arith.constant 1 : i32
        %sub3A_67 = arith.subi %scan3A_41, %sub3A_66 : i32
        %mul3A_68 = arith.constant 16 : i32
        %mul3A_69 = arith.muli %sub3A_67, %mul3A_68 : i32
        %add3A_70 = arith.addi %mul3A_69, %select_n3A : i32
        %dma_start3A_71 = arith.constant 0 : i32
        %dma_start3A_72 = arith.constant 0 : i32
        %dma_start3A_73 = tpu.memref_slice %arg4[%add3A_70, %rem3A_18, %dma_start3A_71, %dma_start3A_72] : memref<800x2x128x64xf32, #tpu.memory_space<hbm>> -> memref<1x1x128x64xf32, #tpu.memory_space<hbm>>
        %dma_start3A_74 = tpu.memref_squeeze %dma_start3A_73 : memref<1x1x128x64xf32, #tpu.memory_space<hbm>> -> memref<128x64xf32, #tpu.memory_space<hbm>>
        %dma_start3A_75 = arith.constant 0 : i32
        %dma_start3A_76 = arith.constant 0 : i32
        %dma_start3A_77 = tpu.memref_slice %arg4[%add3A_70, %rem3A_18, %dma_start3A_75, %dma_start3A_76] : memref<800x2x128x64xf32, #tpu.memory_space<hbm>> -> memref<1x1x128x64xf32, #tpu.memory_space<hbm>>
        %dma_start3A_78 = tpu.memref_squeeze %dma_start3A_77 : memref<1x1x128x64xf32, #tpu.memory_space<hbm>> -> memref<128x64xf32, #tpu.memory_space<hbm>>
        tpu.enqueue_dma source(%arg6 : memref<128x64xf32, #tpu.memory_space<vmem>>) target(%dma_start3A_78 : memref<128x64xf32, #tpu.memory_space<hbm>>) target_semaphore(%arg10 : memref<!tpu.dma_semaphore, #tpu.memory_space<semaphore_mem>>)
      } else {
      }
    }
    %scan3A_31 = arith.constant 50 : i32
    %dma_wait3A = arith.constant 0 : i32
    %dma_wait3A_32 = arith.constant 0 : i32
    %dma_wait3A_33 = arith.constant 0 : i32
    %dma_wait3A_34 = arith.constant 0 : i32
    %dma_wait3A_35 = tpu.memref_slice %arg4[%dma_wait3A, %dma_wait3A_32, %dma_wait3A_33, %dma_wait3A_34] : memref<800x2x128x64xf32, #tpu.memory_space<hbm>> -> memref<1x1x128x64xf32, #tpu.memory_space<hbm>>
    %dma_wait3A_36 = tpu.memref_squeeze %dma_wait3A_35 : memref<1x1x128x64xf32, #tpu.memory_space<hbm>> -> memref<128x64xf32, #tpu.memory_space<hbm>>
    %dma_wait3A_37 = arith.constant 0 : i32
    %dma_wait3A_38 = arith.constant 0 : i32
    %dma_wait3A_39 = tpu.memref_slice %arg4[%dma_wait3A, %dma_wait3A_32, %dma_wait3A_37, %dma_wait3A_38] : memref<800x2x128x64xf32, #tpu.memory_space<hbm>> -> memref<1x1x128x64xf32, #tpu.memory_space<hbm>>
    %dma_wait3A_40 = tpu.memref_squeeze %dma_wait3A_39 : memref<1x1x128x64xf32, #tpu.memory_space<hbm>> -> memref<128x64xf32, #tpu.memory_space<hbm>>
    tpu.wait_dma2 semaphore(%arg11 : memref<!tpu.dma_semaphore, #tpu.memory_space<semaphore_mem>>) src(%arg7 : memref<128x64xf32, #tpu.memory_space<vmem>>) dst(%dma_wait3A_40 : memref<128x64xf32, #tpu.memory_space<hbm>>)
    return
  }
}

#map = affine_map<(d0, d1) -> (0, 0)>
#map1 = affine_map<(d0, d1) -> (0, 0, 0, 0)>
module attributes {stable_mosaic.version = 14 : i64} {
  func.func @_gather_body(%arg0: i32, %arg1: i32, %arg2: memref<100000x64xf32, #tpu.memory_space<hbm>>, %arg3: memref<200x4096xi32, #tpu.memory_space<hbm>>, %arg4: memref<800x2x128x64xf32, #tpu.memory_space<hbm>>, %arg5: memref<50x128xi32, #tpu.memory_space<vmem>>, %arg6: memref<128x64xf32, #tpu.memory_space<vmem>>, %arg7: memref<128x64xf32, #tpu.memory_space<vmem>>, %arg8: memref<!tpu.dma_semaphore, #tpu.memory_space<semaphore_mem>>, %arg9: memref<!tpu.dma_semaphore, #tpu.memory_space<semaphore_mem>>, %arg10: memref<!tpu.dma_semaphore, #tpu.memory_space<semaphore_mem>>, %arg11: memref<!tpu.dma_semaphore, #tpu.memory_space<semaphore_mem>>) attributes {dimension_semantics = [#tpu.dimension_semantics<core_parallel>, #tpu.dimension_semantics<subcore_parallel>], iteration_bounds = array<i64: 2, 16>, scalar_prefetch = 0 : i64, scratch_operands = 7 : i64, tpu.core_type = #tpu.core_type<sc_vector_subcore>, window_params = [{transform_indices = #map}, {transform_indices = #map}, {transform_indices = #map1}]} {
    %mul3A = arith.constant 2 : i32
    %mul3A_0 = arith.muli %arg1, %mul3A : i32
    %add3A = arith.addi %mul3A_0, %arg0 : i32
    %jit3A = arith.constant 2 : i32
    %div3A = arith.divsi %add3A, %jit3A : i32
    %sign3A = arith.constant 0 : i32
    %sign3A_1 = arith.cmpi sgt, %add3A, %sign3A : i32
    %sign3A_2 = arith.extui %sign3A_1 : i1 to i32
    %sign3A_3 = arith.constant 0 : i32
    %sign3A_4 = arith.cmpi slt, %add3A, %sign3A_3 : i32
    %sign3A_5 = arith.extui %sign3A_4 : i1 to i32
    %sign3A_6 = arith.subi %sign3A_2, %sign3A_5 : i32
    %sign3A_7 = arith.constant 0 : i32
    %sign3A_8 = arith.cmpi sgt, %jit3A, %sign3A_7 : i32
    %sign3A_9 = arith.extui %sign3A_8 : i1 to i32
    %sign3A_10 = arith.constant 0 : i32
    %sign3A_11 = arith.cmpi slt, %jit3A, %sign3A_10 : i32
    %sign3A_12 = arith.extui %sign3A_11 : i1 to i32
    %sign3A_13 = arith.subi %sign3A_9, %sign3A_12 : i32
    %ne3A = arith.cmpi ne, %sign3A_6, %sign3A_13 : i32
    %rem3A = arith.remsi %add3A, %jit3A : i32
    %ne3A_14 = arith.constant 0 : i32
    %ne3A_15 = arith.cmpi ne, %rem3A, %ne3A_14 : i32
    %and3A = arith.andi %ne3A, %ne3A_15 : i1
    %sub3A = arith.constant 1 : i32
    %sub3A_16 = arith.subi %div3A, %sub3A : i32
    %select_n3A = arith.select %and3A, %sub3A_16, %div3A : i32
    %rem3A_17 = arith.constant 2 : i32
    %rem3A_18 = arith.remsi %add3A, %rem3A_17 : i32
    %mul3A_19 = arith.constant 128 : i32
    %mul3A_20 = arith.muli %add3A, %mul3A_19 : i32
    "tpu.region"() ({
      %run_scoped3A = tpu.sem_alloc : memref<!tpu.dma_semaphore, #tpu.memory_space<semaphore_mem>>
      %dma_start3A_41 = arith.constant 150 : i32
      %dma_start3A_42 = tpu.memref_slice %arg3[%dma_start3A_41, %mul3A_20] : memref<200x4096xi32, #tpu.memory_space<hbm>> -> memref<50x128xi32, #tpu.memory_space<hbm>>
      %dma_start3A_43 = arith.constant 150 : i32
      %dma_start3A_44 = tpu.memref_slice %arg3[%dma_start3A_43, %mul3A_20] : memref<200x4096xi32, #tpu.memory_space<hbm>> -> memref<50x128xi32, #tpu.memory_space<hbm>>
      tpu.enqueue_dma source(%dma_start3A_44 : memref<50x128xi32, #tpu.memory_space<hbm>>) target(%arg5 : memref<50x128xi32, #tpu.memory_space<vmem>>) target_semaphore(%run_scoped3A : memref<!tpu.dma_semaphore, #tpu.memory_space<semaphore_mem>>)
      %dma_wait3A_45 = arith.constant 150 : i32
      %dma_wait3A_46 = tpu.memref_slice %arg3[%dma_wait3A_45, %mul3A_20] : memref<200x4096xi32, #tpu.memory_space<hbm>> -> memref<50x128xi32, #tpu.memory_space<hbm>>
      %dma_wait3A_47 = arith.constant 150 : i32
      %dma_wait3A_48 = tpu.memref_slice %arg3[%dma_wait3A_47, %mul3A_20] : memref<200x4096xi32, #tpu.memory_space<hbm>> -> memref<50x128xi32, #tpu.memory_space<hbm>>
      tpu.wait_dma2 semaphore(%run_scoped3A : memref<!tpu.dma_semaphore, #tpu.memory_space<semaphore_mem>>) src(%dma_wait3A_48 : memref<50x128xi32, #tpu.memory_space<hbm>>) dst(%arg5 : memref<50x128xi32, #tpu.memory_space<vmem>>)
      tpu.yield
    }) : () -> ()
    %dma_start3A = arith.constant 0 : i32
    %dma_start3A_21 = arith.constant 0 : i32
    %dma_start3A_22 = tpu.memref_slice %arg5[%dma_start3A, %dma_start3A_21] : memref<50x128xi32, #tpu.memory_space<vmem>> -> memref<1x128xi32, #tpu.memory_space<vmem>>
    %dma_start3A_23 = tpu.memref_squeeze %dma_start3A_22 : memref<1x128xi32, #tpu.memory_space<vmem>> -> memref<128xi32, #tpu.memory_space<vmem>>
    %dma_start3A_24 = arith.constant 0 : i32
    %dma_start3A_25 = arith.constant 0 : i32
    %dma_start3A_26 = tpu.memref_slice %arg2[%dma_start3A_24, %dma_start3A_25] : memref<100000x64xf32, #tpu.memory_space<hbm>> -> memref<100000x64xf32, #tpu.memory_space<hbm>>
    tpu.enqueue_indirect_dma source(%dma_start3A_26 : memref<100000x64xf32, #tpu.memory_space<hbm>>) target(%arg6 : memref<128x64xf32, #tpu.memory_space<vmem>>) offsets(%dma_start3A_23 : memref<128xi32, #tpu.memory_space<vmem>>) semaphore(%arg8 : memref<!tpu.dma_semaphore, #tpu.memory_space<semaphore_mem>>)
    %scan3A = arith.constant 0 : i32
    %scan3A_27 = arith.constant 1 : i32
    %scan3A_28 = arith.constant 50 : i32
    %scan3A_29 = arith.addi %scan3A_27, %scan3A_28 : i32
    %scan3A_30 = arith.constant 1 : i32
    scf.for %scan3A_41 = %scan3A_27 to %scan3A_29 step %scan3A_30  : i32 {
      %rem3A_42 = arith.constant 2 : i32
      %rem3A_43 = arith.remsi %scan3A_41, %rem3A_42 : i32
      %eq3A = arith.constant 0 : i32
      %eq3A_44 = arith.cmpi eq, %rem3A_43, %eq3A : i32
      %convert_element_type3A = arith.extui %eq3A_44 : i1 to i32
      %cond3A = arith.constant 0 : i32
      %cond3A_45 = arith.cmpi ne, %convert_element_type3A, %cond3A : i32
      scf.if %cond3A_45 {
        %ge3A = arith.constant 2 : i32
        %ge3A_51 = arith.cmpi sge, %scan3A_41, %ge3A : i32
        %convert_element_type3A_52 = arith.extui %ge3A_51 : i1 to i32
        %cond3A_53 = arith.constant 0 : i32
        %cond3A_54 = arith.cmpi ne, %convert_element_type3A_52, %cond3A_53 : i32
        scf.if %cond3A_54 {
          %dma_wait3A_79 = arith.constant 0 : i32
          %dma_wait3A_80 = arith.constant 0 : i32
          %dma_wait3A_81 = arith.constant 0 : i32
          %dma_wait3A_82 = arith.constant 0 : i32
          %dma_wait3A_83 = tpu.memref_slice %arg4[%dma_wait3A_79, %dma_wait3A_80, %dma_wait3A_81, %dma_wait3A_82] : memref<800x2x128x64xf32, #tpu.memory_space<hbm>> -> memref<1x1x128x64xf32, #tpu.memory_space<hbm>>
          %dma_wait3A_84 = tpu.memref_squeeze %dma_wait3A_83 : memref<1x1x128x64xf32, #tpu.memory_space<hbm>> -> memref<128x64xf32, #tpu.memory_space<hbm>>
          %dma_wait3A_85 = arith.constant 0 : i32
          %dma_wait3A_86 = arith.constant 0 : i32
          %dma_wait3A_87 = tpu.memref_slice %arg4[%dma_wait3A_79, %dma_wait3A_80, %dma_wait3A_85, %dma_wait3A_86] : memref<800x2x128x64xf32, #tpu.memory_space<hbm>> -> memref<1x1x128x64xf32, #tpu.memory_space<hbm>>
          %dma_wait3A_88 = tpu.memref_squeeze %dma_wait3A_87 : memref<1x1x128x64xf32, #tpu.memory_space<hbm>> -> memref<128x64xf32, #tpu.memory_space<hbm>>
          tpu.wait_dma2 semaphore(%arg10 : memref<!tpu.dma_semaphore, #tpu.memory_space<semaphore_mem>>) src(%arg6 : memref<128x64xf32, #tpu.memory_space<vmem>>) dst(%dma_wait3A_88 : memref<128x64xf32, #tpu.memory_space<hbm>>)
        } else {
        }
        %lt3A = arith.constant 50 : i32
        %lt3A_55 = arith.cmpi slt, %scan3A_41, %lt3A : i32
        %convert_element_type3A_56 = arith.extui %lt3A_55 : i1 to i32
        %cond3A_57 = arith.constant 0 : i32
        %cond3A_58 = arith.cmpi ne, %convert_element_type3A_56, %cond3A_57 : i32
        scf.if %cond3A_58 {
          %dma_start3A_79 = arith.constant 0 : i32
          %dma_start3A_80 = tpu.memref_slice %arg5[%scan3A_41, %dma_start3A_79] : memref<50x128xi32, #tpu.memory_space<vmem>> -> memref<1x128xi32, #tpu.memory_space<vmem>>
          %dma_start3A_81 = tpu.memref_squeeze %dma_start3A_80 : memref<1x128xi32, #tpu.memory_space<vmem>> -> memref<128xi32, #tpu.memory_space<vmem>>
          %dma_start3A_82 = arith.constant 0 : i32
          %dma_start3A_83 = arith.constant 0 : i32
          %dma_start3A_84 = tpu.memref_slice %arg2[%dma_start3A_82, %dma_start3A_83] : memref<100000x64xf32, #tpu.memory_space<hbm>> -> memref<100000x64xf32, #tpu.memory_space<hbm>>
          tpu.enqueue_indirect_dma source(%dma_start3A_84 : memref<100000x64xf32, #tpu.memory_space<hbm>>) target(%arg6 : memref<128x64xf32, #tpu.memory_space<vmem>>) offsets(%dma_start3A_81 : memref<128xi32, #tpu.memory_space<vmem>>) semaphore(%arg8 : memref<!tpu.dma_semaphore, #tpu.memory_space<semaphore_mem>>)
        } else {
        }
        %dma_wait3A_59 = arith.constant 0 : i32
        %dma_wait3A_60 = arith.constant 0 : i32
        %dma_wait3A_61 = tpu.memref_slice %arg5[%dma_wait3A_59, %dma_wait3A_60] : memref<50x128xi32, #tpu.memory_space<vmem>> -> memref<1x128xi32, #tpu.memory_space<vmem>>
        %dma_wait3A_62 = tpu.memref_squeeze %dma_wait3A_61 : memref<1x128xi32, #tpu.memory_space<vmem>> -> memref<128xi32, #tpu.memory_space<vmem>>
        %dma_wait3A_63 = arith.constant 0 : i32
        %dma_wait3A_64 = arith.constant 0 : i32
        %dma_wait3A_65 = tpu.memref_slice %arg2[%dma_wait3A_63, %dma_wait3A_64] : memref<100000x64xf32, #tpu.memory_space<hbm>> -> memref<100000x64xf32, #tpu.memory_space<hbm>>
        tpu.wait_indirect_dma semaphore(%arg9 : memref<!tpu.dma_semaphore, #tpu.memory_space<semaphore_mem>>) src(%dma_wait3A_65 : memref<100000x64xf32, #tpu.memory_space<hbm>>) dst(%arg7 : memref<128x64xf32, #tpu.memory_space<vmem>>)
        %sub3A_66 = arith.constant 1 : i32
        %sub3A_67 = arith.subi %scan3A_41, %sub3A_66 : i32
        %mul3A_68 = arith.constant 16 : i32
        %mul3A_69 = arith.muli %sub3A_67, %mul3A_68 : i32
        %add3A_70 = arith.addi %mul3A_69, %select_n3A : i32
        %dma_start3A_71 = arith.constant 0 : i32
        %dma_start3A_72 = arith.constant 0 : i32
        %dma_start3A_73 = tpu.memref_slice %arg4[%add3A_70, %rem3A_18, %dma_start3A_71, %dma_start3A_72] : memref<800x2x128x64xf32, #tpu.memory_space<hbm>> -> memref<1x1x128x64xf32, #tpu.memory_space<hbm>>
        %dma_start3A_74 = tpu.memref_squeeze %dma_start3A_73 : memref<1x1x128x64xf32, #tpu.memory_space<hbm>> -> memref<128x64xf32, #tpu.memory_space<hbm>>
        %dma_start3A_75 = arith.constant 0 : i32
        %dma_start3A_76 = arith.constant 0 : i32
        %dma_start3A_77 = tpu.memref_slice %arg4[%add3A_70, %rem3A_18, %dma_start3A_75, %dma_start3A_76] : memref<800x2x128x64xf32, #tpu.memory_space<hbm>> -> memref<1x1x128x64xf32, #tpu.memory_space<hbm>>
        %dma_start3A_78 = tpu.memref_squeeze %dma_start3A_77 : memref<1x1x128x64xf32, #tpu.memory_space<hbm>> -> memref<128x64xf32, #tpu.memory_space<hbm>>
        tpu.enqueue_dma source(%arg7 : memref<128x64xf32, #tpu.memory_space<vmem>>) target(%dma_start3A_78 : memref<128x64xf32, #tpu.memory_space<hbm>>) target_semaphore(%arg11 : memref<!tpu.dma_semaphore, #tpu.memory_space<semaphore_mem>>)
      } else {
      }
      %eq3A_46 = arith.constant 1 : i32
      %eq3A_47 = arith.cmpi eq, %rem3A_43, %eq3A_46 : i32
      %convert_element_type3A_48 = arith.extui %eq3A_47 : i1 to i32
      %cond3A_49 = arith.constant 0 : i32
      %cond3A_50 = arith.cmpi ne, %convert_element_type3A_48, %cond3A_49 : i32
      scf.if %cond3A_50 {
        %ge3A = arith.constant 2 : i32
        %ge3A_51 = arith.cmpi sge, %scan3A_41, %ge3A : i32
        %convert_element_type3A_52 = arith.extui %ge3A_51 : i1 to i32
        %cond3A_53 = arith.constant 0 : i32
        %cond3A_54 = arith.cmpi ne, %convert_element_type3A_52, %cond3A_53 : i32
        scf.if %cond3A_54 {
          %dma_wait3A_79 = arith.constant 0 : i32
          %dma_wait3A_80 = arith.constant 0 : i32
          %dma_wait3A_81 = arith.constant 0 : i32
          %dma_wait3A_82 = arith.constant 0 : i32
          %dma_wait3A_83 = tpu.memref_slice %arg4[%dma_wait3A_79, %dma_wait3A_80, %dma_wait3A_81, %dma_wait3A_82] : memref<800x2x128x64xf32, #tpu.memory_space<hbm>> -> memref<1x1x128x64xf32, #tpu.memory_space<hbm>>
          %dma_wait3A_84 = tpu.memref_squeeze %dma_wait3A_83 : memref<1x1x128x64xf32, #tpu.memory_space<hbm>> -> memref<128x64xf32, #tpu.memory_space<hbm>>
          %dma_wait3A_85 = arith.constant 0 : i32
          %dma_wait3A_86 = arith.constant 0 : i32
          %dma_wait3A_87 = tpu.memref_slice %arg4[%dma_wait3A_79, %dma_wait3A_80, %dma_wait3A_85, %dma_wait3A_86] : memref<800x2x128x64xf32, #tpu.memory_space<hbm>> -> memref<1x1x128x64xf32, #tpu.memory_space<hbm>>
          %dma_wait3A_88 = tpu.memref_squeeze %dma_wait3A_87 : memref<1x1x128x64xf32, #tpu.memory_space<hbm>> -> memref<128x64xf32, #tpu.memory_space<hbm>>
          tpu.wait_dma2 semaphore(%arg11 : memref<!tpu.dma_semaphore, #tpu.memory_space<semaphore_mem>>) src(%arg7 : memref<128x64xf32, #tpu.memory_space<vmem>>) dst(%dma_wait3A_88 : memref<128x64xf32, #tpu.memory_space<hbm>>)
        } else {
        }
        %lt3A = arith.constant 50 : i32
        %lt3A_55 = arith.cmpi slt, %scan3A_41, %lt3A : i32
        %convert_element_type3A_56 = arith.extui %lt3A_55 : i1 to i32
        %cond3A_57 = arith.constant 0 : i32
        %cond3A_58 = arith.cmpi ne, %convert_element_type3A_56, %cond3A_57 : i32
        scf.if %cond3A_58 {
          %dma_start3A_79 = arith.constant 0 : i32
          %dma_start3A_80 = tpu.memref_slice %arg5[%scan3A_41, %dma_start3A_79] : memref<50x128xi32, #tpu.memory_space<vmem>> -> memref<1x128xi32, #tpu.memory_space<vmem>>
          %dma_start3A_81 = tpu.memref_squeeze %dma_start3A_80 : memref<1x128xi32, #tpu.memory_space<vmem>> -> memref<128xi32, #tpu.memory_space<vmem>>
          %dma_start3A_82 = arith.constant 0 : i32
          %dma_start3A_83 = arith.constant 0 : i32
          %dma_start3A_84 = tpu.memref_slice %arg2[%dma_start3A_82, %dma_start3A_83] : memref<100000x64xf32, #tpu.memory_space<hbm>> -> memref<100000x64xf32, #tpu.memory_space<hbm>>
          tpu.enqueue_indirect_dma source(%dma_start3A_84 : memref<100000x64xf32, #tpu.memory_space<hbm>>) target(%arg7 : memref<128x64xf32, #tpu.memory_space<vmem>>) offsets(%dma_start3A_81 : memref<128xi32, #tpu.memory_space<vmem>>) semaphore(%arg9 : memref<!tpu.dma_semaphore, #tpu.memory_space<semaphore_mem>>)
        } else {
        }
        %dma_wait3A_59 = arith.constant 0 : i32
        %dma_wait3A_60 = arith.constant 0 : i32
        %dma_wait3A_61 = tpu.memref_slice %arg5[%dma_wait3A_59, %dma_wait3A_60] : memref<50x128xi32, #tpu.memory_space<vmem>> -> memref<1x128xi32, #tpu.memory_space<vmem>>
        %dma_wait3A_62 = tpu.memref_squeeze %dma_wait3A_61 : memref<1x128xi32, #tpu.memory_space<vmem>> -> memref<128xi32, #tpu.memory_space<vmem>>
        %dma_wait3A_63 = arith.constant 0 : i32
        %dma_wait3A_64 = arith.constant 0 : i32
        %dma_wait3A_65 = tpu.memref_slice %arg2[%dma_wait3A_63, %dma_wait3A_64] : memref<100000x64xf32, #tpu.memory_space<hbm>> -> memref<100000x64xf32, #tpu.memory_space<hbm>>
        tpu.wait_indirect_dma semaphore(%arg8 : memref<!tpu.dma_semaphore, #tpu.memory_space<semaphore_mem>>) src(%dma_wait3A_65 : memref<100000x64xf32, #tpu.memory_space<hbm>>) dst(%arg6 : memref<128x64xf32, #tpu.memory_space<vmem>>)
        %sub3A_66 = arith.constant 1 : i32
        %sub3A_67 = arith.subi %scan3A_41, %sub3A_66 : i32
        %mul3A_68 = arith.constant 16 : i32
        %mul3A_69 = arith.muli %sub3A_67, %mul3A_68 : i32
        %add3A_70 = arith.addi %mul3A_69, %select_n3A : i32
        %dma_start3A_71 = arith.constant 0 : i32
        %dma_start3A_72 = arith.constant 0 : i32
        %dma_start3A_73 = tpu.memref_slice %arg4[%add3A_70, %rem3A_18, %dma_start3A_71, %dma_start3A_72] : memref<800x2x128x64xf32, #tpu.memory_space<hbm>> -> memref<1x1x128x64xf32, #tpu.memory_space<hbm>>
        %dma_start3A_74 = tpu.memref_squeeze %dma_start3A_73 : memref<1x1x128x64xf32, #tpu.memory_space<hbm>> -> memref<128x64xf32, #tpu.memory_space<hbm>>
        %dma_start3A_75 = arith.constant 0 : i32
        %dma_start3A_76 = arith.constant 0 : i32
        %dma_start3A_77 = tpu.memref_slice %arg4[%add3A_70, %rem3A_18, %dma_start3A_75, %dma_start3A_76] : memref<800x2x128x64xf32, #tpu.memory_space<hbm>> -> memref<1x1x128x64xf32, #tpu.memory_space<hbm>>
        %dma_start3A_78 = tpu.memref_squeeze %dma_start3A_77 : memref<1x1x128x64xf32, #tpu.memory_space<hbm>> -> memref<128x64xf32, #tpu.memory_space<hbm>>
        tpu.enqueue_dma source(%arg6 : memref<128x64xf32, #tpu.memory_space<vmem>>) target(%dma_start3A_78 : memref<128x64xf32, #tpu.memory_space<hbm>>) target_semaphore(%arg10 : memref<!tpu.dma_semaphore, #tpu.memory_space<semaphore_mem>>)
      } else {
      }
    }
    %scan3A_31 = arith.constant 50 : i32
    %dma_wait3A = arith.constant 0 : i32
    %dma_wait3A_32 = arith.constant 0 : i32
    %dma_wait3A_33 = arith.constant 0 : i32
    %dma_wait3A_34 = arith.constant 0 : i32
    %dma_wait3A_35 = tpu.memref_slice %arg4[%dma_wait3A, %dma_wait3A_32, %dma_wait3A_33, %dma_wait3A_34] : memref<800x2x128x64xf32, #tpu.memory_space<hbm>> -> memref<1x1x128x64xf32, #tpu.memory_space<hbm>>
    %dma_wait3A_36 = tpu.memref_squeeze %dma_wait3A_35 : memref<1x1x128x64xf32, #tpu.memory_space<hbm>> -> memref<128x64xf32, #tpu.memory_space<hbm>>
    %dma_wait3A_37 = arith.constant 0 : i32
    %dma_wait3A_38 = arith.constant 0 : i32
    %dma_wait3A_39 = tpu.memref_slice %arg4[%dma_wait3A, %dma_wait3A_32, %dma_wait3A_37, %dma_wait3A_38] : memref<800x2x128x64xf32, #tpu.memory_space<hbm>> -> memref<1x1x128x64xf32, #tpu.memory_space<hbm>>
    %dma_wait3A_40 = tpu.memref_squeeze %dma_wait3A_39 : memref<1x1x128x64xf32, #tpu.memory_space<hbm>> -> memref<128x64xf32, #tpu.memory_space<hbm>>
    tpu.wait_dma2 semaphore(%arg11 : memref<!tpu.dma_semaphore, #tpu.memory_space<semaphore_mem>>) src(%arg7 : memref<128x64xf32, #tpu.memory_space<vmem>>) dst(%dma_wait3A_40 : memref<128x64xf32, #tpu.memory_space<hbm>>)
    return
  }
}

module attributes {stable_mosaic.version = 14 : i64} {
  func.func @_tc_body(%arg0: i32, %arg1: memref<2048x128xf32, #tpu.memory_space<vmem>>, %arg2: memref<1x8x32x8x128xf32, #tpu.memory_space<vmem>>) attributes {dimension_semantics = [#tpu.dimension_semantics<arbitrary>], iteration_bounds = array<i64: 50>, scalar_prefetch = 0 : i64, scratch_operands = 0 : i64, tpu.core_type = #tpu.core_type<tc>, window_params = [{transform_indices = @transform_0, window_bounds = array<i64: 2048, 128>}, {transform_indices = @transform_1, window_bounds = array<i64: 1, 8, 32, 8, 128>}]} {
    %get3A = arith.constant 0 : index
    %get3A_0 = arith.constant 0 : index
    %get3A_1 = vector.load %arg1[%get3A, %get3A_0] : memref<2048x128xf32, #tpu.memory_space<vmem>>, vector<128x128xf32>
    %transpose3A = tpu.transpose %get3A_1, [1, 0] : vector<128x128xf32> -> vector<128x128xf32>
    %reshape3A = vector.shape_cast %transpose3A : vector<128x128xf32> to vector<2x8x8x128xf32>
    %transpose3A_2 = tpu.transpose %reshape3A, [1, 0, 2, 3] : vector<2x8x8x128xf32> -> vector<8x2x8x128xf32>
    %swap3A = arith.constant 0 : index
    %swap3A_3 = arith.constant 0 : index
    %swap3A_4 = arith.constant 0 : index
    %swap3A_5 = arith.constant 0 : index
    %swap3A_6 = arith.constant 0 : index
    %swap3A_7 = vector.load %arg2[%swap3A, %swap3A_3, %swap3A_4, %swap3A_5, %swap3A_6] : memref<1x8x32x8x128xf32, #tpu.memory_space<vmem>>, vector<1x8x2x8x128xf32>
    %swap3A_8 = vector.shape_cast %swap3A_7 : vector<1x8x2x8x128xf32> to vector<8x2x8x128xf32>
    %swap3A_9 = vector.shape_cast %transpose3A_2 : vector<8x2x8x128xf32> to vector<1x8x2x8x128xf32>
    tpu.vector_store %arg2[%swap3A, %swap3A_3, %swap3A_4, %swap3A_5, %swap3A_6], %swap3A_9 {strides = array<i32>} : memref<1x8x32x8x128xf32, #tpu.memory_space<vmem>>, vector<1x8x2x8x128xf32>,
    %get3A_10 = arith.constant 128 : index
    %get3A_11 = arith.constant 0 : index
    %get3A_12 = vector.load %arg1[%get3A_10, %get3A_11] : memref<2048x128xf32, #tpu.memory_space<vmem>>, vector<128x128xf32>
    %transpose3A_13 = tpu.transpose %get3A_12, [1, 0] : vector<128x128xf32> -> vector<128x128xf32>
    %reshape3A_14 = vector.shape_cast %transpose3A_13 : vector<128x128xf32> to vector<2x8x8x128xf32>
    %transpose3A_15 = tpu.transpose %reshape3A_14, [1, 0, 2, 3] : vector<2x8x8x128xf32> -> vector<8x2x8x128xf32>
    %swap3A_16 = arith.constant 0 : index
    %swap3A_17 = arith.constant 0 : index
    %swap3A_18 = arith.constant 2 : index
    %swap3A_19 = arith.constant 0 : index
    %swap3A_20 = arith.constant 0 : index
    %swap3A_21 = vector.load %arg2[%swap3A_16, %swap3A_17, %swap3A_18, %swap3A_19, %swap3A_20] : memref<1x8x32x8x128xf32, #tpu.memory_space<vmem>>, vector<1x8x2x8x128xf32>
    %swap3A_22 = vector.shape_cast %swap3A_21 : vector<1x8x2x8x128xf32> to vector<8x2x8x128xf32>
    %swap3A_23 = vector.shape_cast %transpose3A_15 : vector<8x2x8x128xf32> to vector<1x8x2x8x128xf32>
    tpu.vector_store %arg2[%swap3A_16, %swap3A_17, %swap3A_18, %swap3A_19, %swap3A_20], %swap3A_23 {strides = array<i32>} : memref<1x8x32x8x128xf32, #tpu.memory_space<vmem>>, vector<1x8x2x8x128xf32>,
    %get3A_24 = arith.constant 256 : index
    %get3A_25 = arith.constant 0 : index
    %get3A_26 = vector.load %arg1[%get3A_24, %get3A_25] : memref<2048x128xf32, #tpu.memory_space<vmem>>, vector<128x128xf32>
    %transpose3A_27 = tpu.transpose %get3A_26, [1, 0] : vector<128x128xf32> -> vector<128x128xf32>
    %reshape3A_28 = vector.shape_cast %transpose3A_27 : vector<128x128xf32> to vector<2x8x8x128xf32>
    %transpose3A_29 = tpu.transpose %reshape3A_28, [1, 0, 2, 3] : vector<2x8x8x128xf32> -> vector<8x2x8x128xf32>
    %swap3A_30 = arith.constant 0 : index
    %swap3A_31 = arith.constant 0 : index
    %swap3A_32 = arith.constant 4 : index
    %swap3A_33 = arith.constant 0 : index
    %swap3A_34 = arith.constant 0 : index
    %swap3A_35 = vector.load %arg2[%swap3A_30, %swap3A_31, %swap3A_32, %swap3A_33, %swap3A_34] : memref<1x8x32x8x128xf32, #tpu.memory_space<vmem>>, vector<1x8x2x8x128xf32>
    %swap3A_36 = vector.shape_cast %swap3A_35 : vector<1x8x2x8x128xf32> to vector<8x2x8x128xf32>
    %swap3A_37 = vector.shape_cast %transpose3A_29 : vector<8x2x8x128xf32> to vector<1x8x2x8x128xf32>
    tpu.vector_store %arg2[%swap3A_30, %swap3A_31, %swap3A_32, %swap3A_33, %swap3A_34], %swap3A_37 {strides = array<i32>} : memref<1x8x32x8x128xf32, #tpu.memory_space<vmem>>, vector<1x8x2x8x128xf32>,
    %get3A_38 = arith.constant 384 : index
    %get3A_39 = arith.constant 0 : index
    %get3A_40 = vector.load %arg1[%get3A_38, %get3A_39] : memref<2048x128xf32, #tpu.memory_space<vmem>>, vector<128x128xf32>
    %transpose3A_41 = tpu.transpose %get3A_40, [1, 0] : vector<128x128xf32> -> vector<128x128xf32>
    %reshape3A_42 = vector.shape_cast %transpose3A_41 : vector<128x128xf32> to vector<2x8x8x128xf32>
    %transpose3A_43 = tpu.transpose %reshape3A_42, [1, 0, 2, 3] : vector<2x8x8x128xf32> -> vector<8x2x8x128xf32>
    %swap3A_44 = arith.constant 0 : index
    %swap3A_45 = arith.constant 0 : index
    %swap3A_46 = arith.constant 6 : index
    %swap3A_47 = arith.constant 0 : index
    %swap3A_48 = arith.constant 0 : index
    %swap3A_49 = vector.load %arg2[%swap3A_44, %swap3A_45, %swap3A_46, %swap3A_47, %swap3A_48] : memref<1x8x32x8x128xf32, #tpu.memory_space<vmem>>, vector<1x8x2x8x128xf32>
    %swap3A_50 = vector.shape_cast %swap3A_49 : vector<1x8x2x8x128xf32> to vector<8x2x8x128xf32>
    %swap3A_51 = vector.shape_cast %transpose3A_43 : vector<8x2x8x128xf32> to vector<1x8x2x8x128xf32>
    tpu.vector_store %arg2[%swap3A_44, %swap3A_45, %swap3A_46, %swap3A_47, %swap3A_48], %swap3A_51 {strides = array<i32>} : memref<1x8x32x8x128xf32, #tpu.memory_space<vmem>>, vector<1x8x2x8x128xf32>,
    %get3A_52 = arith.constant 512 : index
    %get3A_53 = arith.constant 0 : index
    %get3A_54 = vector.load %arg1[%get3A_52, %get3A_53] : memref<2048x128xf32, #tpu.memory_space<vmem>>, vector<128x128xf32>
    %transpose3A_55 = tpu.transpose %get3A_54, [1, 0] : vector<128x128xf32> -> vector<128x128xf32>
    %reshape3A_56 = vector.shape_cast %transpose3A_55 : vector<128x128xf32> to vector<2x8x8x128xf32>
    %transpose3A_57 = tpu.transpose %reshape3A_56, [1, 0, 2, 3] : vector<2x8x8x128xf32> -> vector<8x2x8x128xf32>
    %swap3A_58 = arith.constant 0 : index
    %swap3A_59 = arith.constant 0 : index
    %swap3A_60 = arith.constant 8 : index
    %swap3A_61 = arith.constant 0 : index
    %swap3A_62 = arith.constant 0 : index
    %swap3A_63 = vector.load %arg2[%swap3A_58, %swap3A_59, %swap3A_60, %swap3A_61, %swap3A_62] : memref<1x8x32x8x128xf32, #tpu.memory_space<vmem>>, vector<1x8x2x8x128xf32>
    %swap3A_64 = vector.shape_cast %swap3A_63 : vector<1x8x2x8x128xf32> to vector<8x2x8x128xf32>
    %swap3A_65 = vector.shape_cast %transpose3A_57 : vector<8x2x8x128xf32> to vector<1x8x2x8x128xf32>
    tpu.vector_store %arg2[%swap3A_58, %swap3A_59, %swap3A_60, %swap3A_61, %swap3A_62], %swap3A_65 {strides = array<i32>} : memref<1x8x32x8x128xf32, #tpu.memory_space<vmem>>, vector<1x8x2x8x128xf32>,
    %get3A_66 = arith.constant 640 : index
    %get3A_67 = arith.constant 0 : index
    %get3A_68 = vector.load %arg1[%get3A_66, %get3A_67] : memref<2048x128xf32, #tpu.memory_space<vmem>>, vector<128x128xf32>
    %transpose3A_69 = tpu.transpose %get3A_68, [1, 0] : vector<128x128xf32> -> vector<128x128xf32>
    %reshape3A_70 = vector.shape_cast %transpose3A_69 : vector<128x128xf32> to vector<2x8x8x128xf32>
    %transpose3A_71 = tpu.transpose %reshape3A_70, [1, 0, 2, 3] : vector<2x8x8x128xf32> -> vector<8x2x8x128xf32>
    %swap3A_72 = arith.constant 0 : index
    %swap3A_73 = arith.constant 0 : index
    %swap3A_74 = arith.constant 10 : index
    %swap3A_75 = arith.constant 0 : index
    %swap3A_76 = arith.constant 0 : index
    %swap3A_77 = vector.load %arg2[%swap3A_72, %swap3A_73, %swap3A_74, %swap3A_75, %swap3A_76] : memref<1x8x32x8x128xf32, #tpu.memory_space<vmem>>, vector<1x8x2x8x128xf32>
    %swap3A_78 = vector.shape_cast %swap3A_77 : vector<1x8x2x8x128xf32> to vector<8x2x8x128xf32>
    %swap3A_79 = vector.shape_cast %transpose3A_71 : vector<8x2x8x128xf32> to vector<1x8x2x8x128xf32>
    tpu.vector_store %arg2[%swap3A_72, %swap3A_73, %swap3A_74, %swap3A_75, %swap3A_76], %swap3A_79 {strides = array<i32>} : memref<1x8x32x8x128xf32, #tpu.memory_space<vmem>>, vector<1x8x2x8x128xf32>,
    %get3A_80 = arith.constant 768 : index
    %get3A_81 = arith.constant 0 : index
    %get3A_82 = vector.load %arg1[%get3A_80, %get3A_81] : memref<2048x128xf32, #tpu.memory_space<vmem>>, vector<128x128xf32>
    %transpose3A_83 = tpu.transpose %get3A_82, [1, 0] : vector<128x128xf32> -> vector<128x128xf32>
    %reshape3A_84 = vector.shape_cast %transpose3A_83 : vector<128x128xf32> to vector<2x8x8x128xf32>
    %transpose3A_85 = tpu.transpose %reshape3A_84, [1, 0, 2, 3] : vector<2x8x8x128xf32> -> vector<8x2x8x128xf32>
    %swap3A_86 = arith.constant 0 : index
    %swap3A_87 = arith.constant 0 : index
    %swap3A_88 = arith.constant 12 : index
    %swap3A_89 = arith.constant 0 : index
    %swap3A_90 = arith.constant 0 : index
    %swap3A_91 = vector.load %arg2[%swap3A_86, %swap3A_87, %swap3A_88, %swap3A_89, %swap3A_90] : memref<1x8x32x8x128xf32, #tpu.memory_space<vmem>>, vector<1x8x2x8x128xf32>
    %swap3A_92 = vector.shape_cast %swap3A_91 : vector<1x8x2x8x128xf32> to vector<8x2x8x128xf32>
    %swap3A_93 = vector.shape_cast %transpose3A_85 : vector<8x2x8x128xf32> to vector<1x8x2x8x128xf32>
    tpu.vector_store %arg2[%swap3A_86, %swap3A_87, %swap3A_88, %swap3A_89, %swap3A_90], %swap3A_93 {strides = array<i32>} : memref<1x8x32x8x128xf32, #tpu.memory_space<vmem>>, vector<1x8x2x8x128xf32>,
    %get3A_94 = arith.constant 896 : index
    %get3A_95 = arith.constant 0 : index
    %get3A_96 = vector.load %arg1[%get3A_94, %get3A_95] : memref<2048x128xf32, #tpu.memory_space<vmem>>, vector<128x128xf32>
    %transpose3A_97 = tpu.transpose %get3A_96, [1, 0] : vector<128x128xf32> -> vector<128x128xf32>
    %reshape3A_98 = vector.shape_cast %transpose3A_97 : vector<128x128xf32> to vector<2x8x8x128xf32>
    %transpose3A_99 = tpu.transpose %reshape3A_98, [1, 0, 2, 3] : vector<2x8x8x128xf32> -> vector<8x2x8x128xf32>
    %swap3A_100 = arith.constant 0 : index
    %swap3A_101 = arith.constant 0 : index
    %swap3A_102 = arith.constant 14 : index
    %swap3A_103 = arith.constant 0 : index
    %swap3A_104 = arith.constant 0 : index
    %swap3A_105 = vector.load %arg2[%swap3A_100, %swap3A_101, %swap3A_102, %swap3A_103, %swap3A_104] : memref<1x8x32x8x128xf32, #tpu.memory_space<vmem>>, vector<1x8x2x8x128xf32>
    %swap3A_106 = vector.shape_cast %swap3A_105 : vector<1x8x2x8x128xf32> to vector<8x2x8x128xf32>
    %swap3A_107 = vector.shape_cast %transpose3A_99 : vector<8x2x8x128xf32> to vector<1x8x2x8x128xf32>
    tpu.vector_store %arg2[%swap3A_100, %swap3A_101, %swap3A_102, %swap3A_103, %swap3A_104], %swap3A_107 {strides = array<i32>} : memref<1x8x32x8x128xf32, #tpu.memory_space<vmem>>, vector<1x8x2x8x128xf32>,
    %get3A_108 = arith.constant 1024 : index
    %get3A_109 = arith.constant 0 : index
    %get3A_110 = vector.load %arg1[%get3A_108, %get3A_109] : memref<2048x128xf32, #tpu.memory_space<vmem>>, vector<128x128xf32>
    %transpose3A_111 = tpu.transpose %get3A_110, [1, 0] : vector<128x128xf32> -> vector<128x128xf32>
    %reshape3A_112 = vector.shape_cast %transpose3A_111 : vector<128x128xf32> to vector<2x8x8x128xf32>
    %transpose3A_113 = tpu.transpose %reshape3A_112, [1, 0, 2, 3] : vector<2x8x8x128xf32> -> vector<8x2x8x128xf32>
    %swap3A_114 = arith.constant 0 : index
    %swap3A_115 = arith.constant 0 : index
    %swap3A_116 = arith.constant 16 : index
    %swap3A_117 = arith.constant 0 : index
    %swap3A_118 = arith.constant 0 : index
    %swap3A_119 = vector.load %arg2[%swap3A_114, %swap3A_115, %swap3A_116, %swap3A_117, %swap3A_118] : memref<1x8x32x8x128xf32, #tpu.memory_space<vmem>>, vector<1x8x2x8x128xf32>
    %swap3A_120 = vector.shape_cast %swap3A_119 : vector<1x8x2x8x128xf32> to vector<8x2x8x128xf32>
    %swap3A_121 = vector.shape_cast %transpose3A_113 : vector<8x2x8x128xf32> to vector<1x8x2x8x128xf32>
    tpu.vector_store %arg2[%swap3A_114, %swap3A_115, %swap3A_116, %swap3A_117, %swap3A_118], %swap3A_121 {strides = array<i32>} : memref<1x8x32x8x128xf32, #tpu.memory_space<vmem>>, vector<1x8x2x8x128xf32>,
    %get3A_122 = arith.constant 1152 : index
    %get3A_123 = arith.constant 0 : index
    %get3A_124 = vector.load %arg1[%get3A_122, %get3A_123] : memref<2048x128xf32, #tpu.memory_space<vmem>>, vector<128x128xf32>
    %transpose3A_125 = tpu.transpose %get3A_124, [1, 0] : vector<128x128xf32> -> vector<128x128xf32>
    %reshape3A_126 = vector.shape_cast %transpose3A_125 : vector<128x128xf32> to vector<2x8x8x128xf32>
    %transpose3A_127 = tpu.transpose %reshape3A_126, [1, 0, 2, 3] : vector<2x8x8x128xf32> -> vector<8x2x8x128xf32>
    %swap3A_128 = arith.constant 0 : index
    %swap3A_129 = arith.constant 0 : index
    %swap3A_130 = arith.constant 18 : index
    %swap3A_131 = arith.constant 0 : index
    %swap3A_132 = arith.constant 0 : index
    %swap3A_133 = vector.load %arg2[%swap3A_128, %swap3A_129, %swap3A_130, %swap3A_131, %swap3A_132] : memref<1x8x32x8x128xf32, #tpu.memory_space<vmem>>, vector<1x8x2x8x128xf32>
    %swap3A_134 = vector.shape_cast %swap3A_133 : vector<1x8x2x8x128xf32> to vector<8x2x8x128xf32>
    %swap3A_135 = vector.shape_cast %transpose3A_127 : vector<8x2x8x128xf32> to vector<1x8x2x8x128xf32>
    tpu.vector_store %arg2[%swap3A_128, %swap3A_129, %swap3A_130, %swap3A_131, %swap3A_132], %swap3A_135 {strides = array<i32>} : memref<1x8x32x8x128xf32, #tpu.memory_space<vmem>>, vector<1x8x2x8x128xf32>,
    %get3A_136 = arith.constant 1280 : index
    %get3A_137 = arith.constant 0 : index
    %get3A_138 = vector.load %arg1[%get3A_136, %get3A_137] : memref<2048x128xf32, #tpu.memory_space<vmem>>, vector<128x128xf32>
    %transpose3A_139 = tpu.transpose %get3A_138, [1, 0] : vector<128x128xf32> -> vector<128x128xf32>
    %reshape3A_140 = vector.shape_cast %transpose3A_139 : vector<128x128xf32> to vector<2x8x8x128xf32>
    %transpose3A_141 = tpu.transpose %reshape3A_140, [1, 0, 2, 3] : vector<2x8x8x128xf32> -> vector<8x2x8x128xf32>
    %swap3A_142 = arith.constant 0 : index
    %swap3A_143 = arith.constant 0 : index
    %swap3A_144 = arith.constant 20 : index
    %swap3A_145 = arith.constant 0 : index
    %swap3A_146 = arith.constant 0 : index
    %swap3A_147 = vector.load %arg2[%swap3A_142, %swap3A_143, %swap3A_144, %swap3A_145, %swap3A_146] : memref<1x8x32x8x128xf32, #tpu.memory_space<vmem>>, vector<1x8x2x8x128xf32>
    %swap3A_148 = vector.shape_cast %swap3A_147 : vector<1x8x2x8x128xf32> to vector<8x2x8x128xf32>
    %swap3A_149 = vector.shape_cast %transpose3A_141 : vector<8x2x8x128xf32> to vector<1x8x2x8x128xf32>
    tpu.vector_store %arg2[%swap3A_142, %swap3A_143, %swap3A_144, %swap3A_145, %swap3A_146], %swap3A_149 {strides = array<i32>} : memref<1x8x32x8x128xf32, #tpu.memory_space<vmem>>, vector<1x8x2x8x128xf32>,
    %get3A_150 = arith.constant 1408 : index
    %get3A_151 = arith.constant 0 : index
    %get3A_152 = vector.load %arg1[%get3A_150, %get3A_151] : memref<2048x128xf32, #tpu.memory_space<vmem>>, vector<128x128xf32>
    %transpose3A_153 = tpu.transpose %get3A_152, [1, 0] : vector<128x128xf32> -> vector<128x128xf32>
    %reshape3A_154 = vector.shape_cast %transpose3A_153 : vector<128x128xf32> to vector<2x8x8x128xf32>
    %transpose3A_155 = tpu.transpose %reshape3A_154, [1, 0, 2, 3] : vector<2x8x8x128xf32> -> vector<8x2x8x128xf32>
    %swap3A_156 = arith.constant 0 : index
    %swap3A_157 = arith.constant 0 : index
    %swap3A_158 = arith.constant 22 : index
    %swap3A_159 = arith.constant 0 : index
    %swap3A_160 = arith.constant 0 : index
    %swap3A_161 = vector.load %arg2[%swap3A_156, %swap3A_157, %swap3A_158, %swap3A_159, %swap3A_160] : memref<1x8x32x8x128xf32, #tpu.memory_space<vmem>>, vector<1x8x2x8x128xf32>
    %swap3A_162 = vector.shape_cast %swap3A_161 : vector<1x8x2x8x128xf32> to vector<8x2x8x128xf32>
    %swap3A_163 = vector.shape_cast %transpose3A_155 : vector<8x2x8x128xf32> to vector<1x8x2x8x128xf32>
    tpu.vector_store %arg2[%swap3A_156, %swap3A_157, %swap3A_158, %swap3A_159, %swap3A_160], %swap3A_163 {strides = array<i32>} : memref<1x8x32x8x128xf32, #tpu.memory_space<vmem>>, vector<1x8x2x8x128xf32>,
    %get3A_164 = arith.constant 1536 : index
    %get3A_165 = arith.constant 0 : index
    %get3A_166 = vector.load %arg1[%get3A_164, %get3A_165] : memref<2048x128xf32, #tpu.memory_space<vmem>>, vector<128x128xf32>
    %transpose3A_167 = tpu.transpose %get3A_166, [1, 0] : vector<128x128xf32> -> vector<128x128xf32>
    %reshape3A_168 = vector.shape_cast %transpose3A_167 : vector<128x128xf32> to vector<2x8x8x128xf32>
    %transpose3A_169 = tpu.transpose %reshape3A_168, [1, 0, 2, 3] : vector<2x8x8x128xf32> -> vector<8x2x8x128xf32>
    %swap3A_170 = arith.constant 0 : index
    %swap3A_171 = arith.constant 0 : index
    %swap3A_172 = arith.constant 24 : index
    %swap3A_173 = arith.constant 0 : index
    %swap3A_174 = arith.constant 0 : index
    %swap3A_175 = vector.load %arg2[%swap3A_170, %swap3A_171, %swap3A_172, %swap3A_173, %swap3A_174] : memref<1x8x32x8x128xf32, #tpu.memory_space<vmem>>, vector<1x8x2x8x128xf32>
    %swap3A_176 = vector.shape_cast %swap3A_175 : vector<1x8x2x8x128xf32> to vector<8x2x8x128xf32>
    %swap3A_177 = vector.shape_cast %transpose3A_169 : vector<8x2x8x128xf32> to vector<1x8x2x8x128xf32>
    tpu.vector_store %arg2[%swap3A_170, %swap3A_171, %swap3A_172, %swap3A_173, %swap3A_174], %swap3A_177 {strides = array<i32>} : memref<1x8x32x8x128xf32, #tpu.memory_space<vmem>>, vector<1x8x2x8x128xf32>,
    %get3A_178 = arith.constant 1664 : index
    %get3A_179 = arith.constant 0 : index
    %get3A_180 = vector.load %arg1[%get3A_178, %get3A_179] : memref<2048x128xf32, #tpu.memory_space<vmem>>, vector<128x128xf32>
    %transpose3A_181 = tpu.transpose %get3A_180, [1, 0] : vector<128x128xf32> -> vector<128x128xf32>
    %reshape3A_182 = vector.shape_cast %transpose3A_181 : vector<128x128xf32> to vector<2x8x8x128xf32>
    %transpose3A_183 = tpu.transpose %reshape3A_182, [1, 0, 2, 3] : vector<2x8x8x128xf32> -> vector<8x2x8x128xf32>
    %swap3A_184 = arith.constant 0 : index
    %swap3A_185 = arith.constant 0 : index
    %swap3A_186 = arith.constant 26 : index
    %swap3A_187 = arith.constant 0 : index
    %swap3A_188 = arith.constant 0 : index
    %swap3A_189 = vector.load %arg2[%swap3A_184, %swap3A_185, %swap3A_186, %swap3A_187, %swap3A_188] : memref<1x8x32x8x128xf32, #tpu.memory_space<vmem>>, vector<1x8x2x8x128xf32>
    %swap3A_190 = vector.shape_cast %swap3A_189 : vector<1x8x2x8x128xf32> to vector<8x2x8x128xf32>
    %swap3A_191 = vector.shape_cast %transpose3A_183 : vector<8x2x8x128xf32> to vector<1x8x2x8x128xf32>
    tpu.vector_store %arg2[%swap3A_184, %swap3A_185, %swap3A_186, %swap3A_187, %swap3A_188], %swap3A_191 {strides = array<i32>} : memref<1x8x32x8x128xf32, #tpu.memory_space<vmem>>, vector<1x8x2x8x128xf32>,
    %get3A_192 = arith.constant 1792 : index
    %get3A_193 = arith.constant 0 : index
    %get3A_194 = vector.load %arg1[%get3A_192, %get3A_193] : memref<2048x128xf32, #tpu.memory_space<vmem>>, vector<128x128xf32>
    %transpose3A_195 = tpu.transpose %get3A_194, [1, 0] : vector<128x128xf32> -> vector<128x128xf32>
    %reshape3A_196 = vector.shape_cast %transpose3A_195 : vector<128x128xf32> to vector<2x8x8x128xf32>
    %transpose3A_197 = tpu.transpose %reshape3A_196, [1, 0, 2, 3] : vector<2x8x8x128xf32> -> vector<8x2x8x128xf32>
    %swap3A_198 = arith.constant 0 : index
    %swap3A_199 = arith.constant 0 : index
    %swap3A_200 = arith.constant 28 : index
    %swap3A_201 = arith.constant 0 : index
    %swap3A_202 = arith.constant 0 : index
    %swap3A_203 = vector.load %arg2[%swap3A_198, %swap3A_199, %swap3A_200, %swap3A_201, %swap3A_202] : memref<1x8x32x8x128xf32, #tpu.memory_space<vmem>>, vector<1x8x2x8x128xf32>
    %swap3A_204 = vector.shape_cast %swap3A_203 : vector<1x8x2x8x128xf32> to vector<8x2x8x128xf32>
    %swap3A_205 = vector.shape_cast %transpose3A_197 : vector<8x2x8x128xf32> to vector<1x8x2x8x128xf32>
    tpu.vector_store %arg2[%swap3A_198, %swap3A_199, %swap3A_200, %swap3A_201, %swap3A_202], %swap3A_205 {strides = array<i32>} : memref<1x8x32x8x128xf32, #tpu.memory_space<vmem>>, vector<1x8x2x8x128xf32>,
    %get3A_206 = arith.constant 1920 : index
    %get3A_207 = arith.constant 0 : index
    %get3A_208 = vector.load %arg1[%get3A_206, %get3A_207] : memref<2048x128xf32, #tpu.memory_space<vmem>>, vector<128x128xf32>
    %transpose3A_209 = tpu.transpose %get3A_208, [1, 0] : vector<128x128xf32> -> vector<128x128xf32>
    %reshape3A_210 = vector.shape_cast %transpose3A_209 : vector<128x128xf32> to vector<2x8x8x128xf32>
    %transpose3A_211 = tpu.transpose %reshape3A_210, [1, 0, 2, 3] : vector<2x8x8x128xf32> -> vector<8x2x8x128xf32>
    %swap3A_212 = arith.constant 0 : index
    %swap3A_213 = arith.constant 0 : index
    %swap3A_214 = arith.constant 30 : index
    %swap3A_215 = arith.constant 0 : index
    %swap3A_216 = arith.constant 0 : index
    %swap3A_217 = vector.load %arg2[%swap3A_212, %swap3A_213, %swap3A_214, %swap3A_215, %swap3A_216] : memref<1x8x32x8x128xf32, #tpu.memory_space<vmem>>, vector<1x8x2x8x128xf32>
    %swap3A_218 = vector.shape_cast %swap3A_217 : vector<1x8x2x8x128xf32> to vector<8x2x8x128xf32>
    %swap3A_219 = vector.shape_cast %transpose3A_211 : vector<8x2x8x128xf32> to vector<1x8x2x8x128xf32>
    tpu.vector_store %arg2[%swap3A_212, %swap3A_213, %swap3A_214, %swap3A_215, %swap3A_216], %swap3A_219 {strides = array<i32>} : memref<1x8x32x8x128xf32, #tpu.memory_space<vmem>>, vector<1x8x2x8x128xf32>,
    return
  }
  func.func @transform_0(%arg0: i32) -> (i32, i32) {
    %c0_i32 = arith.constant 0 : i32
    %c0_i32_0 = arith.constant 0 : i32
    return %arg0, %c0_i32 : i32, i32
  }
  func.func @transform_1(%arg0: i32) -> (i32, i32, i32, i32, i32) {
    %c0_i32 = arith.constant 0 : i32
    %c0_i32_0 = arith.constant 0 : i32
    %c0_i32_1 = arith.constant 0 : i32
    %c0_i32_2 = arith.constant 0 : i32
    %c0_i32_3 = arith.constant 0 : i32
    return %arg0, %c0_i32, %c0_i32_0, %c0_i32_1, %c0_i32_2 : i32, i32, i32, i32, i32
  }
}

module attributes {stable_mosaic.version = 14 : i64} {
  func.func @body(%arg0: i32, %arg1: memref<200x8x32x8x128xf32, #tpu.memory_space<any>>, %arg2: memref<2048x128xf32, #tpu.memory_space<vmem>>, %arg3: memref<1x8x32x8x128xf32, #tpu.memory_space<vmem>>) attributes {dimension_semantics = [#tpu.dimension_semantics<arbitrary>], iteration_bounds = array<i64: 50>, scalar_prefetch = 0 : i64, scratch_operands = 0 : i64, tpu.core_type = #tpu.core_type<tc>, window_params = [{}, {transform_indices = @transform_1, window_bounds = array<i64: 2048, 128>}, {transform_indices = @transform_2, window_bounds = array<i64: 1, 8, 32, 8, 128>}]} {
    %get3A = arith.constant 0 : index
    %get3A_0 = arith.constant 0 : index
    %get3A_1 = vector.load %arg2[%get3A, %get3A_0] : memref<2048x128xf32, #tpu.memory_space<vmem>>, vector<128x128xf32>
    %transpose3A = tpu.transpose %get3A_1, [1, 0] : vector<128x128xf32> -> vector<128x128xf32>
    %reshape3A = vector.shape_cast %transpose3A : vector<128x128xf32> to vector<2x8x8x128xf32>
    %transpose3A_2 = tpu.transpose %reshape3A, [1, 0, 2, 3] : vector<2x8x8x128xf32> -> vector<8x2x8x128xf32>
    %swap3A = arith.constant 0 : index
    %swap3A_3 = arith.constant 0 : index
    %swap3A_4 = arith.constant 0 : index
    %swap3A_5 = arith.constant 0 : index
    %swap3A_6 = arith.constant 0 : index
    %swap3A_7 = vector.load %arg3[%swap3A, %swap3A_3, %swap3A_4, %swap3A_5, %swap3A_6] : memref<1x8x32x8x128xf32, #tpu.memory_space<vmem>>, vector<1x8x2x8x128xf32>
    %swap3A_8 = vector.shape_cast %swap3A_7 : vector<1x8x2x8x128xf32> to vector<8x2x8x128xf32>
    %swap3A_9 = vector.shape_cast %transpose3A_2 : vector<8x2x8x128xf32> to vector<1x8x2x8x128xf32>
    tpu.vector_store %arg3[%swap3A, %swap3A_3, %swap3A_4, %swap3A_5, %swap3A_6], %swap3A_9 {strides = array<i32>} : memref<1x8x32x8x128xf32, #tpu.memory_space<vmem>>, vector<1x8x2x8x128xf32>,
    %get3A_10 = arith.constant 128 : index
    %get3A_11 = arith.constant 0 : index
    %get3A_12 = vector.load %arg2[%get3A_10, %get3A_11] : memref<2048x128xf32, #tpu.memory_space<vmem>>, vector<128x128xf32>
    %transpose3A_13 = tpu.transpose %get3A_12, [1, 0] : vector<128x128xf32> -> vector<128x128xf32>
    %reshape3A_14 = vector.shape_cast %transpose3A_13 : vector<128x128xf32> to vector<2x8x8x128xf32>
    %transpose3A_15 = tpu.transpose %reshape3A_14, [1, 0, 2, 3] : vector<2x8x8x128xf32> -> vector<8x2x8x128xf32>
    %swap3A_16 = arith.constant 0 : index
    %swap3A_17 = arith.constant 0 : index
    %swap3A_18 = arith.constant 2 : index
    %swap3A_19 = arith.constant 0 : index
    %swap3A_20 = arith.constant 0 : index
    %swap3A_21 = vector.load %arg3[%swap3A_16, %swap3A_17, %swap3A_18, %swap3A_19, %swap3A_20] : memref<1x8x32x8x128xf32, #tpu.memory_space<vmem>>, vector<1x8x2x8x128xf32>
    %swap3A_22 = vector.shape_cast %swap3A_21 : vector<1x8x2x8x128xf32> to vector<8x2x8x128xf32>
    %swap3A_23 = vector.shape_cast %transpose3A_15 : vector<8x2x8x128xf32> to vector<1x8x2x8x128xf32>
    tpu.vector_store %arg3[%swap3A_16, %swap3A_17, %swap3A_18, %swap3A_19, %swap3A_20], %swap3A_23 {strides = array<i32>} : memref<1x8x32x8x128xf32, #tpu.memory_space<vmem>>, vector<1x8x2x8x128xf32>,
    %get3A_24 = arith.constant 256 : index
    %get3A_25 = arith.constant 0 : index
    %get3A_26 = vector.load %arg2[%get3A_24, %get3A_25] : memref<2048x128xf32, #tpu.memory_space<vmem>>, vector<128x128xf32>
    %transpose3A_27 = tpu.transpose %get3A_26, [1, 0] : vector<128x128xf32> -> vector<128x128xf32>
    %reshape3A_28 = vector.shape_cast %transpose3A_27 : vector<128x128xf32> to vector<2x8x8x128xf32>
    %transpose3A_29 = tpu.transpose %reshape3A_28, [1, 0, 2, 3] : vector<2x8x8x128xf32> -> vector<8x2x8x128xf32>
    %swap3A_30 = arith.constant 0 : index
    %swap3A_31 = arith.constant 0 : index
    %swap3A_32 = arith.constant 4 : index
    %swap3A_33 = arith.constant 0 : index
    %swap3A_34 = arith.constant 0 : index
    %swap3A_35 = vector.load %arg3[%swap3A_30, %swap3A_31, %swap3A_32, %swap3A_33, %swap3A_34] : memref<1x8x32x8x128xf32, #tpu.memory_space<vmem>>, vector<1x8x2x8x128xf32>
    %swap3A_36 = vector.shape_cast %swap3A_35 : vector<1x8x2x8x128xf32> to vector<8x2x8x128xf32>
    %swap3A_37 = vector.shape_cast %transpose3A_29 : vector<8x2x8x128xf32> to vector<1x8x2x8x128xf32>
    tpu.vector_store %arg3[%swap3A_30, %swap3A_31, %swap3A_32, %swap3A_33, %swap3A_34], %swap3A_37 {strides = array<i32>} : memref<1x8x32x8x128xf32, #tpu.memory_space<vmem>>, vector<1x8x2x8x128xf32>,
    %get3A_38 = arith.constant 384 : index
    %get3A_39 = arith.constant 0 : index
    %get3A_40 = vector.load %arg2[%get3A_38, %get3A_39] : memref<2048x128xf32, #tpu.memory_space<vmem>>, vector<128x128xf32>
    %transpose3A_41 = tpu.transpose %get3A_40, [1, 0] : vector<128x128xf32> -> vector<128x128xf32>
    %reshape3A_42 = vector.shape_cast %transpose3A_41 : vector<128x128xf32> to vector<2x8x8x128xf32>
    %transpose3A_43 = tpu.transpose %reshape3A_42, [1, 0, 2, 3] : vector<2x8x8x128xf32> -> vector<8x2x8x128xf32>
    %swap3A_44 = arith.constant 0 : index
    %swap3A_45 = arith.constant 0 : index
    %swap3A_46 = arith.constant 6 : index
    %swap3A_47 = arith.constant 0 : index
    %swap3A_48 = arith.constant 0 : index
    %swap3A_49 = vector.load %arg3[%swap3A_44, %swap3A_45, %swap3A_46, %swap3A_47, %swap3A_48] : memref<1x8x32x8x128xf32, #tpu.memory_space<vmem>>, vector<1x8x2x8x128xf32>
    %swap3A_50 = vector.shape_cast %swap3A_49 : vector<1x8x2x8x128xf32> to vector<8x2x8x128xf32>
    %swap3A_51 = vector.shape_cast %transpose3A_43 : vector<8x2x8x128xf32> to vector<1x8x2x8x128xf32>
    tpu.vector_store %arg3[%swap3A_44, %swap3A_45, %swap3A_46, %swap3A_47, %swap3A_48], %swap3A_51 {strides = array<i32>} : memref<1x8x32x8x128xf32, #tpu.memory_space<vmem>>, vector<1x8x2x8x128xf32>,
    %get3A_52 = arith.constant 512 : index
    %get3A_53 = arith.constant 0 : index
    %get3A_54 = vector.load %arg2[%get3A_52, %get3A_53] : memref<2048x128xf32, #tpu.memory_space<vmem>>, vector<128x128xf32>
    %transpose3A_55 = tpu.transpose %get3A_54, [1, 0] : vector<128x128xf32> -> vector<128x128xf32>
    %reshape3A_56 = vector.shape_cast %transpose3A_55 : vector<128x128xf32> to vector<2x8x8x128xf32>
    %transpose3A_57 = tpu.transpose %reshape3A_56, [1, 0, 2, 3] : vector<2x8x8x128xf32> -> vector<8x2x8x128xf32>
    %swap3A_58 = arith.constant 0 : index
    %swap3A_59 = arith.constant 0 : index
    %swap3A_60 = arith.constant 8 : index
    %swap3A_61 = arith.constant 0 : index
    %swap3A_62 = arith.constant 0 : index
    %swap3A_63 = vector.load %arg3[%swap3A_58, %swap3A_59, %swap3A_60, %swap3A_61, %swap3A_62] : memref<1x8x32x8x128xf32, #tpu.memory_space<vmem>>, vector<1x8x2x8x128xf32>
    %swap3A_64 = vector.shape_cast %swap3A_63 : vector<1x8x2x8x128xf32> to vector<8x2x8x128xf32>
    %swap3A_65 = vector.shape_cast %transpose3A_57 : vector<8x2x8x128xf32> to vector<1x8x2x8x128xf32>
    tpu.vector_store %arg3[%swap3A_58, %swap3A_59, %swap3A_60, %swap3A_61, %swap3A_62], %swap3A_65 {strides = array<i32>} : memref<1x8x32x8x128xf32, #tpu.memory_space<vmem>>, vector<1x8x2x8x128xf32>,
    %get3A_66 = arith.constant 640 : index
    %get3A_67 = arith.constant 0 : index
    %get3A_68 = vector.load %arg2[%get3A_66, %get3A_67] : memref<2048x128xf32, #tpu.memory_space<vmem>>, vector<128x128xf32>
    %transpose3A_69 = tpu.transpose %get3A_68, [1, 0] : vector<128x128xf32> -> vector<128x128xf32>
    %reshape3A_70 = vector.shape_cast %transpose3A_69 : vector<128x128xf32> to vector<2x8x8x128xf32>
    %transpose3A_71 = tpu.transpose %reshape3A_70, [1, 0, 2, 3] : vector<2x8x8x128xf32> -> vector<8x2x8x128xf32>
    %swap3A_72 = arith.constant 0 : index
    %swap3A_73 = arith.constant 0 : index
    %swap3A_74 = arith.constant 10 : index
    %swap3A_75 = arith.constant 0 : index
    %swap3A_76 = arith.constant 0 : index
    %swap3A_77 = vector.load %arg3[%swap3A_72, %swap3A_73, %swap3A_74, %swap3A_75, %swap3A_76] : memref<1x8x32x8x128xf32, #tpu.memory_space<vmem>>, vector<1x8x2x8x128xf32>
    %swap3A_78 = vector.shape_cast %swap3A_77 : vector<1x8x2x8x128xf32> to vector<8x2x8x128xf32>
    %swap3A_79 = vector.shape_cast %transpose3A_71 : vector<8x2x8x128xf32> to vector<1x8x2x8x128xf32>
    tpu.vector_store %arg3[%swap3A_72, %swap3A_73, %swap3A_74, %swap3A_75, %swap3A_76], %swap3A_79 {strides = array<i32>} : memref<1x8x32x8x128xf32, #tpu.memory_space<vmem>>, vector<1x8x2x8x128xf32>,
    %get3A_80 = arith.constant 768 : index
    %get3A_81 = arith.constant 0 : index
    %get3A_82 = vector.load %arg2[%get3A_80, %get3A_81] : memref<2048x128xf32, #tpu.memory_space<vmem>>, vector<128x128xf32>
    %transpose3A_83 = tpu.transpose %get3A_82, [1, 0] : vector<128x128xf32> -> vector<128x128xf32>
    %reshape3A_84 = vector.shape_cast %transpose3A_83 : vector<128x128xf32> to vector<2x8x8x128xf32>
    %transpose3A_85 = tpu.transpose %reshape3A_84, [1, 0, 2, 3] : vector<2x8x8x128xf32> -> vector<8x2x8x128xf32>
    %swap3A_86 = arith.constant 0 : index
    %swap3A_87 = arith.constant 0 : index
    %swap3A_88 = arith.constant 12 : index
    %swap3A_89 = arith.constant 0 : index
    %swap3A_90 = arith.constant 0 : index
    %swap3A_91 = vector.load %arg3[%swap3A_86, %swap3A_87, %swap3A_88, %swap3A_89, %swap3A_90] : memref<1x8x32x8x128xf32, #tpu.memory_space<vmem>>, vector<1x8x2x8x128xf32>
    %swap3A_92 = vector.shape_cast %swap3A_91 : vector<1x8x2x8x128xf32> to vector<8x2x8x128xf32>
    %swap3A_93 = vector.shape_cast %transpose3A_85 : vector<8x2x8x128xf32> to vector<1x8x2x8x128xf32>
    tpu.vector_store %arg3[%swap3A_86, %swap3A_87, %swap3A_88, %swap3A_89, %swap3A_90], %swap3A_93 {strides = array<i32>} : memref<1x8x32x8x128xf32, #tpu.memory_space<vmem>>, vector<1x8x2x8x128xf32>,
    %get3A_94 = arith.constant 896 : index
    %get3A_95 = arith.constant 0 : index
    %get3A_96 = vector.load %arg2[%get3A_94, %get3A_95] : memref<2048x128xf32, #tpu.memory_space<vmem>>, vector<128x128xf32>
    %transpose3A_97 = tpu.transpose %get3A_96, [1, 0] : vector<128x128xf32> -> vector<128x128xf32>
    %reshape3A_98 = vector.shape_cast %transpose3A_97 : vector<128x128xf32> to vector<2x8x8x128xf32>
    %transpose3A_99 = tpu.transpose %reshape3A_98, [1, 0, 2, 3] : vector<2x8x8x128xf32> -> vector<8x2x8x128xf32>
    %swap3A_100 = arith.constant 0 : index
    %swap3A_101 = arith.constant 0 : index
    %swap3A_102 = arith.constant 14 : index
    %swap3A_103 = arith.constant 0 : index
    %swap3A_104 = arith.constant 0 : index
    %swap3A_105 = vector.load %arg3[%swap3A_100, %swap3A_101, %swap3A_102, %swap3A_103, %swap3A_104] : memref<1x8x32x8x128xf32, #tpu.memory_space<vmem>>, vector<1x8x2x8x128xf32>
    %swap3A_106 = vector.shape_cast %swap3A_105 : vector<1x8x2x8x128xf32> to vector<8x2x8x128xf32>
    %swap3A_107 = vector.shape_cast %transpose3A_99 : vector<8x2x8x128xf32> to vector<1x8x2x8x128xf32>
    tpu.vector_store %arg3[%swap3A_100, %swap3A_101, %swap3A_102, %swap3A_103, %swap3A_104], %swap3A_107 {strides = array<i32>} : memref<1x8x32x8x128xf32, #tpu.memory_space<vmem>>, vector<1x8x2x8x128xf32>,
    %get3A_108 = arith.constant 1024 : index
    %get3A_109 = arith.constant 0 : index
    %get3A_110 = vector.load %arg2[%get3A_108, %get3A_109] : memref<2048x128xf32, #tpu.memory_space<vmem>>, vector<128x128xf32>
    %transpose3A_111 = tpu.transpose %get3A_110, [1, 0] : vector<128x128xf32> -> vector<128x128xf32>
    %reshape3A_112 = vector.shape_cast %transpose3A_111 : vector<128x128xf32> to vector<2x8x8x128xf32>
    %transpose3A_113 = tpu.transpose %reshape3A_112, [1, 0, 2, 3] : vector<2x8x8x128xf32> -> vector<8x2x8x128xf32>
    %swap3A_114 = arith.constant 0 : index
    %swap3A_115 = arith.constant 0 : index
    %swap3A_116 = arith.constant 16 : index
    %swap3A_117 = arith.constant 0 : index
    %swap3A_118 = arith.constant 0 : index
    %swap3A_119 = vector.load %arg3[%swap3A_114, %swap3A_115, %swap3A_116, %swap3A_117, %swap3A_118] : memref<1x8x32x8x128xf32, #tpu.memory_space<vmem>>, vector<1x8x2x8x128xf32>
    %swap3A_120 = vector.shape_cast %swap3A_119 : vector<1x8x2x8x128xf32> to vector<8x2x8x128xf32>
    %swap3A_121 = vector.shape_cast %transpose3A_113 : vector<8x2x8x128xf32> to vector<1x8x2x8x128xf32>
    tpu.vector_store %arg3[%swap3A_114, %swap3A_115, %swap3A_116, %swap3A_117, %swap3A_118], %swap3A_121 {strides = array<i32>} : memref<1x8x32x8x128xf32, #tpu.memory_space<vmem>>, vector<1x8x2x8x128xf32>,
    %get3A_122 = arith.constant 1152 : index
    %get3A_123 = arith.constant 0 : index
    %get3A_124 = vector.load %arg2[%get3A_122, %get3A_123] : memref<2048x128xf32, #tpu.memory_space<vmem>>, vector<128x128xf32>
    %transpose3A_125 = tpu.transpose %get3A_124, [1, 0] : vector<128x128xf32> -> vector<128x128xf32>
    %reshape3A_126 = vector.shape_cast %transpose3A_125 : vector<128x128xf32> to vector<2x8x8x128xf32>
    %transpose3A_127 = tpu.transpose %reshape3A_126, [1, 0, 2, 3] : vector<2x8x8x128xf32> -> vector<8x2x8x128xf32>
    %swap3A_128 = arith.constant 0 : index
    %swap3A_129 = arith.constant 0 : index
    %swap3A_130 = arith.constant 18 : index
    %swap3A_131 = arith.constant 0 : index
    %swap3A_132 = arith.constant 0 : index
    %swap3A_133 = vector.load %arg3[%swap3A_128, %swap3A_129, %swap3A_130, %swap3A_131, %swap3A_132] : memref<1x8x32x8x128xf32, #tpu.memory_space<vmem>>, vector<1x8x2x8x128xf32>
    %swap3A_134 = vector.shape_cast %swap3A_133 : vector<1x8x2x8x128xf32> to vector<8x2x8x128xf32>
    %swap3A_135 = vector.shape_cast %transpose3A_127 : vector<8x2x8x128xf32> to vector<1x8x2x8x128xf32>
    tpu.vector_store %arg3[%swap3A_128, %swap3A_129, %swap3A_130, %swap3A_131, %swap3A_132], %swap3A_135 {strides = array<i32>} : memref<1x8x32x8x128xf32, #tpu.memory_space<vmem>>, vector<1x8x2x8x128xf32>,
    %get3A_136 = arith.constant 1280 : index
    %get3A_137 = arith.constant 0 : index
    %get3A_138 = vector.load %arg2[%get3A_136, %get3A_137] : memref<2048x128xf32, #tpu.memory_space<vmem>>, vector<128x128xf32>
    %transpose3A_139 = tpu.transpose %get3A_138, [1, 0] : vector<128x128xf32> -> vector<128x128xf32>
    %reshape3A_140 = vector.shape_cast %transpose3A_139 : vector<128x128xf32> to vector<2x8x8x128xf32>
    %transpose3A_141 = tpu.transpose %reshape3A_140, [1, 0, 2, 3] : vector<2x8x8x128xf32> -> vector<8x2x8x128xf32>
    %swap3A_142 = arith.constant 0 : index
    %swap3A_143 = arith.constant 0 : index
    %swap3A_144 = arith.constant 20 : index
    %swap3A_145 = arith.constant 0 : index
    %swap3A_146 = arith.constant 0 : index
    %swap3A_147 = vector.load %arg3[%swap3A_142, %swap3A_143, %swap3A_144, %swap3A_145, %swap3A_146] : memref<1x8x32x8x128xf32, #tpu.memory_space<vmem>>, vector<1x8x2x8x128xf32>
    %swap3A_148 = vector.shape_cast %swap3A_147 : vector<1x8x2x8x128xf32> to vector<8x2x8x128xf32>
    %swap3A_149 = vector.shape_cast %transpose3A_141 : vector<8x2x8x128xf32> to vector<1x8x2x8x128xf32>
    tpu.vector_store %arg3[%swap3A_142, %swap3A_143, %swap3A_144, %swap3A_145, %swap3A_146], %swap3A_149 {strides = array<i32>} : memref<1x8x32x8x128xf32, #tpu.memory_space<vmem>>, vector<1x8x2x8x128xf32>,
    %get3A_150 = arith.constant 1408 : index
    %get3A_151 = arith.constant 0 : index
    %get3A_152 = vector.load %arg2[%get3A_150, %get3A_151] : memref<2048x128xf32, #tpu.memory_space<vmem>>, vector<128x128xf32>
    %transpose3A_153 = tpu.transpose %get3A_152, [1, 0] : vector<128x128xf32> -> vector<128x128xf32>
    %reshape3A_154 = vector.shape_cast %transpose3A_153 : vector<128x128xf32> to vector<2x8x8x128xf32>
    %transpose3A_155 = tpu.transpose %reshape3A_154, [1, 0, 2, 3] : vector<2x8x8x128xf32> -> vector<8x2x8x128xf32>
    %swap3A_156 = arith.constant 0 : index
    %swap3A_157 = arith.constant 0 : index
    %swap3A_158 = arith.constant 22 : index
    %swap3A_159 = arith.constant 0 : index
    %swap3A_160 = arith.constant 0 : index
    %swap3A_161 = vector.load %arg3[%swap3A_156, %swap3A_157, %swap3A_158, %swap3A_159, %swap3A_160] : memref<1x8x32x8x128xf32, #tpu.memory_space<vmem>>, vector<1x8x2x8x128xf32>
    %swap3A_162 = vector.shape_cast %swap3A_161 : vector<1x8x2x8x128xf32> to vector<8x2x8x128xf32>
    %swap3A_163 = vector.shape_cast %transpose3A_155 : vector<8x2x8x128xf32> to vector<1x8x2x8x128xf32>
    tpu.vector_store %arg3[%swap3A_156, %swap3A_157, %swap3A_158, %swap3A_159, %swap3A_160], %swap3A_163 {strides = array<i32>} : memref<1x8x32x8x128xf32, #tpu.memory_space<vmem>>, vector<1x8x2x8x128xf32>,
    %get3A_164 = arith.constant 1536 : index
    %get3A_165 = arith.constant 0 : index
    %get3A_166 = vector.load %arg2[%get3A_164, %get3A_165] : memref<2048x128xf32, #tpu.memory_space<vmem>>, vector<128x128xf32>
    %transpose3A_167 = tpu.transpose %get3A_166, [1, 0] : vector<128x128xf32> -> vector<128x128xf32>
    %reshape3A_168 = vector.shape_cast %transpose3A_167 : vector<128x128xf32> to vector<2x8x8x128xf32>
    %transpose3A_169 = tpu.transpose %reshape3A_168, [1, 0, 2, 3] : vector<2x8x8x128xf32> -> vector<8x2x8x128xf32>
    %swap3A_170 = arith.constant 0 : index
    %swap3A_171 = arith.constant 0 : index
    %swap3A_172 = arith.constant 24 : index
    %swap3A_173 = arith.constant 0 : index
    %swap3A_174 = arith.constant 0 : index
    %swap3A_175 = vector.load %arg3[%swap3A_170, %swap3A_171, %swap3A_172, %swap3A_173, %swap3A_174] : memref<1x8x32x8x128xf32, #tpu.memory_space<vmem>>, vector<1x8x2x8x128xf32>
    %swap3A_176 = vector.shape_cast %swap3A_175 : vector<1x8x2x8x128xf32> to vector<8x2x8x128xf32>
    %swap3A_177 = vector.shape_cast %transpose3A_169 : vector<8x2x8x128xf32> to vector<1x8x2x8x128xf32>
    tpu.vector_store %arg3[%swap3A_170, %swap3A_171, %swap3A_172, %swap3A_173, %swap3A_174], %swap3A_177 {strides = array<i32>} : memref<1x8x32x8x128xf32, #tpu.memory_space<vmem>>, vector<1x8x2x8x128xf32>,
    %get3A_178 = arith.constant 1664 : index
    %get3A_179 = arith.constant 0 : index
    %get3A_180 = vector.load %arg2[%get3A_178, %get3A_179] : memref<2048x128xf32, #tpu.memory_space<vmem>>, vector<128x128xf32>
    %transpose3A_181 = tpu.transpose %get3A_180, [1, 0] : vector<128x128xf32> -> vector<128x128xf32>
    %reshape3A_182 = vector.shape_cast %transpose3A_181 : vector<128x128xf32> to vector<2x8x8x128xf32>
    %transpose3A_183 = tpu.transpose %reshape3A_182, [1, 0, 2, 3] : vector<2x8x8x128xf32> -> vector<8x2x8x128xf32>
    %swap3A_184 = arith.constant 0 : index
    %swap3A_185 = arith.constant 0 : index
    %swap3A_186 = arith.constant 26 : index
    %swap3A_187 = arith.constant 0 : index
    %swap3A_188 = arith.constant 0 : index
    %swap3A_189 = vector.load %arg3[%swap3A_184, %swap3A_185, %swap3A_186, %swap3A_187, %swap3A_188] : memref<1x8x32x8x128xf32, #tpu.memory_space<vmem>>, vector<1x8x2x8x128xf32>
    %swap3A_190 = vector.shape_cast %swap3A_189 : vector<1x8x2x8x128xf32> to vector<8x2x8x128xf32>
    %swap3A_191 = vector.shape_cast %transpose3A_183 : vector<8x2x8x128xf32> to vector<1x8x2x8x128xf32>
    tpu.vector_store %arg3[%swap3A_184, %swap3A_185, %swap3A_186, %swap3A_187, %swap3A_188], %swap3A_191 {strides = array<i32>} : memref<1x8x32x8x128xf32, #tpu.memory_space<vmem>>, vector<1x8x2x8x128xf32>,
    %get3A_192 = arith.constant 1792 : index
    %get3A_193 = arith.constant 0 : index
    %get3A_194 = vector.load %arg2[%get3A_192, %get3A_193] : memref<2048x128xf32, #tpu.memory_space<vmem>>, vector<128x128xf32>
    %transpose3A_195 = tpu.transpose %get3A_194, [1, 0] : vector<128x128xf32> -> vector<128x128xf32>
    %reshape3A_196 = vector.shape_cast %transpose3A_195 : vector<128x128xf32> to vector<2x8x8x128xf32>
    %transpose3A_197 = tpu.transpose %reshape3A_196, [1, 0, 2, 3] : vector<2x8x8x128xf32> -> vector<8x2x8x128xf32>
    %swap3A_198 = arith.constant 0 : index
    %swap3A_199 = arith.constant 0 : index
    %swap3A_200 = arith.constant 28 : index
    %swap3A_201 = arith.constant 0 : index
    %swap3A_202 = arith.constant 0 : index
    %swap3A_203 = vector.load %arg3[%swap3A_198, %swap3A_199, %swap3A_200, %swap3A_201, %swap3A_202] : memref<1x8x32x8x128xf32, #tpu.memory_space<vmem>>, vector<1x8x2x8x128xf32>
    %swap3A_204 = vector.shape_cast %swap3A_203 : vector<1x8x2x8x128xf32> to vector<8x2x8x128xf32>
    %swap3A_205 = vector.shape_cast %transpose3A_197 : vector<8x2x8x128xf32> to vector<1x8x2x8x128xf32>
    tpu.vector_store %arg3[%swap3A_198, %swap3A_199, %swap3A_200, %swap3A_201, %swap3A_202], %swap3A_205 {strides = array<i32>} : memref<1x8x32x8x128xf32, #tpu.memory_space<vmem>>, vector<1x8x2x8x128xf32>,
    %get3A_206 = arith.constant 1920 : index
    %get3A_207 = arith.constant 0 : index
    %get3A_208 = vector.load %arg2[%get3A_206, %get3A_207] : memref<2048x128xf32, #tpu.memory_space<vmem>>, vector<128x128xf32>
    %transpose3A_209 = tpu.transpose %get3A_208, [1, 0] : vector<128x128xf32> -> vector<128x128xf32>
    %reshape3A_210 = vector.shape_cast %transpose3A_209 : vector<128x128xf32> to vector<2x8x8x128xf32>
    %transpose3A_211 = tpu.transpose %reshape3A_210, [1, 0, 2, 3] : vector<2x8x8x128xf32> -> vector<8x2x8x128xf32>
    %swap3A_212 = arith.constant 0 : index
    %swap3A_213 = arith.constant 0 : index
    %swap3A_214 = arith.constant 30 : index
    %swap3A_215 = arith.constant 0 : index
    %swap3A_216 = arith.constant 0 : index
    %swap3A_217 = vector.load %arg3[%swap3A_212, %swap3A_213, %swap3A_214, %swap3A_215, %swap3A_216] : memref<1x8x32x8x128xf32, #tpu.memory_space<vmem>>, vector<1x8x2x8x128xf32>
    %swap3A_218 = vector.shape_cast %swap3A_217 : vector<1x8x2x8x128xf32> to vector<8x2x8x128xf32>
    %swap3A_219 = vector.shape_cast %transpose3A_211 : vector<8x2x8x128xf32> to vector<1x8x2x8x128xf32>
    tpu.vector_store %arg3[%swap3A_212, %swap3A_213, %swap3A_214, %swap3A_215, %swap3A_216], %swap3A_219 {strides = array<i32>} : memref<1x8x32x8x128xf32, #tpu.memory_space<vmem>>, vector<1x8x2x8x128xf32>,
    return
  }
  func.func @transform_1(%arg0: i32) -> (i32, i32) {
    %c0_i32 = arith.constant 0 : i32
    %c0_i32_0 = arith.constant 0 : i32
    return %arg0, %c0_i32 : i32, i32
  }
  func.func @transform_2(%arg0: i32) -> (i32, i32, i32, i32, i32) {
    %add3A = arith.constant 50 : i32
    %add3A_0 = arith.addi %add3A, %arg0 : i32
    %c0_i32 = arith.constant 0 : i32
    %c0_i32_1 = arith.constant 0 : i32
    %c0_i32_2 = arith.constant 0 : i32
    %c0_i32_3 = arith.constant 0 : i32
    %c0_i32_4 = arith.constant 0 : i32
    return %add3A_0, %c0_i32, %c0_i32_1, %c0_i32_2, %c0_i32_3 : i32, i32, i32, i32, i32
  }
}

module attributes {stable_mosaic.version = 14 : i64} {
  func.func @body(%arg0: i32, %arg1: memref<200x8x32x8x128xf32, #tpu.memory_space<any>>, %arg2: memref<2048x128xf32, #tpu.memory_space<vmem>>, %arg3: memref<1x8x32x8x128xf32, #tpu.memory_space<vmem>>) attributes {dimension_semantics = [#tpu.dimension_semantics<arbitrary>], iteration_bounds = array<i64: 50>, scalar_prefetch = 0 : i64, scratch_operands = 0 : i64, tpu.core_type = #tpu.core_type<tc>, window_params = [{}, {transform_indices = @transform_1, window_bounds = array<i64: 2048, 128>}, {transform_indices = @transform_2, window_bounds = array<i64: 1, 8, 32, 8, 128>}]} {
    %get3A = arith.constant 0 : index
    %get3A_0 = arith.constant 0 : index
    %get3A_1 = vector.load %arg2[%get3A, %get3A_0] : memref<2048x128xf32, #tpu.memory_space<vmem>>, vector<128x128xf32>
    %transpose3A = tpu.transpose %get3A_1, [1, 0] : vector<128x128xf32> -> vector<128x128xf32>
    %reshape3A = vector.shape_cast %transpose3A : vector<128x128xf32> to vector<2x8x8x128xf32>
    %transpose3A_2 = tpu.transpose %reshape3A, [1, 0, 2, 3] : vector<2x8x8x128xf32> -> vector<8x2x8x128xf32>
    %swap3A = arith.constant 0 : index
    %swap3A_3 = arith.constant 0 : index
    %swap3A_4 = arith.constant 0 : index
    %swap3A_5 = arith.constant 0 : index
    %swap3A_6 = arith.constant 0 : index
    %swap3A_7 = vector.load %arg3[%swap3A, %swap3A_3, %swap3A_4, %swap3A_5, %swap3A_6] : memref<1x8x32x8x128xf32, #tpu.memory_space<vmem>>, vector<1x8x2x8x128xf32>
    %swap3A_8 = vector.shape_cast %swap3A_7 : vector<1x8x2x8x128xf32> to vector<8x2x8x128xf32>
    %swap3A_9 = vector.shape_cast %transpose3A_2 : vector<8x2x8x128xf32> to vector<1x8x2x8x128xf32>
    tpu.vector_store %arg3[%swap3A, %swap3A_3, %swap3A_4, %swap3A_5, %swap3A_6], %swap3A_9 {strides = array<i32>} : memref<1x8x32x8x128xf32, #tpu.memory_space<vmem>>, vector<1x8x2x8x128xf32>,
    %get3A_10 = arith.constant 128 : index
    %get3A_11 = arith.constant 0 : index
    %get3A_12 = vector.load %arg2[%get3A_10, %get3A_11] : memref<2048x128xf32, #tpu.memory_space<vmem>>, vector<128x128xf32>
    %transpose3A_13 = tpu.transpose %get3A_12, [1, 0] : vector<128x128xf32> -> vector<128x128xf32>
    %reshape3A_14 = vector.shape_cast %transpose3A_13 : vector<128x128xf32> to vector<2x8x8x128xf32>
    %transpose3A_15 = tpu.transpose %reshape3A_14, [1, 0, 2, 3] : vector<2x8x8x128xf32> -> vector<8x2x8x128xf32>
    %swap3A_16 = arith.constant 0 : index
    %swap3A_17 = arith.constant 0 : index
    %swap3A_18 = arith.constant 2 : index
    %swap3A_19 = arith.constant 0 : index
    %swap3A_20 = arith.constant 0 : index
    %swap3A_21 = vector.load %arg3[%swap3A_16, %swap3A_17, %swap3A_18, %swap3A_19, %swap3A_20] : memref<1x8x32x8x128xf32, #tpu.memory_space<vmem>>, vector<1x8x2x8x128xf32>
    %swap3A_22 = vector.shape_cast %swap3A_21 : vector<1x8x2x8x128xf32> to vector<8x2x8x128xf32>
    %swap3A_23 = vector.shape_cast %transpose3A_15 : vector<8x2x8x128xf32> to vector<1x8x2x8x128xf32>
    tpu.vector_store %arg3[%swap3A_16, %swap3A_17, %swap3A_18, %swap3A_19, %swap3A_20], %swap3A_23 {strides = array<i32>} : memref<1x8x32x8x128xf32, #tpu.memory_space<vmem>>, vector<1x8x2x8x128xf32>,
    %get3A_24 = arith.constant 256 : index
    %get3A_25 = arith.constant 0 : index
    %get3A_26 = vector.load %arg2[%get3A_24, %get3A_25] : memref<2048x128xf32, #tpu.memory_space<vmem>>, vector<128x128xf32>
    %transpose3A_27 = tpu.transpose %get3A_26, [1, 0] : vector<128x128xf32> -> vector<128x128xf32>
    %reshape3A_28 = vector.shape_cast %transpose3A_27 : vector<128x128xf32> to vector<2x8x8x128xf32>
    %transpose3A_29 = tpu.transpose %reshape3A_28, [1, 0, 2, 3] : vector<2x8x8x128xf32> -> vector<8x2x8x128xf32>
    %swap3A_30 = arith.constant 0 : index
    %swap3A_31 = arith.constant 0 : index
    %swap3A_32 = arith.constant 4 : index
    %swap3A_33 = arith.constant 0 : index
    %swap3A_34 = arith.constant 0 : index
    %swap3A_35 = vector.load %arg3[%swap3A_30, %swap3A_31, %swap3A_32, %swap3A_33, %swap3A_34] : memref<1x8x32x8x128xf32, #tpu.memory_space<vmem>>, vector<1x8x2x8x128xf32>
    %swap3A_36 = vector.shape_cast %swap3A_35 : vector<1x8x2x8x128xf32> to vector<8x2x8x128xf32>
    %swap3A_37 = vector.shape_cast %transpose3A_29 : vector<8x2x8x128xf32> to vector<1x8x2x8x128xf32>
    tpu.vector_store %arg3[%swap3A_30, %swap3A_31, %swap3A_32, %swap3A_33, %swap3A_34], %swap3A_37 {strides = array<i32>} : memref<1x8x32x8x128xf32, #tpu.memory_space<vmem>>, vector<1x8x2x8x128xf32>,
    %get3A_38 = arith.constant 384 : index
    %get3A_39 = arith.constant 0 : index
    %get3A_40 = vector.load %arg2[%get3A_38, %get3A_39] : memref<2048x128xf32, #tpu.memory_space<vmem>>, vector<128x128xf32>
    %transpose3A_41 = tpu.transpose %get3A_40, [1, 0] : vector<128x128xf32> -> vector<128x128xf32>
    %reshape3A_42 = vector.shape_cast %transpose3A_41 : vector<128x128xf32> to vector<2x8x8x128xf32>
    %transpose3A_43 = tpu.transpose %reshape3A_42, [1, 0, 2, 3] : vector<2x8x8x128xf32> -> vector<8x2x8x128xf32>
    %swap3A_44 = arith.constant 0 : index
    %swap3A_45 = arith.constant 0 : index
    %swap3A_46 = arith.constant 6 : index
    %swap3A_47 = arith.constant 0 : index
    %swap3A_48 = arith.constant 0 : index
    %swap3A_49 = vector.load %arg3[%swap3A_44, %swap3A_45, %swap3A_46, %swap3A_47, %swap3A_48] : memref<1x8x32x8x128xf32, #tpu.memory_space<vmem>>, vector<1x8x2x8x128xf32>
    %swap3A_50 = vector.shape_cast %swap3A_49 : vector<1x8x2x8x128xf32> to vector<8x2x8x128xf32>
    %swap3A_51 = vector.shape_cast %transpose3A_43 : vector<8x2x8x128xf32> to vector<1x8x2x8x128xf32>
    tpu.vector_store %arg3[%swap3A_44, %swap3A_45, %swap3A_46, %swap3A_47, %swap3A_48], %swap3A_51 {strides = array<i32>} : memref<1x8x32x8x128xf32, #tpu.memory_space<vmem>>, vector<1x8x2x8x128xf32>,
    %get3A_52 = arith.constant 512 : index
    %get3A_53 = arith.constant 0 : index
    %get3A_54 = vector.load %arg2[%get3A_52, %get3A_53] : memref<2048x128xf32, #tpu.memory_space<vmem>>, vector<128x128xf32>
    %transpose3A_55 = tpu.transpose %get3A_54, [1, 0] : vector<128x128xf32> -> vector<128x128xf32>
    %reshape3A_56 = vector.shape_cast %transpose3A_55 : vector<128x128xf32> to vector<2x8x8x128xf32>
    %transpose3A_57 = tpu.transpose %reshape3A_56, [1, 0, 2, 3] : vector<2x8x8x128xf32> -> vector<8x2x8x128xf32>
    %swap3A_58 = arith.constant 0 : index
    %swap3A_59 = arith.constant 0 : index
    %swap3A_60 = arith.constant 8 : index
    %swap3A_61 = arith.constant 0 : index
    %swap3A_62 = arith.constant 0 : index
    %swap3A_63 = vector.load %arg3[%swap3A_58, %swap3A_59, %swap3A_60, %swap3A_61, %swap3A_62] : memref<1x8x32x8x128xf32, #tpu.memory_space<vmem>>, vector<1x8x2x8x128xf32>
    %swap3A_64 = vector.shape_cast %swap3A_63 : vector<1x8x2x8x128xf32> to vector<8x2x8x128xf32>
    %swap3A_65 = vector.shape_cast %transpose3A_57 : vector<8x2x8x128xf32> to vector<1x8x2x8x128xf32>
    tpu.vector_store %arg3[%swap3A_58, %swap3A_59, %swap3A_60, %swap3A_61, %swap3A_62], %swap3A_65 {strides = array<i32>} : memref<1x8x32x8x128xf32, #tpu.memory_space<vmem>>, vector<1x8x2x8x128xf32>,
    %get3A_66 = arith.constant 640 : index
    %get3A_67 = arith.constant 0 : index
    %get3A_68 = vector.load %arg2[%get3A_66, %get3A_67] : memref<2048x128xf32, #tpu.memory_space<vmem>>, vector<128x128xf32>
    %transpose3A_69 = tpu.transpose %get3A_68, [1, 0] : vector<128x128xf32> -> vector<128x128xf32>
    %reshape3A_70 = vector.shape_cast %transpose3A_69 : vector<128x128xf32> to vector<2x8x8x128xf32>
    %transpose3A_71 = tpu.transpose %reshape3A_70, [1, 0, 2, 3] : vector<2x8x8x128xf32> -> vector<8x2x8x128xf32>
    %swap3A_72 = arith.constant 0 : index
    %swap3A_73 = arith.constant 0 : index
    %swap3A_74 = arith.constant 10 : index
    %swap3A_75 = arith.constant 0 : index
    %swap3A_76 = arith.constant 0 : index
    %swap3A_77 = vector.load %arg3[%swap3A_72, %swap3A_73, %swap3A_74, %swap3A_75, %swap3A_76] : memref<1x8x32x8x128xf32, #tpu.memory_space<vmem>>, vector<1x8x2x8x128xf32>
    %swap3A_78 = vector.shape_cast %swap3A_77 : vector<1x8x2x8x128xf32> to vector<8x2x8x128xf32>
    %swap3A_79 = vector.shape_cast %transpose3A_71 : vector<8x2x8x128xf32> to vector<1x8x2x8x128xf32>
    tpu.vector_store %arg3[%swap3A_72, %swap3A_73, %swap3A_74, %swap3A_75, %swap3A_76], %swap3A_79 {strides = array<i32>} : memref<1x8x32x8x128xf32, #tpu.memory_space<vmem>>, vector<1x8x2x8x128xf32>,
    %get3A_80 = arith.constant 768 : index
    %get3A_81 = arith.constant 0 : index
    %get3A_82 = vector.load %arg2[%get3A_80, %get3A_81] : memref<2048x128xf32, #tpu.memory_space<vmem>>, vector<128x128xf32>
    %transpose3A_83 = tpu.transpose %get3A_82, [1, 0] : vector<128x128xf32> -> vector<128x128xf32>
    %reshape3A_84 = vector.shape_cast %transpose3A_83 : vector<128x128xf32> to vector<2x8x8x128xf32>
    %transpose3A_85 = tpu.transpose %reshape3A_84, [1, 0, 2, 3] : vector<2x8x8x128xf32> -> vector<8x2x8x128xf32>
    %swap3A_86 = arith.constant 0 : index
    %swap3A_87 = arith.constant 0 : index
    %swap3A_88 = arith.constant 12 : index
    %swap3A_89 = arith.constant 0 : index
    %swap3A_90 = arith.constant 0 : index
    %swap3A_91 = vector.load %arg3[%swap3A_86, %swap3A_87, %swap3A_88, %swap3A_89, %swap3A_90] : memref<1x8x32x8x128xf32, #tpu.memory_space<vmem>>, vector<1x8x2x8x128xf32>
    %swap3A_92 = vector.shape_cast %swap3A_91 : vector<1x8x2x8x128xf32> to vector<8x2x8x128xf32>
    %swap3A_93 = vector.shape_cast %transpose3A_85 : vector<8x2x8x128xf32> to vector<1x8x2x8x128xf32>
    tpu.vector_store %arg3[%swap3A_86, %swap3A_87, %swap3A_88, %swap3A_89, %swap3A_90], %swap3A_93 {strides = array<i32>} : memref<1x8x32x8x128xf32, #tpu.memory_space<vmem>>, vector<1x8x2x8x128xf32>,
    %get3A_94 = arith.constant 896 : index
    %get3A_95 = arith.constant 0 : index
    %get3A_96 = vector.load %arg2[%get3A_94, %get3A_95] : memref<2048x128xf32, #tpu.memory_space<vmem>>, vector<128x128xf32>
    %transpose3A_97 = tpu.transpose %get3A_96, [1, 0] : vector<128x128xf32> -> vector<128x128xf32>
    %reshape3A_98 = vector.shape_cast %transpose3A_97 : vector<128x128xf32> to vector<2x8x8x128xf32>
    %transpose3A_99 = tpu.transpose %reshape3A_98, [1, 0, 2, 3] : vector<2x8x8x128xf32> -> vector<8x2x8x128xf32>
    %swap3A_100 = arith.constant 0 : index
    %swap3A_101 = arith.constant 0 : index
    %swap3A_102 = arith.constant 14 : index
    %swap3A_103 = arith.constant 0 : index
    %swap3A_104 = arith.constant 0 : index
    %swap3A_105 = vector.load %arg3[%swap3A_100, %swap3A_101, %swap3A_102, %swap3A_103, %swap3A_104] : memref<1x8x32x8x128xf32, #tpu.memory_space<vmem>>, vector<1x8x2x8x128xf32>
    %swap3A_106 = vector.shape_cast %swap3A_105 : vector<1x8x2x8x128xf32> to vector<8x2x8x128xf32>
    %swap3A_107 = vector.shape_cast %transpose3A_99 : vector<8x2x8x128xf32> to vector<1x8x2x8x128xf32>
    tpu.vector_store %arg3[%swap3A_100, %swap3A_101, %swap3A_102, %swap3A_103, %swap3A_104], %swap3A_107 {strides = array<i32>} : memref<1x8x32x8x128xf32, #tpu.memory_space<vmem>>, vector<1x8x2x8x128xf32>,
    %get3A_108 = arith.constant 1024 : index
    %get3A_109 = arith.constant 0 : index
    %get3A_110 = vector.load %arg2[%get3A_108, %get3A_109] : memref<2048x128xf32, #tpu.memory_space<vmem>>, vector<128x128xf32>
    %transpose3A_111 = tpu.transpose %get3A_110, [1, 0] : vector<128x128xf32> -> vector<128x128xf32>
    %reshape3A_112 = vector.shape_cast %transpose3A_111 : vector<128x128xf32> to vector<2x8x8x128xf32>
    %transpose3A_113 = tpu.transpose %reshape3A_112, [1, 0, 2, 3] : vector<2x8x8x128xf32> -> vector<8x2x8x128xf32>
    %swap3A_114 = arith.constant 0 : index
    %swap3A_115 = arith.constant 0 : index
    %swap3A_116 = arith.constant 16 : index
    %swap3A_117 = arith.constant 0 : index
    %swap3A_118 = arith.constant 0 : index
    %swap3A_119 = vector.load %arg3[%swap3A_114, %swap3A_115, %swap3A_116, %swap3A_117, %swap3A_118] : memref<1x8x32x8x128xf32, #tpu.memory_space<vmem>>, vector<1x8x2x8x128xf32>
    %swap3A_120 = vector.shape_cast %swap3A_119 : vector<1x8x2x8x128xf32> to vector<8x2x8x128xf32>
    %swap3A_121 = vector.shape_cast %transpose3A_113 : vector<8x2x8x128xf32> to vector<1x8x2x8x128xf32>
    tpu.vector_store %arg3[%swap3A_114, %swap3A_115, %swap3A_116, %swap3A_117, %swap3A_118], %swap3A_121 {strides = array<i32>} : memref<1x8x32x8x128xf32, #tpu.memory_space<vmem>>, vector<1x8x2x8x128xf32>,
    %get3A_122 = arith.constant 1152 : index
    %get3A_123 = arith.constant 0 : index
    %get3A_124 = vector.load %arg2[%get3A_122, %get3A_123] : memref<2048x128xf32, #tpu.memory_space<vmem>>, vector<128x128xf32>
    %transpose3A_125 = tpu.transpose %get3A_124, [1, 0] : vector<128x128xf32> -> vector<128x128xf32>
    %reshape3A_126 = vector.shape_cast %transpose3A_125 : vector<128x128xf32> to vector<2x8x8x128xf32>
    %transpose3A_127 = tpu.transpose %reshape3A_126, [1, 0, 2, 3] : vector<2x8x8x128xf32> -> vector<8x2x8x128xf32>
    %swap3A_128 = arith.constant 0 : index
    %swap3A_129 = arith.constant 0 : index
    %swap3A_130 = arith.constant 18 : index
    %swap3A_131 = arith.constant 0 : index
    %swap3A_132 = arith.constant 0 : index
    %swap3A_133 = vector.load %arg3[%swap3A_128, %swap3A_129, %swap3A_130, %swap3A_131, %swap3A_132] : memref<1x8x32x8x128xf32, #tpu.memory_space<vmem>>, vector<1x8x2x8x128xf32>
    %swap3A_134 = vector.shape_cast %swap3A_133 : vector<1x8x2x8x128xf32> to vector<8x2x8x128xf32>
    %swap3A_135 = vector.shape_cast %transpose3A_127 : vector<8x2x8x128xf32> to vector<1x8x2x8x128xf32>
    tpu.vector_store %arg3[%swap3A_128, %swap3A_129, %swap3A_130, %swap3A_131, %swap3A_132], %swap3A_135 {strides = array<i32>} : memref<1x8x32x8x128xf32, #tpu.memory_space<vmem>>, vector<1x8x2x8x128xf32>,
    %get3A_136 = arith.constant 1280 : index
    %get3A_137 = arith.constant 0 : index
    %get3A_138 = vector.load %arg2[%get3A_136, %get3A_137] : memref<2048x128xf32, #tpu.memory_space<vmem>>, vector<128x128xf32>
    %transpose3A_139 = tpu.transpose %get3A_138, [1, 0] : vector<128x128xf32> -> vector<128x128xf32>
    %reshape3A_140 = vector.shape_cast %transpose3A_139 : vector<128x128xf32> to vector<2x8x8x128xf32>
    %transpose3A_141 = tpu.transpose %reshape3A_140, [1, 0, 2, 3] : vector<2x8x8x128xf32> -> vector<8x2x8x128xf32>
    %swap3A_142 = arith.constant 0 : index
    %swap3A_143 = arith.constant 0 : index
    %swap3A_144 = arith.constant 20 : index
    %swap3A_145 = arith.constant 0 : index
    %swap3A_146 = arith.constant 0 : index
    %swap3A_147 = vector.load %arg3[%swap3A_142, %swap3A_143, %swap3A_144, %swap3A_145, %swap3A_146] : memref<1x8x32x8x128xf32, #tpu.memory_space<vmem>>, vector<1x8x2x8x128xf32>
    %swap3A_148 = vector.shape_cast %swap3A_147 : vector<1x8x2x8x128xf32> to vector<8x2x8x128xf32>
    %swap3A_149 = vector.shape_cast %transpose3A_141 : vector<8x2x8x128xf32> to vector<1x8x2x8x128xf32>
    tpu.vector_store %arg3[%swap3A_142, %swap3A_143, %swap3A_144, %swap3A_145, %swap3A_146], %swap3A_149 {strides = array<i32>} : memref<1x8x32x8x128xf32, #tpu.memory_space<vmem>>, vector<1x8x2x8x128xf32>,
    %get3A_150 = arith.constant 1408 : index
    %get3A_151 = arith.constant 0 : index
    %get3A_152 = vector.load %arg2[%get3A_150, %get3A_151] : memref<2048x128xf32, #tpu.memory_space<vmem>>, vector<128x128xf32>
    %transpose3A_153 = tpu.transpose %get3A_152, [1, 0] : vector<128x128xf32> -> vector<128x128xf32>
    %reshape3A_154 = vector.shape_cast %transpose3A_153 : vector<128x128xf32> to vector<2x8x8x128xf32>
    %transpose3A_155 = tpu.transpose %reshape3A_154, [1, 0, 2, 3] : vector<2x8x8x128xf32> -> vector<8x2x8x128xf32>
    %swap3A_156 = arith.constant 0 : index
    %swap3A_157 = arith.constant 0 : index
    %swap3A_158 = arith.constant 22 : index
    %swap3A_159 = arith.constant 0 : index
    %swap3A_160 = arith.constant 0 : index
    %swap3A_161 = vector.load %arg3[%swap3A_156, %swap3A_157, %swap3A_158, %swap3A_159, %swap3A_160] : memref<1x8x32x8x128xf32, #tpu.memory_space<vmem>>, vector<1x8x2x8x128xf32>
    %swap3A_162 = vector.shape_cast %swap3A_161 : vector<1x8x2x8x128xf32> to vector<8x2x8x128xf32>
    %swap3A_163 = vector.shape_cast %transpose3A_155 : vector<8x2x8x128xf32> to vector<1x8x2x8x128xf32>
    tpu.vector_store %arg3[%swap3A_156, %swap3A_157, %swap3A_158, %swap3A_159, %swap3A_160], %swap3A_163 {strides = array<i32>} : memref<1x8x32x8x128xf32, #tpu.memory_space<vmem>>, vector<1x8x2x8x128xf32>,
    %get3A_164 = arith.constant 1536 : index
    %get3A_165 = arith.constant 0 : index
    %get3A_166 = vector.load %arg2[%get3A_164, %get3A_165] : memref<2048x128xf32, #tpu.memory_space<vmem>>, vector<128x128xf32>
    %transpose3A_167 = tpu.transpose %get3A_166, [1, 0] : vector<128x128xf32> -> vector<128x128xf32>
    %reshape3A_168 = vector.shape_cast %transpose3A_167 : vector<128x128xf32> to vector<2x8x8x128xf32>
    %transpose3A_169 = tpu.transpose %reshape3A_168, [1, 0, 2, 3] : vector<2x8x8x128xf32> -> vector<8x2x8x128xf32>
    %swap3A_170 = arith.constant 0 : index
    %swap3A_171 = arith.constant 0 : index
    %swap3A_172 = arith.constant 24 : index
    %swap3A_173 = arith.constant 0 : index
    %swap3A_174 = arith.constant 0 : index
    %swap3A_175 = vector.load %arg3[%swap3A_170, %swap3A_171, %swap3A_172, %swap3A_173, %swap3A_174] : memref<1x8x32x8x128xf32, #tpu.memory_space<vmem>>, vector<1x8x2x8x128xf32>
    %swap3A_176 = vector.shape_cast %swap3A_175 : vector<1x8x2x8x128xf32> to vector<8x2x8x128xf32>
    %swap3A_177 = vector.shape_cast %transpose3A_169 : vector<8x2x8x128xf32> to vector<1x8x2x8x128xf32>
    tpu.vector_store %arg3[%swap3A_170, %swap3A_171, %swap3A_172, %swap3A_173, %swap3A_174], %swap3A_177 {strides = array<i32>} : memref<1x8x32x8x128xf32, #tpu.memory_space<vmem>>, vector<1x8x2x8x128xf32>,
    %get3A_178 = arith.constant 1664 : index
    %get3A_179 = arith.constant 0 : index
    %get3A_180 = vector.load %arg2[%get3A_178, %get3A_179] : memref<2048x128xf32, #tpu.memory_space<vmem>>, vector<128x128xf32>
    %transpose3A_181 = tpu.transpose %get3A_180, [1, 0] : vector<128x128xf32> -> vector<128x128xf32>
    %reshape3A_182 = vector.shape_cast %transpose3A_181 : vector<128x128xf32> to vector<2x8x8x128xf32>
    %transpose3A_183 = tpu.transpose %reshape3A_182, [1, 0, 2, 3] : vector<2x8x8x128xf32> -> vector<8x2x8x128xf32>
    %swap3A_184 = arith.constant 0 : index
    %swap3A_185 = arith.constant 0 : index
    %swap3A_186 = arith.constant 26 : index
    %swap3A_187 = arith.constant 0 : index
    %swap3A_188 = arith.constant 0 : index
    %swap3A_189 = vector.load %arg3[%swap3A_184, %swap3A_185, %swap3A_186, %swap3A_187, %swap3A_188] : memref<1x8x32x8x128xf32, #tpu.memory_space<vmem>>, vector<1x8x2x8x128xf32>
    %swap3A_190 = vector.shape_cast %swap3A_189 : vector<1x8x2x8x128xf32> to vector<8x2x8x128xf32>
    %swap3A_191 = vector.shape_cast %transpose3A_183 : vector<8x2x8x128xf32> to vector<1x8x2x8x128xf32>
    tpu.vector_store %arg3[%swap3A_184, %swap3A_185, %swap3A_186, %swap3A_187, %swap3A_188], %swap3A_191 {strides = array<i32>} : memref<1x8x32x8x128xf32, #tpu.memory_space<vmem>>, vector<1x8x2x8x128xf32>,
    %get3A_192 = arith.constant 1792 : index
    %get3A_193 = arith.constant 0 : index
    %get3A_194 = vector.load %arg2[%get3A_192, %get3A_193] : memref<2048x128xf32, #tpu.memory_space<vmem>>, vector<128x128xf32>
    %transpose3A_195 = tpu.transpose %get3A_194, [1, 0] : vector<128x128xf32> -> vector<128x128xf32>
    %reshape3A_196 = vector.shape_cast %transpose3A_195 : vector<128x128xf32> to vector<2x8x8x128xf32>
    %transpose3A_197 = tpu.transpose %reshape3A_196, [1, 0, 2, 3] : vector<2x8x8x128xf32> -> vector<8x2x8x128xf32>
    %swap3A_198 = arith.constant 0 : index
    %swap3A_199 = arith.constant 0 : index
    %swap3A_200 = arith.constant 28 : index
    %swap3A_201 = arith.constant 0 : index
    %swap3A_202 = arith.constant 0 : index
    %swap3A_203 = vector.load %arg3[%swap3A_198, %swap3A_199, %swap3A_200, %swap3A_201, %swap3A_202] : memref<1x8x32x8x128xf32, #tpu.memory_space<vmem>>, vector<1x8x2x8x128xf32>
    %swap3A_204 = vector.shape_cast %swap3A_203 : vector<1x8x2x8x128xf32> to vector<8x2x8x128xf32>
    %swap3A_205 = vector.shape_cast %transpose3A_197 : vector<8x2x8x128xf32> to vector<1x8x2x8x128xf32>
    tpu.vector_store %arg3[%swap3A_198, %swap3A_199, %swap3A_200, %swap3A_201, %swap3A_202], %swap3A_205 {strides = array<i32>} : memref<1x8x32x8x128xf32, #tpu.memory_space<vmem>>, vector<1x8x2x8x128xf32>,
    %get3A_206 = arith.constant 1920 : index
    %get3A_207 = arith.constant 0 : index
    %get3A_208 = vector.load %arg2[%get3A_206, %get3A_207] : memref<2048x128xf32, #tpu.memory_space<vmem>>, vector<128x128xf32>
    %transpose3A_209 = tpu.transpose %get3A_208, [1, 0] : vector<128x128xf32> -> vector<128x128xf32>
    %reshape3A_210 = vector.shape_cast %transpose3A_209 : vector<128x128xf32> to vector<2x8x8x128xf32>
    %transpose3A_211 = tpu.transpose %reshape3A_210, [1, 0, 2, 3] : vector<2x8x8x128xf32> -> vector<8x2x8x128xf32>
    %swap3A_212 = arith.constant 0 : index
    %swap3A_213 = arith.constant 0 : index
    %swap3A_214 = arith.constant 30 : index
    %swap3A_215 = arith.constant 0 : index
    %swap3A_216 = arith.constant 0 : index
    %swap3A_217 = vector.load %arg3[%swap3A_212, %swap3A_213, %swap3A_214, %swap3A_215, %swap3A_216] : memref<1x8x32x8x128xf32, #tpu.memory_space<vmem>>, vector<1x8x2x8x128xf32>
    %swap3A_218 = vector.shape_cast %swap3A_217 : vector<1x8x2x8x128xf32> to vector<8x2x8x128xf32>
    %swap3A_219 = vector.shape_cast %transpose3A_211 : vector<8x2x8x128xf32> to vector<1x8x2x8x128xf32>
    tpu.vector_store %arg3[%swap3A_212, %swap3A_213, %swap3A_214, %swap3A_215, %swap3A_216], %swap3A_219 {strides = array<i32>} : memref<1x8x32x8x128xf32, #tpu.memory_space<vmem>>, vector<1x8x2x8x128xf32>,
    return
  }
  func.func @transform_1(%arg0: i32) -> (i32, i32) {
    %c0_i32 = arith.constant 0 : i32
    %c0_i32_0 = arith.constant 0 : i32
    return %arg0, %c0_i32 : i32, i32
  }
  func.func @transform_2(%arg0: i32) -> (i32, i32, i32, i32, i32) {
    %add3A = arith.constant 100 : i32
    %add3A_0 = arith.addi %add3A, %arg0 : i32
    %c0_i32 = arith.constant 0 : i32
    %c0_i32_1 = arith.constant 0 : i32
    %c0_i32_2 = arith.constant 0 : i32
    %c0_i32_3 = arith.constant 0 : i32
    %c0_i32_4 = arith.constant 0 : i32
    return %add3A_0, %c0_i32, %c0_i32_1, %c0_i32_2, %c0_i32_3 : i32, i32, i32, i32, i32
  }
}

module attributes {stable_mosaic.version = 14 : i64} {
  func.func @body(%arg0: i32, %arg1: memref<200x8x32x8x128xf32, #tpu.memory_space<any>>, %arg2: memref<2048x128xf32, #tpu.memory_space<vmem>>, %arg3: memref<1x8x32x8x128xf32, #tpu.memory_space<vmem>>) attributes {dimension_semantics = [#tpu.dimension_semantics<arbitrary>], iteration_bounds = array<i64: 50>, scalar_prefetch = 0 : i64, scratch_operands = 0 : i64, tpu.core_type = #tpu.core_type<tc>, window_params = [{}, {transform_indices = @transform_1, window_bounds = array<i64: 2048, 128>}, {transform_indices = @transform_2, window_bounds = array<i64: 1, 8, 32, 8, 128>}]} {
    %get3A = arith.constant 0 : index
    %get3A_0 = arith.constant 0 : index
    %get3A_1 = vector.load %arg2[%get3A, %get3A_0] : memref<2048x128xf32, #tpu.memory_space<vmem>>, vector<128x128xf32>
    %transpose3A = tpu.transpose %get3A_1, [1, 0] : vector<128x128xf32> -> vector<128x128xf32>
    %reshape3A = vector.shape_cast %transpose3A : vector<128x128xf32> to vector<2x8x8x128xf32>
    %transpose3A_2 = tpu.transpose %reshape3A, [1, 0, 2, 3] : vector<2x8x8x128xf32> -> vector<8x2x8x128xf32>
    %swap3A = arith.constant 0 : index
    %swap3A_3 = arith.constant 0 : index
    %swap3A_4 = arith.constant 0 : index
    %swap3A_5 = arith.constant 0 : index
    %swap3A_6 = arith.constant 0 : index
    %swap3A_7 = vector.load %arg3[%swap3A, %swap3A_3, %swap3A_4, %swap3A_5, %swap3A_6] : memref<1x8x32x8x128xf32, #tpu.memory_space<vmem>>, vector<1x8x2x8x128xf32>
    %swap3A_8 = vector.shape_cast %swap3A_7 : vector<1x8x2x8x128xf32> to vector<8x2x8x128xf32>
    %swap3A_9 = vector.shape_cast %transpose3A_2 : vector<8x2x8x128xf32> to vector<1x8x2x8x128xf32>
    tpu.vector_store %arg3[%swap3A, %swap3A_3, %swap3A_4, %swap3A_5, %swap3A_6], %swap3A_9 {strides = array<i32>} : memref<1x8x32x8x128xf32, #tpu.memory_space<vmem>>, vector<1x8x2x8x128xf32>,
    %get3A_10 = arith.constant 128 : index
    %get3A_11 = arith.constant 0 : index
    %get3A_12 = vector.load %arg2[%get3A_10, %get3A_11] : memref<2048x128xf32, #tpu.memory_space<vmem>>, vector<128x128xf32>
    %transpose3A_13 = tpu.transpose %get3A_12, [1, 0] : vector<128x128xf32> -> vector<128x128xf32>
    %reshape3A_14 = vector.shape_cast %transpose3A_13 : vector<128x128xf32> to vector<2x8x8x128xf32>
    %transpose3A_15 = tpu.transpose %reshape3A_14, [1, 0, 2, 3] : vector<2x8x8x128xf32> -> vector<8x2x8x128xf32>
    %swap3A_16 = arith.constant 0 : index
    %swap3A_17 = arith.constant 0 : index
    %swap3A_18 = arith.constant 2 : index
    %swap3A_19 = arith.constant 0 : index
    %swap3A_20 = arith.constant 0 : index
    %swap3A_21 = vector.load %arg3[%swap3A_16, %swap3A_17, %swap3A_18, %swap3A_19, %swap3A_20] : memref<1x8x32x8x128xf32, #tpu.memory_space<vmem>>, vector<1x8x2x8x128xf32>
    %swap3A_22 = vector.shape_cast %swap3A_21 : vector<1x8x2x8x128xf32> to vector<8x2x8x128xf32>
    %swap3A_23 = vector.shape_cast %transpose3A_15 : vector<8x2x8x128xf32> to vector<1x8x2x8x128xf32>
    tpu.vector_store %arg3[%swap3A_16, %swap3A_17, %swap3A_18, %swap3A_19, %swap3A_20], %swap3A_23 {strides = array<i32>} : memref<1x8x32x8x128xf32, #tpu.memory_space<vmem>>, vector<1x8x2x8x128xf32>,
    %get3A_24 = arith.constant 256 : index
    %get3A_25 = arith.constant 0 : index
    %get3A_26 = vector.load %arg2[%get3A_24, %get3A_25] : memref<2048x128xf32, #tpu.memory_space<vmem>>, vector<128x128xf32>
    %transpose3A_27 = tpu.transpose %get3A_26, [1, 0] : vector<128x128xf32> -> vector<128x128xf32>
    %reshape3A_28 = vector.shape_cast %transpose3A_27 : vector<128x128xf32> to vector<2x8x8x128xf32>
    %transpose3A_29 = tpu.transpose %reshape3A_28, [1, 0, 2, 3] : vector<2x8x8x128xf32> -> vector<8x2x8x128xf32>
    %swap3A_30 = arith.constant 0 : index
    %swap3A_31 = arith.constant 0 : index
    %swap3A_32 = arith.constant 4 : index
    %swap3A_33 = arith.constant 0 : index
    %swap3A_34 = arith.constant 0 : index
    %swap3A_35 = vector.load %arg3[%swap3A_30, %swap3A_31, %swap3A_32, %swap3A_33, %swap3A_34] : memref<1x8x32x8x128xf32, #tpu.memory_space<vmem>>, vector<1x8x2x8x128xf32>
    %swap3A_36 = vector.shape_cast %swap3A_35 : vector<1x8x2x8x128xf32> to vector<8x2x8x128xf32>
    %swap3A_37 = vector.shape_cast %transpose3A_29 : vector<8x2x8x128xf32> to vector<1x8x2x8x128xf32>
    tpu.vector_store %arg3[%swap3A_30, %swap3A_31, %swap3A_32, %swap3A_33, %swap3A_34], %swap3A_37 {strides = array<i32>} : memref<1x8x32x8x128xf32, #tpu.memory_space<vmem>>, vector<1x8x2x8x128xf32>,
    %get3A_38 = arith.constant 384 : index
    %get3A_39 = arith.constant 0 : index
    %get3A_40 = vector.load %arg2[%get3A_38, %get3A_39] : memref<2048x128xf32, #tpu.memory_space<vmem>>, vector<128x128xf32>
    %transpose3A_41 = tpu.transpose %get3A_40, [1, 0] : vector<128x128xf32> -> vector<128x128xf32>
    %reshape3A_42 = vector.shape_cast %transpose3A_41 : vector<128x128xf32> to vector<2x8x8x128xf32>
    %transpose3A_43 = tpu.transpose %reshape3A_42, [1, 0, 2, 3] : vector<2x8x8x128xf32> -> vector<8x2x8x128xf32>
    %swap3A_44 = arith.constant 0 : index
    %swap3A_45 = arith.constant 0 : index
    %swap3A_46 = arith.constant 6 : index
    %swap3A_47 = arith.constant 0 : index
    %swap3A_48 = arith.constant 0 : index
    %swap3A_49 = vector.load %arg3[%swap3A_44, %swap3A_45, %swap3A_46, %swap3A_47, %swap3A_48] : memref<1x8x32x8x128xf32, #tpu.memory_space<vmem>>, vector<1x8x2x8x128xf32>
    %swap3A_50 = vector.shape_cast %swap3A_49 : vector<1x8x2x8x128xf32> to vector<8x2x8x128xf32>
    %swap3A_51 = vector.shape_cast %transpose3A_43 : vector<8x2x8x128xf32> to vector<1x8x2x8x128xf32>
    tpu.vector_store %arg3[%swap3A_44, %swap3A_45, %swap3A_46, %swap3A_47, %swap3A_48], %swap3A_51 {strides = array<i32>} : memref<1x8x32x8x128xf32, #tpu.memory_space<vmem>>, vector<1x8x2x8x128xf32>,
    %get3A_52 = arith.constant 512 : index
    %get3A_53 = arith.constant 0 : index
    %get3A_54 = vector.load %arg2[%get3A_52, %get3A_53] : memref<2048x128xf32, #tpu.memory_space<vmem>>, vector<128x128xf32>
    %transpose3A_55 = tpu.transpose %get3A_54, [1, 0] : vector<128x128xf32> -> vector<128x128xf32>
    %reshape3A_56 = vector.shape_cast %transpose3A_55 : vector<128x128xf32> to vector<2x8x8x128xf32>
    %transpose3A_57 = tpu.transpose %reshape3A_56, [1, 0, 2, 3] : vector<2x8x8x128xf32> -> vector<8x2x8x128xf32>
    %swap3A_58 = arith.constant 0 : index
    %swap3A_59 = arith.constant 0 : index
    %swap3A_60 = arith.constant 8 : index
    %swap3A_61 = arith.constant 0 : index
    %swap3A_62 = arith.constant 0 : index
    %swap3A_63 = vector.load %arg3[%swap3A_58, %swap3A_59, %swap3A_60, %swap3A_61, %swap3A_62] : memref<1x8x32x8x128xf32, #tpu.memory_space<vmem>>, vector<1x8x2x8x128xf32>
    %swap3A_64 = vector.shape_cast %swap3A_63 : vector<1x8x2x8x128xf32> to vector<8x2x8x128xf32>
    %swap3A_65 = vector.shape_cast %transpose3A_57 : vector<8x2x8x128xf32> to vector<1x8x2x8x128xf32>
    tpu.vector_store %arg3[%swap3A_58, %swap3A_59, %swap3A_60, %swap3A_61, %swap3A_62], %swap3A_65 {strides = array<i32>} : memref<1x8x32x8x128xf32, #tpu.memory_space<vmem>>, vector<1x8x2x8x128xf32>,
    %get3A_66 = arith.constant 640 : index
    %get3A_67 = arith.constant 0 : index
    %get3A_68 = vector.load %arg2[%get3A_66, %get3A_67] : memref<2048x128xf32, #tpu.memory_space<vmem>>, vector<128x128xf32>
    %transpose3A_69 = tpu.transpose %get3A_68, [1, 0] : vector<128x128xf32> -> vector<128x128xf32>
    %reshape3A_70 = vector.shape_cast %transpose3A_69 : vector<128x128xf32> to vector<2x8x8x128xf32>
    %transpose3A_71 = tpu.transpose %reshape3A_70, [1, 0, 2, 3] : vector<2x8x8x128xf32> -> vector<8x2x8x128xf32>
    %swap3A_72 = arith.constant 0 : index
    %swap3A_73 = arith.constant 0 : index
    %swap3A_74 = arith.constant 10 : index
    %swap3A_75 = arith.constant 0 : index
    %swap3A_76 = arith.constant 0 : index
    %swap3A_77 = vector.load %arg3[%swap3A_72, %swap3A_73, %swap3A_74, %swap3A_75, %swap3A_76] : memref<1x8x32x8x128xf32, #tpu.memory_space<vmem>>, vector<1x8x2x8x128xf32>
    %swap3A_78 = vector.shape_cast %swap3A_77 : vector<1x8x2x8x128xf32> to vector<8x2x8x128xf32>
    %swap3A_79 = vector.shape_cast %transpose3A_71 : vector<8x2x8x128xf32> to vector<1x8x2x8x128xf32>
    tpu.vector_store %arg3[%swap3A_72, %swap3A_73, %swap3A_74, %swap3A_75, %swap3A_76], %swap3A_79 {strides = array<i32>} : memref<1x8x32x8x128xf32, #tpu.memory_space<vmem>>, vector<1x8x2x8x128xf32>,
    %get3A_80 = arith.constant 768 : index
    %get3A_81 = arith.constant 0 : index
    %get3A_82 = vector.load %arg2[%get3A_80, %get3A_81] : memref<2048x128xf32, #tpu.memory_space<vmem>>, vector<128x128xf32>
    %transpose3A_83 = tpu.transpose %get3A_82, [1, 0] : vector<128x128xf32> -> vector<128x128xf32>
    %reshape3A_84 = vector.shape_cast %transpose3A_83 : vector<128x128xf32> to vector<2x8x8x128xf32>
    %transpose3A_85 = tpu.transpose %reshape3A_84, [1, 0, 2, 3] : vector<2x8x8x128xf32> -> vector<8x2x8x128xf32>
    %swap3A_86 = arith.constant 0 : index
    %swap3A_87 = arith.constant 0 : index
    %swap3A_88 = arith.constant 12 : index
    %swap3A_89 = arith.constant 0 : index
    %swap3A_90 = arith.constant 0 : index
    %swap3A_91 = vector.load %arg3[%swap3A_86, %swap3A_87, %swap3A_88, %swap3A_89, %swap3A_90] : memref<1x8x32x8x128xf32, #tpu.memory_space<vmem>>, vector<1x8x2x8x128xf32>
    %swap3A_92 = vector.shape_cast %swap3A_91 : vector<1x8x2x8x128xf32> to vector<8x2x8x128xf32>
    %swap3A_93 = vector.shape_cast %transpose3A_85 : vector<8x2x8x128xf32> to vector<1x8x2x8x128xf32>
    tpu.vector_store %arg3[%swap3A_86, %swap3A_87, %swap3A_88, %swap3A_89, %swap3A_90], %swap3A_93 {strides = array<i32>} : memref<1x8x32x8x128xf32, #tpu.memory_space<vmem>>, vector<1x8x2x8x128xf32>,
    %get3A_94 = arith.constant 896 : index
    %get3A_95 = arith.constant 0 : index
    %get3A_96 = vector.load %arg2[%get3A_94, %get3A_95] : memref<2048x128xf32, #tpu.memory_space<vmem>>, vector<128x128xf32>
    %transpose3A_97 = tpu.transpose %get3A_96, [1, 0] : vector<128x128xf32> -> vector<128x128xf32>
    %reshape3A_98 = vector.shape_cast %transpose3A_97 : vector<128x128xf32> to vector<2x8x8x128xf32>
    %transpose3A_99 = tpu.transpose %reshape3A_98, [1, 0, 2, 3] : vector<2x8x8x128xf32> -> vector<8x2x8x128xf32>
    %swap3A_100 = arith.constant 0 : index
    %swap3A_101 = arith.constant 0 : index
    %swap3A_102 = arith.constant 14 : index
    %swap3A_103 = arith.constant 0 : index
    %swap3A_104 = arith.constant 0 : index
    %swap3A_105 = vector.load %arg3[%swap3A_100, %swap3A_101, %swap3A_102, %swap3A_103, %swap3A_104] : memref<1x8x32x8x128xf32, #tpu.memory_space<vmem>>, vector<1x8x2x8x128xf32>
    %swap3A_106 = vector.shape_cast %swap3A_105 : vector<1x8x2x8x128xf32> to vector<8x2x8x128xf32>
    %swap3A_107 = vector.shape_cast %transpose3A_99 : vector<8x2x8x128xf32> to vector<1x8x2x8x128xf32>
    tpu.vector_store %arg3[%swap3A_100, %swap3A_101, %swap3A_102, %swap3A_103, %swap3A_104], %swap3A_107 {strides = array<i32>} : memref<1x8x32x8x128xf32, #tpu.memory_space<vmem>>, vector<1x8x2x8x128xf32>,
    %get3A_108 = arith.constant 1024 : index
    %get3A_109 = arith.constant 0 : index
    %get3A_110 = vector.load %arg2[%get3A_108, %get3A_109] : memref<2048x128xf32, #tpu.memory_space<vmem>>, vector<128x128xf32>
    %transpose3A_111 = tpu.transpose %get3A_110, [1, 0] : vector<128x128xf32> -> vector<128x128xf32>
    %reshape3A_112 = vector.shape_cast %transpose3A_111 : vector<128x128xf32> to vector<2x8x8x128xf32>
    %transpose3A_113 = tpu.transpose %reshape3A_112, [1, 0, 2, 3] : vector<2x8x8x128xf32> -> vector<8x2x8x128xf32>
    %swap3A_114 = arith.constant 0 : index
    %swap3A_115 = arith.constant 0 : index
    %swap3A_116 = arith.constant 16 : index
    %swap3A_117 = arith.constant 0 : index
    %swap3A_118 = arith.constant 0 : index
    %swap3A_119 = vector.load %arg3[%swap3A_114, %swap3A_115, %swap3A_116, %swap3A_117, %swap3A_118] : memref<1x8x32x8x128xf32, #tpu.memory_space<vmem>>, vector<1x8x2x8x128xf32>
    %swap3A_120 = vector.shape_cast %swap3A_119 : vector<1x8x2x8x128xf32> to vector<8x2x8x128xf32>
    %swap3A_121 = vector.shape_cast %transpose3A_113 : vector<8x2x8x128xf32> to vector<1x8x2x8x128xf32>
    tpu.vector_store %arg3[%swap3A_114, %swap3A_115, %swap3A_116, %swap3A_117, %swap3A_118], %swap3A_121 {strides = array<i32>} : memref<1x8x32x8x128xf32, #tpu.memory_space<vmem>>, vector<1x8x2x8x128xf32>,
    %get3A_122 = arith.constant 1152 : index
    %get3A_123 = arith.constant 0 : index
    %get3A_124 = vector.load %arg2[%get3A_122, %get3A_123] : memref<2048x128xf32, #tpu.memory_space<vmem>>, vector<128x128xf32>
    %transpose3A_125 = tpu.transpose %get3A_124, [1, 0] : vector<128x128xf32> -> vector<128x128xf32>
    %reshape3A_126 = vector.shape_cast %transpose3A_125 : vector<128x128xf32> to vector<2x8x8x128xf32>
    %transpose3A_127 = tpu.transpose %reshape3A_126, [1, 0, 2, 3] : vector<2x8x8x128xf32> -> vector<8x2x8x128xf32>
    %swap3A_128 = arith.constant 0 : index
    %swap3A_129 = arith.constant 0 : index
    %swap3A_130 = arith.constant 18 : index
    %swap3A_131 = arith.constant 0 : index
    %swap3A_132 = arith.constant 0 : index
    %swap3A_133 = vector.load %arg3[%swap3A_128, %swap3A_129, %swap3A_130, %swap3A_131, %swap3A_132] : memref<1x8x32x8x128xf32, #tpu.memory_space<vmem>>, vector<1x8x2x8x128xf32>
    %swap3A_134 = vector.shape_cast %swap3A_133 : vector<1x8x2x8x128xf32> to vector<8x2x8x128xf32>
    %swap3A_135 = vector.shape_cast %transpose3A_127 : vector<8x2x8x128xf32> to vector<1x8x2x8x128xf32>
    tpu.vector_store %arg3[%swap3A_128, %swap3A_129, %swap3A_130, %swap3A_131, %swap3A_132], %swap3A_135 {strides = array<i32>} : memref<1x8x32x8x128xf32, #tpu.memory_space<vmem>>, vector<1x8x2x8x128xf32>,
    %get3A_136 = arith.constant 1280 : index
    %get3A_137 = arith.constant 0 : index
    %get3A_138 = vector.load %arg2[%get3A_136, %get3A_137] : memref<2048x128xf32, #tpu.memory_space<vmem>>, vector<128x128xf32>
    %transpose3A_139 = tpu.transpose %get3A_138, [1, 0] : vector<128x128xf32> -> vector<128x128xf32>
    %reshape3A_140 = vector.shape_cast %transpose3A_139 : vector<128x128xf32> to vector<2x8x8x128xf32>
    %transpose3A_141 = tpu.transpose %reshape3A_140, [1, 0, 2, 3] : vector<2x8x8x128xf32> -> vector<8x2x8x128xf32>
    %swap3A_142 = arith.constant 0 : index
    %swap3A_143 = arith.constant 0 : index
    %swap3A_144 = arith.constant 20 : index
    %swap3A_145 = arith.constant 0 : index
    %swap3A_146 = arith.constant 0 : index
    %swap3A_147 = vector.load %arg3[%swap3A_142, %swap3A_143, %swap3A_144, %swap3A_145, %swap3A_146] : memref<1x8x32x8x128xf32, #tpu.memory_space<vmem>>, vector<1x8x2x8x128xf32>
    %swap3A_148 = vector.shape_cast %swap3A_147 : vector<1x8x2x8x128xf32> to vector<8x2x8x128xf32>
    %swap3A_149 = vector.shape_cast %transpose3A_141 : vector<8x2x8x128xf32> to vector<1x8x2x8x128xf32>
    tpu.vector_store %arg3[%swap3A_142, %swap3A_143, %swap3A_144, %swap3A_145, %swap3A_146], %swap3A_149 {strides = array<i32>} : memref<1x8x32x8x128xf32, #tpu.memory_space<vmem>>, vector<1x8x2x8x128xf32>,
    %get3A_150 = arith.constant 1408 : index
    %get3A_151 = arith.constant 0 : index
    %get3A_152 = vector.load %arg2[%get3A_150, %get3A_151] : memref<2048x128xf32, #tpu.memory_space<vmem>>, vector<128x128xf32>
    %transpose3A_153 = tpu.transpose %get3A_152, [1, 0] : vector<128x128xf32> -> vector<128x128xf32>
    %reshape3A_154 = vector.shape_cast %transpose3A_153 : vector<128x128xf32> to vector<2x8x8x128xf32>
    %transpose3A_155 = tpu.transpose %reshape3A_154, [1, 0, 2, 3] : vector<2x8x8x128xf32> -> vector<8x2x8x128xf32>
    %swap3A_156 = arith.constant 0 : index
    %swap3A_157 = arith.constant 0 : index
    %swap3A_158 = arith.constant 22 : index
    %swap3A_159 = arith.constant 0 : index
    %swap3A_160 = arith.constant 0 : index
    %swap3A_161 = vector.load %arg3[%swap3A_156, %swap3A_157, %swap3A_158, %swap3A_159, %swap3A_160] : memref<1x8x32x8x128xf32, #tpu.memory_space<vmem>>, vector<1x8x2x8x128xf32>
    %swap3A_162 = vector.shape_cast %swap3A_161 : vector<1x8x2x8x128xf32> to vector<8x2x8x128xf32>
    %swap3A_163 = vector.shape_cast %transpose3A_155 : vector<8x2x8x128xf32> to vector<1x8x2x8x128xf32>
    tpu.vector_store %arg3[%swap3A_156, %swap3A_157, %swap3A_158, %swap3A_159, %swap3A_160], %swap3A_163 {strides = array<i32>} : memref<1x8x32x8x128xf32, #tpu.memory_space<vmem>>, vector<1x8x2x8x128xf32>,
    %get3A_164 = arith.constant 1536 : index
    %get3A_165 = arith.constant 0 : index
    %get3A_166 = vector.load %arg2[%get3A_164, %get3A_165] : memref<2048x128xf32, #tpu.memory_space<vmem>>, vector<128x128xf32>
    %transpose3A_167 = tpu.transpose %get3A_166, [1, 0] : vector<128x128xf32> -> vector<128x128xf32>
    %reshape3A_168 = vector.shape_cast %transpose3A_167 : vector<128x128xf32> to vector<2x8x8x128xf32>
    %transpose3A_169 = tpu.transpose %reshape3A_168, [1, 0, 2, 3] : vector<2x8x8x128xf32> -> vector<8x2x8x128xf32>
    %swap3A_170 = arith.constant 0 : index
    %swap3A_171 = arith.constant 0 : index
    %swap3A_172 = arith.constant 24 : index
    %swap3A_173 = arith.constant 0 : index
    %swap3A_174 = arith.constant 0 : index
    %swap3A_175 = vector.load %arg3[%swap3A_170, %swap3A_171, %swap3A_172, %swap3A_173, %swap3A_174] : memref<1x8x32x8x128xf32, #tpu.memory_space<vmem>>, vector<1x8x2x8x128xf32>
    %swap3A_176 = vector.shape_cast %swap3A_175 : vector<1x8x2x8x128xf32> to vector<8x2x8x128xf32>
    %swap3A_177 = vector.shape_cast %transpose3A_169 : vector<8x2x8x128xf32> to vector<1x8x2x8x128xf32>
    tpu.vector_store %arg3[%swap3A_170, %swap3A_171, %swap3A_172, %swap3A_173, %swap3A_174], %swap3A_177 {strides = array<i32>} : memref<1x8x32x8x128xf32, #tpu.memory_space<vmem>>, vector<1x8x2x8x128xf32>,
    %get3A_178 = arith.constant 1664 : index
    %get3A_179 = arith.constant 0 : index
    %get3A_180 = vector.load %arg2[%get3A_178, %get3A_179] : memref<2048x128xf32, #tpu.memory_space<vmem>>, vector<128x128xf32>
    %transpose3A_181 = tpu.transpose %get3A_180, [1, 0] : vector<128x128xf32> -> vector<128x128xf32>
    %reshape3A_182 = vector.shape_cast %transpose3A_181 : vector<128x128xf32> to vector<2x8x8x128xf32>
    %transpose3A_183 = tpu.transpose %reshape3A_182, [1, 0, 2, 3] : vector<2x8x8x128xf32> -> vector<8x2x8x128xf32>
    %swap3A_184 = arith.constant 0 : index
    %swap3A_185 = arith.constant 0 : index
    %swap3A_186 = arith.constant 26 : index
    %swap3A_187 = arith.constant 0 : index
    %swap3A_188 = arith.constant 0 : index
    %swap3A_189 = vector.load %arg3[%swap3A_184, %swap3A_185, %swap3A_186, %swap3A_187, %swap3A_188] : memref<1x8x32x8x128xf32, #tpu.memory_space<vmem>>, vector<1x8x2x8x128xf32>
    %swap3A_190 = vector.shape_cast %swap3A_189 : vector<1x8x2x8x128xf32> to vector<8x2x8x128xf32>
    %swap3A_191 = vector.shape_cast %transpose3A_183 : vector<8x2x8x128xf32> to vector<1x8x2x8x128xf32>
    tpu.vector_store %arg3[%swap3A_184, %swap3A_185, %swap3A_186, %swap3A_187, %swap3A_188], %swap3A_191 {strides = array<i32>} : memref<1x8x32x8x128xf32, #tpu.memory_space<vmem>>, vector<1x8x2x8x128xf32>,
    %get3A_192 = arith.constant 1792 : index
    %get3A_193 = arith.constant 0 : index
    %get3A_194 = vector.load %arg2[%get3A_192, %get3A_193] : memref<2048x128xf32, #tpu.memory_space<vmem>>, vector<128x128xf32>
    %transpose3A_195 = tpu.transpose %get3A_194, [1, 0] : vector<128x128xf32> -> vector<128x128xf32>
    %reshape3A_196 = vector.shape_cast %transpose3A_195 : vector<128x128xf32> to vector<2x8x8x128xf32>
    %transpose3A_197 = tpu.transpose %reshape3A_196, [1, 0, 2, 3] : vector<2x8x8x128xf32> -> vector<8x2x8x128xf32>
    %swap3A_198 = arith.constant 0 : index
    %swap3A_199 = arith.constant 0 : index
    %swap3A_200 = arith.constant 28 : index
    %swap3A_201 = arith.constant 0 : index
    %swap3A_202 = arith.constant 0 : index
    %swap3A_203 = vector.load %arg3[%swap3A_198, %swap3A_199, %swap3A_200, %swap3A_201, %swap3A_202] : memref<1x8x32x8x128xf32, #tpu.memory_space<vmem>>, vector<1x8x2x8x128xf32>
    %swap3A_204 = vector.shape_cast %swap3A_203 : vector<1x8x2x8x128xf32> to vector<8x2x8x128xf32>
    %swap3A_205 = vector.shape_cast %transpose3A_197 : vector<8x2x8x128xf32> to vector<1x8x2x8x128xf32>
    tpu.vector_store %arg3[%swap3A_198, %swap3A_199, %swap3A_200, %swap3A_201, %swap3A_202], %swap3A_205 {strides = array<i32>} : memref<1x8x32x8x128xf32, #tpu.memory_space<vmem>>, vector<1x8x2x8x128xf32>,
    %get3A_206 = arith.constant 1920 : index
    %get3A_207 = arith.constant 0 : index
    %get3A_208 = vector.load %arg2[%get3A_206, %get3A_207] : memref<2048x128xf32, #tpu.memory_space<vmem>>, vector<128x128xf32>
    %transpose3A_209 = tpu.transpose %get3A_208, [1, 0] : vector<128x128xf32> -> vector<128x128xf32>
    %reshape3A_210 = vector.shape_cast %transpose3A_209 : vector<128x128xf32> to vector<2x8x8x128xf32>
    %transpose3A_211 = tpu.transpose %reshape3A_210, [1, 0, 2, 3] : vector<2x8x8x128xf32> -> vector<8x2x8x128xf32>
    %swap3A_212 = arith.constant 0 : index
    %swap3A_213 = arith.constant 0 : index
    %swap3A_214 = arith.constant 30 : index
    %swap3A_215 = arith.constant 0 : index
    %swap3A_216 = arith.constant 0 : index
    %swap3A_217 = vector.load %arg3[%swap3A_212, %swap3A_213, %swap3A_214, %swap3A_215, %swap3A_216] : memref<1x8x32x8x128xf32, #tpu.memory_space<vmem>>, vector<1x8x2x8x128xf32>
    %swap3A_218 = vector.shape_cast %swap3A_217 : vector<1x8x2x8x128xf32> to vector<8x2x8x128xf32>
    %swap3A_219 = vector.shape_cast %transpose3A_211 : vector<8x2x8x128xf32> to vector<1x8x2x8x128xf32>
    tpu.vector_store %arg3[%swap3A_212, %swap3A_213, %swap3A_214, %swap3A_215, %swap3A_216], %swap3A_219 {strides = array<i32>} : memref<1x8x32x8x128xf32, #tpu.memory_space<vmem>>, vector<1x8x2x8x128xf32>,
    return
  }
  func.func @transform_1(%arg0: i32) -> (i32, i32) {
    %c0_i32 = arith.constant 0 : i32
    %c0_i32_0 = arith.constant 0 : i32
    return %arg0, %c0_i32 : i32, i32
  }
  func.func @transform_2(%arg0: i32) -> (i32, i32, i32, i32, i32) {
    %add3A = arith.constant 150 : i32
    %add3A_0 = arith.addi %add3A, %arg0 : i32
    %c0_i32 = arith.constant 0 : i32
    %c0_i32_1 = arith.constant 0 : i32
    %c0_i32_2 = arith.constant 0 : i32
    %c0_i32_3 = arith.constant 0 : i32
    %c0_i32_4 = arith.constant 0 : i32
    return %add3A_0, %c0_i32, %c0_i32_1, %c0_i32_2, %c0_i32_3 : i32, i32, i32, i32, i32
  }
}

</mosaic_0001>

<sc_bundles>
// kernel: _embed.10.cloned.1.call-start
scs
__scs_entry_jumppad:
0x0: {  	(pc) =	sbr.rel $0x88, $3  }
0x1: {  	(tag) =	ssettag $0x0;
	lr =	simm.s32 $0x1  }
0x2: {  	[smem:$0x3F9F] =	sst lr;
	_ =	strace $0xD0000000  }
0x3: {  	_ = 	snop  }
0x4: {  	_ = 	snop  }
0x5: {  	_ = 	snop  }
0x6: {  	_ = 	snop  }
0x7: {  	_ = 	snop  }
__scs_overlays_trampoline_lowered:
0x8: {  	[smem:$0x3FAE] =	sst s0  }
0x9: {  	[smem:$0x3FAF] =	sst s1  }
0xa: {  	[smem:$0x3FB0] =	sst s2  }
0xb: {  	[smem:$0x3FB1] =	sst s3  }
0xc: {  	[smem:$0x3FB2] =	sst s4  }
0xd: {  	[smem:$0x3FB3] =	sst s5  }
0xe: {  	[smem:$0x3FB4] =	sst s6  }
0xf: {  	[smem:$0x3FB5] =	sst s7  }
0x10: {  	[smem:$0x3FB6] =	sst s8  }
0x11: {  	[smem:$0x3FB7] =	sst s9;
	s0 =	simm.s32 @!p0 $0x0  }
0x12: {  	s1 =	sld [smem:$0x3F9D];
	s0 =	simm.s32 @p0 $0x1  }
0x13: {  	[smem:$0x3FB8] =	sst s0;
	s0 =	simm.s32 @!p1 $0x0  }
0x14: {  	s2 =	sld [smem:$0x3F9C];
	s0 =	simm.s32 @p1 $0x1  }
0x15: {  	[smem:$0x3FB9] =	sst s0;
	s0 =	simm.s32 @!p2 $0x0  }
0x16: {  	s3 =	sld [smem:$0x3FDB];
	s0 =	simm.s32 @p2 $0x1  }
0x17: {  	s4 =	simm.s32 $0x1BF5;
	[smem:$0x3FBB] =	sst s0  }
0x18: {  	s0 =	sld [smem:$0x3F9E];
	_ =	swait.ge [sflag:s4], $0x0  }
0x19: {  	s7 =	sld [smem:$0x3F9F]  }
0x1a: {  	s8 =	sadd.s32 $0xFFFFE003, lr  }
0x1b: {  	s9 =	sadd.s32 $0xFFFFFEF7, lr;
	s5 =	simm.s32 $0xFFFFFFFF;
	p2 =	slt.u32 s8, $0xFFFFF086  }
0x1c: {  	p1 =	slt.u32 s9, $0xF7A;
	s5 =	simm.s32 @!p2 $0x0  }
0x1d: {  	s5 =	simm.s32 @p1 $0x1;
	p0 =	seq.s32 s7, s2  }
0x1e: {  	s7 =	smul.u32 @!p0 $0xF7A, s2;
	p2 =	seq.s32 @!p0 s5, $0x0  }
0x1f: {  	s9 =	smul.u32 $0xF7A, s1;
	s8 =	simm.s32 @!p0 $0x1BF5;
	p2 =	por !p2, p0  }
0x20: {  	[sflag:s8] =	ssyncset.s32 @!p0 $0xFFFFF086;
	s6 =	sadd.s32 @!p0 s3, s7;
	s7 =	simm.s32 @!p0 $0x108  }
0x21: {  	s3 =	sadd.s32 s3, s9;
	s6 =	sadd.s32 @!p0 $0x88, s6;
	s7 =	simm.s32 @p2 $0x1082  }
0x22: {  	[simem:s7], [sflag:s8] =	dma.local @!p0 [hbm:s6], $0xF7A  }
0x23: {  	s9 =	sor.u32 $0xD0000000, s2;
	s6 =	simm.s32 $0x108;
	_ =	swait.ge @!p0 [sflag:s8], $0x0  }
0x24: {  	s3 =	sadd.s32 $0x88, s3;
	s6 =	simm.s32 @!p1 $0x1082;
	[sflag:s4] =	ssyncset.s32 $0xFFFFF086  }
0x25: {  	[simem:s6], [sflag:s4] =	dma.local [hbm:s3], $0xF7A  }
0x26: {  	[smem:$0x3F9F] =	sst s1;
	(tag) =	ssettag s2;
	_ =	strace s9  }
0x27: {  	s1 =	sld [smem:$0x3FAF]  }
0x28: {  	s2 =	sld [smem:$0x3FB0]  }
0x29: {  	s4 =	sld [smem:$0x3FB2]  }
0x2a: {  	p0 =	seq.s32 s5, $0x0;
	s5 =	sld [smem:$0x3FB3]  }
0x2b: {  	s6 =	sld [smem:$0x3FB4]  }
0x2c: {  	s7 =	sld [smem:$0x3FB5]  }
0x2d: {  	s3 =	simm.s32 $0x108;
	s8 =	sld [smem:$0x3FB6]  }
0x2e: {  	s3 =	simm.s32 @!p0 $0x1082;
	s9 =	sld [smem:$0x3FB7]  }
0x2f: {  	lr =	sadd.s32 s0, s3;
	s0 =	sld [smem:$0x3FAE]  }
0x30: {  	s3 =	sld [smem:$0x3FB1]  }
0x31: {  	[smem:$0x3FBA] =	sst s10  }
0x32: {  	s10 =	sld [smem:$0x3FB8];
	_ =	sdelay $0x3  }
0x33: {  	p0 =	seq.s32 s10, $0x1;
	s10 =	sld [smem:$0x3FBA];
	_ =	sdelay $0x3  }
0x34: {  	[smem:$0x3FBA] =	sst s10  }
0x35: {  	s10 =	sld [smem:$0x3FB9];
	_ =	sdelay $0x3  }
0x36: {  	p1 =	seq.s32 s10, $0x1;
	s10 =	sld [smem:$0x3FBA];
	_ =	sdelay $0x3  }
0x37: {  	[smem:$0x3FBA] =	sst s10  }
0x38: {  	s10 =	sld [smem:$0x3FBB]  }
0x39: {  	_ = 	snop;
	(pc) =	sbr.ind lr, $3  }
0x3a: {  	_ = 	snop  }
0x3b: {  	_ = 	snop  }
0x3c: {  	p2 =	seq.s32 s10, $0x1;
	s10 =	sld [smem:$0x3FBA]  }
0x3d: {  	_ =	shalt  }
0x3e: {  	_ =	shalt  }
0x3f: {  	_ =	shalt  }
0x40: {  	_ =	shalt  }
0x41: {  	_ =	shalt  }
0x42: {  	_ =	shalt  }
0x43: {  	_ =	shalt  }
0x44: {  	_ =	shalt  }
0x45: {  	_ =	shalt  }
0x46: {  	_ =	shalt  }
0x47: {  	_ =	shalt  }
0x48: {  	_ =	shalt  }
0x49: {  	_ =	shalt  }
0x4a: {  	_ =	shalt  }
0x4b: {  	_ =	shalt  }
0x4c: {  	_ =	shalt  }
0x4d: {  	_ =	shalt  }
0x4e: {  	_ =	shalt  }
0x4f: {  	_ =	shalt  }
0x50: {  	_ =	shalt  }
0x51: {  	_ =	shalt  }
0x52: {  	_ =	shalt  }
0x53: {  	_ =	shalt  }
0x54: {  	_ =	shalt  }
0x55: {  	_ =	shalt  }
0x56: {  	_ =	shalt  }
0x57: {  	_ =	shalt  }
0x58: {  	_ =	shalt  }
0x59: {  	_ =	shalt  }
0x5a: {  	_ =	shalt  }
0x5b: {  	_ =	shalt  }
0x5c: {  	_ =	shalt  }
0x5d: {  	_ =	shalt  }
0x5e: {  	_ =	shalt  }
0x5f: {  	_ =	shalt  }
0x60: {  	_ =	shalt  }
0x61: {  	_ =	shalt  }
0x62: {  	_ =	shalt  }
0x63: {  	_ =	shalt  }
0x64: {  	_ =	shalt  }
0x65: {  	_ =	shalt  }
0x66: {  	_ =	shalt  }
0x67: {  	_ =	shalt  }
0x68: {  	_ =	shalt  }
0x69: {  	_ =	shalt  }
0x6a: {  	_ =	shalt  }
0x6b: {  	_ =	shalt  }
0x6c: {  	_ =	shalt  }
0x6d: {  	_ =	shalt  }
0x6e: {  	_ =	shalt  }
0x6f: {  	_ =	shalt  }
0x70: {  	_ =	shalt  }
0x71: {  	_ =	shalt  }
0x72: {  	_ =	shalt  }
0x73: {  	_ =	shalt  }
0x74: {  	_ =	shalt  }
0x75: {  	_ =	shalt  }
0x76: {  	_ =	shalt  }
0x77: {  	_ =	shalt  }
0x78: {  	_ =	shalt  }
0x79: {  	_ =	shalt  }
0x7a: {  	_ =	shalt  }
0x7b: {  	_ =	shalt  }
0x7c: {  	_ =	shalt  }
0x7d: {  	_ =	shalt  }
0x7e: {  	_ =	shalt  }
0x7f: {  	_ =	shalt  }
0x80: {  	_ =	shalt  }
0x81: {  	_ =	shalt  }
0x82: {  	_ =	shalt  }
0x83: {  	_ =	shalt  }
0x84: {  	_ =	shalt  }
0x85: {  	_ =	shalt  }
0x86: {  	_ =	shalt  }
0x87: {  	_ =	shalt  }
.Lfunc_end0:
.L_simem_size_0:
called_computation_lowered:
.L_overlay_start_0:
0x88: {  	s2 =	sld [smem:$0x3FD9]  }
0x89: {  	s3 =	sld [smem:$0x3FFE];
	_ =	sdelay $0x1  }
0x8a: {  	s1 =	srdreg.scid  }
0x8b: {  	s0 =	sand.u32 $0x1, s1  }
0x8c: {  	s16 =	sshll.u32 s0, $0xA;
	s2 =	sadd.s32 s3, s2  }
0x8d: {  	s2 =	sadd.s32 s2, s16  }
0x8e: {  	[smem:$0x3FC6] =	sst s2  }
0x8f: {  	_ = 	snop  }
0x90: {  	(tm) =	ssettm $0x1  }
0x91: {  	s17 =	sld [smem:$0x3FFB];
	_ =	sdelay $0x3  }
0x92: {  	_ =	strace s17  }
0x93: {  	s2 =	sld [smem:$0x3FFC];
	_ =	sdelay $0x3  }
0x94: {  	_ =	strace s2  }
0x95: {  	s2 =	sld [smem:$0x3FFD];
	_ =	sdelay $0x3  }
0x96: {  	_ =	strace s2  }
0x97: {  	_ =	strace $0x8FFFFFFF  }
0x98: {  	s18 =	sld [smem:$0x3FDB];
	_ =	sdelay $0x1  }
0x99: {  	s19 =	simm.s32 $_scs_section_size  }
0x9a: {  	s4 =	simm.s32 $_size__tile_overlayer_lowered;
	s5 =	simm.s32 $_tile_overlayer_lowered  }
0x9b: {  	s22 =	simm.s32 $0x1BFF;
	s21 =	sshll.u32 s5, $0x1;
	s2 =	sadd.s32 s19, s18  }
0x9c: {  	s6 =	simm.s32 $0x0;
	s20 =	sshll.u32 s4, $0x1;
	s4 =	sadd.s32 s21, s2  }
0x9d: {  	[timem:s6], [sflag:s22] =	dma.local [hbm:s4], s20  }
0x9e: {  	_ =	swait.ge [sflag:s22], s20  }
0x9f: {  	s3 =	ssub.s32 $0x0, s20;
	[sflag:s22] =	ssyncset.done $0x0  }
0xa0: {  	[sflag:s22] =	ssyncadd.s32 s3;
	_ =	sdelay $0x1  }
0xa1: {  	s23 =	simm.s32 $0x1B8B  }
0xa2: {  	_ =	swait.ge [sflag:s23], $0x1  }
0xa3: {  	[sflag:s23] =	ssyncset.done $0x0  }
0xa4: {  	s25 =	simm.s32 $0x1B8E;
	s24 =	sld [smem:$0x3FFE];
	[sflag:s23] =	ssyncadd.s32 $0xFFFFFFFF  }
0xa5: {  	s26 =	simm.s32 $execute0_lowered;
	[smem:$0x3FD2] =	sst s25  }
0xa6: {  	s4 =	sshll.u32 s26, $0x1;
	_ =	strace $0x80000046;
	[dreg:$0x1] =	wrdreg $0xFFFFFFFF  }
0xa7: {  	s28 =	simm.s32 $_size_execute0_lowered;
	s2 =	sadd.s32 s2, s4;
	[dreg:$0x0] =	wrdreg $0x0  }
0xa8: {  	s4 =	sshll.u32 s28, $0x1;
	[dreg:$0x2] =	wrdreg s2  }
0xa9: {  	[dreg:$0x3] =	wrdreg s4  }
0xaa: {  	[dreg:$0x4] =	wrdreg $0xC0  }
0xab: {  	_ =	task [dreg:s6], $0x5FFFF  }
0xac: {  	[dreg:$0x1] =	wrdreg $0xFFFFFFFF  }
0xad: {  	[dreg:$0x0] =	wrdreg $0x60  }
0xae: {  	[dreg:$0x2] =	wrdreg s24  }
0xaf: {  	[dreg:$0x3] =	wrdreg $0x9  }
0xb0: {  	_ =	task.clear_ibuf [dreg:s6], $0x4FFFF;
	_ =	strace $0x90000046  }
0xb1: {  	s29 =	simm.s32 $0x9;
	_ =	strace $0x80000048  }
0xb2: {  	_ =	swait.ge [sflag:s29], $0x1  }
0xb3: {  	[sflag:s29] =	ssyncadd.s32 $0xFFFFFFFF  }
0xb4: {  	_ =	strace $0x90000048  }
0xb5: {  	_ =	sfence  }
0xb6: {  	s30 =	sld [smem:$0x0];
	_ =	sdelay $0x2  }
0xb7: {  	s31 =	sshll.u32 s1, $0xD;
	s1 =	sshrl.u32 s1, $0x2  }
0xb8: {  	s3 =	sand.u32 $0x4000, s31;
	s1 =	sadd.s32 s1, s30  }
0xb9: {  	s0 =	sor.u32 s3, s0;
	s1 =	sshll.u32 s1, $0x11  }
0xba: {  	s0 =	sor.u32 s1, s0  }
0xbb: {  	s0 =	sadd.s32 $0x8F2B, s0  }
0xbc: {  	[sflag:s0] =	ssyncadd.remote.s32 $0x1  }
0xbd: {  	_ =	sfence.sel $0xFFFF  }
0xbe: {  	[dreg:$0x0] =	wrdreg $0xFFFFFFFF;
	(pc) =	sbr.abs _section_cstart, $3  }
0xbf: {  	[dreg:$0x1] =	wrdreg $0xFFFFFFFF  }
0xc0: {  	_ =	task.clear_ibuf [dreg:s6], $0x2FFFF;
	_ =	strace $0x9FFFFFFF  }
0xc1: {  	(tm) =	ssettm $0x7FFFFFFF  }
tec
execute0_lowered:
.L_overlay_start_1:
0x0: {  	(tag) =	ssettag $0x1  }
0x1: {  	s1 =	srdreg.scid;
	s0 =	stileid.u32  }
0x2: {  	s4 =	rddreg [dreg:$0x0];
	s2 =	simm.s32 $0x0;
	s7 =	simm.s32 $0x1  }
0x3: {  	s11 =	simm.s32 $0x1000;
	s12 =	simm.s32 $0x5;
	s13 =	simm.s32 $0x1900  }
0x4: {  	s14 =	simm.s32 $0x3900;
	s15 =	simm.s32 $0x3;
	s16 =	simm.s32 $0x2  }
0x5: {  	s17 =	simm.s32 $0x4;
	s5 =	sand.u32 $0x1, s1;
	s3 =	sshll.u32 s0, $0x1  }
0x6: {  	s18 =	simm.s32 $0x0;
	s1 =	rddreg [dreg:$0x1];
	s6 =	sor.u32 s5, s3  }
0x7: {  	[smem:$0x7FF] =	sst s2;
	p1 =	seq.s32 s5, $0x1;
	p0 =	seq.s32 s6, $0x0  }
0x8: {  	s9 =	sadd.s32 $0xDD800, s4;
	_ =	strace $0x80000047;
	p0 =	por !p0, !p1  }
0x9: {  	s3 =	sadd.s32 $0x1200, s4;
	s8 =	ssub.s32 $0x2, s5;
	p0 =	por !p0, !p0  }
0xa: {  	s10 =	sshll.u32 s5, $0xD;
	s6 =	sshll.u32 s6, $0x4;
	s7 =	simm.s32 @!p0 $0x0  }
0xb: {  	s30 =	sshrl.u32 s8, $0x1;
	s6 =	sadd.s32 s6, s4;
	s7 =	ssub.s32 s0, s7  }
0xc: {  	s8 =	ssub.s32 s8, s30;
	s4 =	simm.s32 $0x1;
	s7 =	sshll.u32 s7, $0xE  }
0xd: {  	s5 =	sadd.s32 $0xC4800, s6;
	s6 =	smax.u32 s8, $0x1;
	s7 =	sor.u32 s10, s7  }
0xe: {  	s31 =	sadd.s32 $0xC40000, s7;
	s10 =	sadd.s32 $0x40000, s7;
	s7 =	sshrl.u32 s7, $0x3  }
0xf: {  	s8 =	sshrl.u32 s31, $0x3;
	s10 =	sshrl.u32 s10, $0x3;
	s7 =	sadd.s32 s9, s7  }
0x10: {  	s8 =	sadd.s32 s9, s8;
	s9 =	sadd.s32 s10, s9;
	s10 =	simm.s32 $0x80  }
.LBB2_1:
0x11: {  	[tilespmem:s2], [sflag:$0x5] =	stream.strided.gather [hbm4b:s5+s10], $0x1900, s11, s10, $0x38;
	[tilespmem:$0x5900] =	vst v63  }
0x12: {  	_ =	swait.ge [sflag:s12], $0x1900  }
0x13: {  	[sflag:s12] =	ssyncset.done $0x0  }
0x14: {  	[sflag:s12] =	ssyncadd.s32 $0xFFFFE700  }
0x15: {  	[tilespmem:s13], [sflag:$0x1] =	stream.indirect.gather [hbm4b:s3+s10], $0x40, s2, s10, $0xb8;
	[tilespmem:$0x5900] =	vst v63  }
0x16: {  	_ = 	snop  }
0x17: {  	[tilespmem:s14], [sflag:$0x2] =	stream.indirect.gather [hbm4b:s3+s10], $0x40, s10, s10, $0xb8;
	[tilespmem:$0x5900] =	vst v63  }
0x18: {  	s19 =	sand.u32 $0x1, s16;
	_ =	swait.ge [sflag:s4], $0x2000  }
0x19: {  	p0 =	seq.s32 s19, $0x1;
	[sflag:s4] =	ssyncset.done $0x0  }
0x1a: {  	s19 =	simm.s32 @p0 $0x4;
	[sflag:s4] =	ssyncadd.s32 $0xFFFFE000  }
0x1b: {  	[hbm4b:s7+s2] =	stream.linear.scatter [tilespmem:s13], [sflag:$0x3], $0x2000, $0x38;
	[tilespmem:$0x5900] =	vst v63  }
0x1c: {  	s22 =	simm.s32 $0x100;
	_ =	swait.ge @p0 [sflag:s19], $0x2000  }
0x1d: {  	s20 =	simm.s32 @p0 $0x1;
	[sflag:s19] =	ssyncset.done @p0 $0x0;
	p0 =	por p0, p0  }
0x1e: {  	[sflag:s19] =	ssyncadd.s32 @p0 $0xFFFFE000;
	s19 =	simm.s32 @p0 $0x80;
	s21 =	simm.s32 @p0 $0x3900  }
0x1f: {  	[tilespmem:s21], [sflag:$0x2] =	stream.indirect.gather @p0 [hbm4b:s3+s19], $0x40, s22, s19, $0xb8;
	[tilespmem:$0x5900] =	vst v63  }
0x20: {  	s24 =	simm.s32 $0x3;
	_ =	swait.ge @p0 [sflag:s20], $0x2000  }
0x21: {  	s31 =	sand.u32 $0x1, s24;
	s25 =	simm.s32 @!p0 $0x3;
	[sflag:s20] =	ssyncset.done @p0 $0x0  }
0x22: {  	s19 =	simm.s32 @p0 $0x0;
	[sflag:s20] =	ssyncadd.s32 @p0 $0xFFFFE000;
	s20 =	simm.s32 @p0 $0x1900  }
0x23: {  	[hbm4b:s9+s19] =	stream.linear.scatter @p0 [tilespmem:s20], [sflag:$0x3], $0x2000, $0x38;
	[tilespmem:$0x5900] =	vst v63  }
0x24: {  	p2 =	seq.s32 s31, $0x1;
	s23 =	simm.s32 @!p0 $0x2;
	_ =	swait.ge @!p0 [sflag:s25], $0x2000  }
0x25: {  	s26 =	simm.s32 @!p0 $0x1900;
	s24 =	simm.s32 @!p0 $0x3900;
	[sflag:s25] =	ssyncset.done @!p0 $0x0  }
0x26: {  	s21 =	simm.s32 $0x4;
	[sflag:s25] =	ssyncadd.s32 @!p0 $0xFFFFE000;
	s25 =	simm.s32 @!p0 $0x80  }
0x27: {  	[tilespmem:s26], [sflag:$0x1] =	stream.indirect.gather @!p0 [hbm4b:s3+s25], $0x40, s22, s25, $0xb8;
	[tilespmem:$0x5900] =	vst v63  }
0x28: {  	s19 =	sadd.s32 $0x8000, s9;
	s20 =	simm.s32 $0x180;
	_ =	swait.ge @!p0 [sflag:s23], $0x2000  }
0x29: {  	s25 =	simm.s32 @!p0 $0x0;
	s22 =	smov.u32 s9;
	[sflag:s23] =	ssyncset.done @!p0 $0x0  }
.LBB2_2:
0x2a: {  	s26 =	simm.s32 @p2 $0x4;
	[sflag:s23] =	ssyncadd.s32 @!p0 $0xFFFFE000  }
0x2b: {  	s28 =	smov.u32 s21;
	s21 =	sadd.s32 $0x1, s21;
	s29 =	smov.u32 s20  }
0x2c: {  	[hbm4b:s22+s25] =	stream.linear.scatter @!p0 [tilespmem:s24], [sflag:$0x4], $0x2000, $0x38;
	[tilespmem:$0x5900] =	vst v63  }
0x2d: {  	p1 =	sne.s32 s21, $0x32;
	s22 =	smov.u32 s19;
	_ =	swait.ge @p2 [sflag:s26], $0x2000  }
0x2e: {  	s23 =	simm.s32 @p2 $0x1;
	p0 =	por p2, p2;
	[sflag:s26] =	ssyncset.done @p2 $0x0  }
0x2f: {  	s24 =	simm.s32 @p0 $0x80;
	s25 =	simm.s32 @p0 $0x3900;
	[sflag:s26] =	ssyncadd.s32 @p0 $0xFFFFE000  }
0x30: {  	[tilespmem:s25], [sflag:$0x2] =	stream.indirect.gather @p0 [hbm4b:s3+s24], $0x40, s20, s24, $0xb8;
	[tilespmem:$0x5900] =	vst v63  }
0x31: {  	_ =	swait.ge @p0 [sflag:s23], $0x2000  }
0x32: {  	s24 =	simm.s32 @!p0 $0x3;
	[sflag:s23] =	ssyncset.done @p0 $0x0  }
0x33: {  	s25 =	simm.s32 @p0 $0x1900;
	[sflag:s23] =	ssyncadd.s32 @p0 $0xFFFFE000;
	s23 =	simm.s32 @p0 $0x0  }
0x34: {  	[hbm4b:s19+s23] =	stream.linear.scatter @p0 [tilespmem:s25], [sflag:$0x3], $0x2000, $0x38;
	[tilespmem:$0x5900] =	vst v63  }
0x35: {  	s20 =	sadd.s32 $0x80, s20;
	s19 =	sadd.s32 $0x8000, s19;
	_ =	swait.ge @!p0 [sflag:s24], $0x2000  }
.Ltmp0:
0x36: {  	s23 =	simm.s32 @!p0 $0x2;
	[sflag:s24] =	ssyncset.done @!p0 $0x0;
	(pc) =	sbr.rel @p1 .LBB2_2-.Ltmp0, $4  }
0x37: {  	s25 =	simm.s32 @!p0 $0x1900;
	[sflag:s24] =	ssyncadd.s32 @!p0 $0xFFFFE000;
	s24 =	simm.s32 @!p0 $0x80  }
0x38: {  	[tilespmem:s25], [sflag:$0x1] =	stream.indirect.gather @!p0 [hbm4b:s3+s24], $0x40, s29, s24, $0xb8;
	[tilespmem:$0x5900] =	vst v63  }
0x39: {  	s25 =	sand.u32 $0x1, s28;
	s24 =	simm.s32 @!p0 $0x3900;
	_ =	swait.ge @!p0 [sflag:s23], $0x2000  }
0x3a: {  	p2 =	seq.s32 s25, $0x1;
	s25 =	simm.s32 @!p0 $0x0;
	[sflag:s23] =	ssyncset.done @!p0 $0x0  }
0x3b: {  	s21 =	simm.s32 @p2 $0x4;
	[sflag:s23] =	ssyncadd.s32 @!p0 $0xFFFFE000  }
0x3c: {  	[hbm4b:s22+s25] =	stream.linear.scatter @!p0 [tilespmem:s24], [sflag:$0x4], $0x2000, $0x38;
	[tilespmem:$0x5900] =	vst v63  }
0x3d: {  	_ =	swait.ge @p2 [sflag:s21], $0x2000  }
0x3e: {  	s22 =	simm.s32 @p2 $0x1;
	p0 =	por p2, p2;
	[sflag:s21] =	ssyncset.done @p2 $0x0  }
0x3f: {  	s23 =	simm.s32 @p0 $0x3900;
	[sflag:s21] =	ssyncadd.s32 @p0 $0xFFFFE000;
	s21 =	simm.s32 @p0 $0x80  }
0x40: {  	[tilespmem:s23], [sflag:$0x2] =	stream.indirect.gather @p0 [hbm4b:s3+s21], $0x40, s20, s21, $0xb8;
	[tilespmem:$0x5900] =	vst v63  }
0x41: {  	_ =	swait.ge @p0 [sflag:s22], $0x2000  }
0x42: {  	s21 =	simm.s32 @!p0 $0x3;
	[sflag:s22] =	ssyncset.done @p0 $0x0  }
0x43: {  	s23 =	simm.s32 @p0 $0x1900;
	[sflag:s22] =	ssyncadd.s32 @p0 $0xFFFFE000;
	s22 =	simm.s32 @p0 $0x0  }
0x44: {  	[hbm4b:s19+s22] =	stream.linear.scatter @p0 [tilespmem:s23], [sflag:$0x3], $0x2000, $0x38;
	[tilespmem:$0x5900] =	vst v63  }
0x45: {  	_ =	swait.ge @!p0 [sflag:s21], $0x2000  }
0x46: {  	s22 =	simm.s32 @!p0 $0x2;
	[sflag:s21] =	ssyncset.done @!p0 $0x0  }
0x47: {  	s23 =	simm.s32 @!p0 $0x1900;
	[sflag:s21] =	ssyncadd.s32 @!p0 $0xFFFFE000;
	s21 =	simm.s32 @!p0 $0x80  }
0x48: {  	[tilespmem:s23], [sflag:$0x1] =	stream.indirect.gather @!p0 [hbm4b:s3+s21], $0x40, s20, s21, $0xb8;
	[tilespmem:$0x5900] =	vst v63  }
0x49: {  	_ =	swait.ge @!p0 [sflag:s22], $0x2000  }
0x4a: {  	[sflag:s22] =	ssyncset.done @!p0 $0x0  }
0x4b: {  	s20 =	simm.s32 @!p0 $0x3900;
	s21 =	simm.s32 @!p0 $0x0;
	[sflag:s22] =	ssyncadd.s32 @!p0 $0xFFFFE000  }
0x4c: {  	[hbm4b:s19+s21] =	stream.linear.scatter @!p0 [tilespmem:s20], [sflag:$0x4], $0x2000, $0x38;
	[tilespmem:$0x5900] =	vst v63  }
0x4d: {  	_ =	swait.ge [sflag:s15], $0x2000  }
0x4e: {  	[sflag:s15] =	ssyncset.done $0x0  }
0x4f: {  	[sflag:s15] =	ssyncadd.s32 $0xFFFFE000  }
0x50: {  	s18 =	sadd.s32 $0x1, s18;
	_ =	swait.ge [sflag:s16], $0x2000  }
0x51: {  	p0 =	sne.s32 s18, s6;
	[sflag:s16] =	ssyncset.done $0x0  }
.Ltmp1:
0x52: {  	[sflag:s16] =	ssyncadd.s32 $0xFFFFE000;
	(pc) =	sbr.rel @p0 .LBB2_1-.Ltmp1, $4  }
0x53: {  	[hbm4b:s8+s2] =	stream.linear.scatter [tilespmem:s14], [sflag:$0x4], $0x2000, $0x38;
	[tilespmem:$0x5900] =	vst v63  }
0x54: {  	_ =	swait.ge [sflag:s17], $0x2000  }
0x55: {  	[sflag:s17] =	ssyncset.done $0x0  }
0x56: {  	[sflag:s17] =	ssyncadd.s32 $0xFFFFE000  }
0x57: {  	_ =	sfence.sel $0x180000  }
0x58: {  	[bflag:$0x0] =	sbarrier.arrive $0xFFFF  }
0x59: {  	p0 =	sne.s32 s0, $0x0;
	_ =	strace $0x90000047  }
0x5a: {  	s0 =	sadd.s32 @!p0 $0x100000, s1;
	[bflag:$0x2] =	sbarrier.arrive $0xFFFF  }
0x5b: {  	[sflag:s0] =	ssyncadd.tile.s32 @!p0 $0x1;
	_ =	shalt  }
.Lfunc_end2:
_tile_overlayer_lowered:
.L_overlay_start_2:
0x5c: {  	(tag) =	ssettag $0x2  }
0x5d: {  	s0 =	rddreg [dreg:$0x0];
	s2 =	stileid.u32  }
0x5e: {  	s1 =	rddreg [dreg:$0x1];
	p0 =	sne.s32 s2, $0x0  }
0x5f: {  	s3 =	rddreg [dreg:$0x2];
	[bflag:$0x3] =	sbarrier.arrive $0xFFFF;
	s2 =	simm.s32 @!p0 $0x1C05  }
0x60: {  	[timem:s3], [sflag:s2] =	dma.local @!p0 [hbm:s0], s1  }
0x61: {  	s0 =	simm.s32 @!p0 $0x5  }
0x62: {  	_ =	swait.ge @!p0 [sflag:s0], s1  }
0x63: {  	s1 =	ssub.s32 @!p0 $0x0, s1;
	[sflag:s0] =	ssyncset.done @!p0 $0x0  }
0x64: {  	[sflag:s0] =	ssyncadd.s32 @!p0 s1  }
0x65: {  	[bflag:$0x3] =	sbarrier.arrive $0xFFFF  }
0x66: {  	_ =	shalt  }

// kernel: _embed.13.cloned.1.call-start
scs
__scs_entry_jumppad:
0x0: {  	(pc) =	sbr.rel $0x88, $3  }
0x1: {  	(tag) =	ssettag $0x0;
	lr =	simm.s32 $0x1  }
0x2: {  	[smem:$0x3F9F] =	sst lr;
	_ =	strace $0xD0000000  }
0x3: {  	_ = 	snop  }
0x4: {  	_ = 	snop  }
0x5: {  	_ = 	snop  }
0x6: {  	_ = 	snop  }
0x7: {  	_ = 	snop  }
__scs_overlays_trampoline_lowered:
0x8: {  	[smem:$0x3FAE] =	sst s0  }
0x9: {  	[smem:$0x3FAF] =	sst s1  }
0xa: {  	[smem:$0x3FB0] =	sst s2  }
0xb: {  	[smem:$0x3FB1] =	sst s3  }
0xc: {  	[smem:$0x3FB2] =	sst s4  }
0xd: {  	[smem:$0x3FB3] =	sst s5  }
0xe: {  	[smem:$0x3FB4] =	sst s6  }
0xf: {  	[smem:$0x3FB5] =	sst s7  }
0x10: {  	[smem:$0x3FB6] =	sst s8  }
0x11: {  	[smem:$0x3FB7] =	sst s9;
	s0 =	simm.s32 @!p0 $0x0  }
0x12: {  	s1 =	sld [smem:$0x3F9D];
	s0 =	simm.s32 @p0 $0x1  }
0x13: {  	[smem:$0x3FB8] =	sst s0;
	s0 =	simm.s32 @!p1 $0x0  }
0x14: {  	s2 =	sld [smem:$0x3F9C];
	s0 =	simm.s32 @p1 $0x1  }
0x15: {  	[smem:$0x3FB9] =	sst s0;
	s0 =	simm.s32 @!p2 $0x0  }
0x16: {  	s3 =	sld [smem:$0x3FDB];
	s0 =	simm.s32 @p2 $0x1  }
0x17: {  	s4 =	simm.s32 $0x1BF5;
	[smem:$0x3FBB] =	sst s0  }
0x18: {  	s0 =	sld [smem:$0x3F9E];
	_ =	swait.ge [sflag:s4], $0x0  }
0x19: {  	s7 =	sld [smem:$0x3F9F]  }
0x1a: {  	s8 =	sadd.s32 $0xFFFFE003, lr  }
0x1b: {  	s9 =	sadd.s32 $0xFFFFFEF7, lr;
	s5 =	simm.s32 $0xFFFFFFFF;
	p2 =	slt.u32 s8, $0xFFFFF086  }
0x1c: {  	p1 =	slt.u32 s9, $0xF7A;
	s5 =	simm.s32 @!p2 $0x0  }
0x1d: {  	s5 =	simm.s32 @p1 $0x1;
	p0 =	seq.s32 s7, s2  }
0x1e: {  	s7 =	smul.u32 @!p0 $0xF7A, s2;
	p2 =	seq.s32 @!p0 s5, $0x0  }
0x1f: {  	s9 =	smul.u32 $0xF7A, s1;
	s8 =	simm.s32 @!p0 $0x1BF5;
	p2 =	por !p2, p0  }
0x20: {  	[sflag:s8] =	ssyncset.s32 @!p0 $0xFFFFF086;
	s6 =	sadd.s32 @!p0 s3, s7;
	s7 =	simm.s32 @!p0 $0x108  }
0x21: {  	s3 =	sadd.s32 s3, s9;
	s6 =	sadd.s32 @!p0 $0x88, s6;
	s7 =	simm.s32 @p2 $0x1082  }
0x22: {  	[simem:s7], [sflag:s8] =	dma.local @!p0 [hbm:s6], $0xF7A  }
0x23: {  	s9 =	sor.u32 $0xD0000000, s2;
	s6 =	simm.s32 $0x108;
	_ =	swait.ge @!p0 [sflag:s8], $0x0  }
0x24: {  	s3 =	sadd.s32 $0x88, s3;
	s6 =	simm.s32 @!p1 $0x1082;
	[sflag:s4] =	ssyncset.s32 $0xFFFFF086  }
0x25: {  	[simem:s6], [sflag:s4] =	dma.local [hbm:s3], $0xF7A  }
0x26: {  	[smem:$0x3F9F] =	sst s1;
	(tag) =	ssettag s2;
	_ =	strace s9  }
0x27: {  	s1 =	sld [smem:$0x3FAF]  }
0x28: {  	s2 =	sld [smem:$0x3FB0]  }
0x29: {  	s4 =	sld [smem:$0x3FB2]  }
0x2a: {  	p0 =	seq.s32 s5, $0x0;
	s5 =	sld [smem:$0x3FB3]  }
0x2b: {  	s6 =	sld [smem:$0x3FB4]  }
0x2c: {  	s7 =	sld [smem:$0x3FB5]  }
0x2d: {  	s3 =	simm.s32 $0x108;
	s8 =	sld [smem:$0x3FB6]  }
0x2e: {  	s3 =	simm.s32 @!p0 $0x1082;
	s9 =	sld [smem:$0x3FB7]  }
0x2f: {  	lr =	sadd.s32 s0, s3;
	s0 =	sld [smem:$0x3FAE]  }
0x30: {  	s3 =	sld [smem:$0x3FB1]  }
0x31: {  	[smem:$0x3FBA] =	sst s10  }
0x32: {  	s10 =	sld [smem:$0x3FB8];
	_ =	sdelay $0x3  }
0x33: {  	p0 =	seq.s32 s10, $0x1;
	s10 =	sld [smem:$0x3FBA];
	_ =	sdelay $0x3  }
0x34: {  	[smem:$0x3FBA] =	sst s10  }
0x35: {  	s10 =	sld [smem:$0x3FB9];
	_ =	sdelay $0x3  }
0x36: {  	p1 =	seq.s32 s10, $0x1;
	s10 =	sld [smem:$0x3FBA];
	_ =	sdelay $0x3  }
0x37: {  	[smem:$0x3FBA] =	sst s10  }
0x38: {  	s10 =	sld [smem:$0x3FBB]  }
0x39: {  	_ = 	snop;
	(pc) =	sbr.ind lr, $3  }
0x3a: {  	_ = 	snop  }
0x3b: {  	_ = 	snop  }
0x3c: {  	p2 =	seq.s32 s10, $0x1;
	s10 =	sld [smem:$0x3FBA]  }
0x3d: {  	_ =	shalt  }
0x3e: {  	_ =	shalt  }
0x3f: {  	_ =	shalt  }
0x40: {  	_ =	shalt  }
0x41: {  	_ =	shalt  }
0x42: {  	_ =	shalt  }
0x43: {  	_ =	shalt  }
0x44: {  	_ =	shalt  }
0x45: {  	_ =	shalt  }
0x46: {  	_ =	shalt  }
0x47: {  	_ =	shalt  }
0x48: {  	_ =	shalt  }
0x49: {  	_ =	shalt  }
0x4a: {  	_ =	shalt  }
0x4b: {  	_ =	shalt  }
0x4c: {  	_ =	shalt  }
0x4d: {  	_ =	shalt  }
0x4e: {  	_ =	shalt  }
0x4f: {  	_ =	shalt  }
0x50: {  	_ =	shalt  }
0x51: {  	_ =	shalt  }
0x52: {  	_ =	shalt  }
0x53: {  	_ =	shalt  }
0x54: {  	_ =	shalt  }
0x55: {  	_ =	shalt  }
0x56: {  	_ =	shalt  }
0x57: {  	_ =	shalt  }
0x58: {  	_ =	shalt  }
0x59: {  	_ =	shalt  }
0x5a: {  	_ =	shalt  }
0x5b: {  	_ =	shalt  }
0x5c: {  	_ =	shalt  }
0x5d: {  	_ =	shalt  }
0x5e: {  	_ =	shalt  }
0x5f: {  	_ =	shalt  }
0x60: {  	_ =	shalt  }
0x61: {  	_ =	shalt  }
0x62: {  	_ =	shalt  }
0x63: {  	_ =	shalt  }
0x64: {  	_ =	shalt  }
0x65: {  	_ =	shalt  }
0x66: {  	_ =	shalt  }
0x67: {  	_ =	shalt  }
0x68: {  	_ =	shalt  }
0x69: {  	_ =	shalt  }
0x6a: {  	_ =	shalt  }
0x6b: {  	_ =	shalt  }
0x6c: {  	_ =	shalt  }
0x6d: {  	_ =	shalt  }
0x6e: {  	_ =	shalt  }
0x6f: {  	_ =	shalt  }
0x70: {  	_ =	shalt  }
0x71: {  	_ =	shalt  }
0x72: {  	_ =	shalt  }
0x73: {  	_ =	shalt  }
0x74: {  	_ =	shalt  }
0x75: {  	_ =	shalt  }
0x76: {  	_ =	shalt  }
0x77: {  	_ =	shalt  }
0x78: {  	_ =	shalt  }
0x79: {  	_ =	shalt  }
0x7a: {  	_ =	shalt  }
0x7b: {  	_ =	shalt  }
0x7c: {  	_ =	shalt  }
0x7d: {  	_ =	shalt  }
0x7e: {  	_ =	shalt  }
0x7f: {  	_ =	shalt  }
0x80: {  	_ =	shalt  }
0x81: {  	_ =	shalt  }
0x82: {  	_ =	shalt  }
0x83: {  	_ =	shalt  }
0x84: {  	_ =	shalt  }
0x85: {  	_ =	shalt  }
0x86: {  	_ =	shalt  }
0x87: {  	_ =	shalt  }
.Lfunc_end0:
.L_simem_size_0:
called_computation.1_lowered:
.L_overlay_start_0:
0x88: {  	s2 =	sld [smem:$0x3FD9]  }
0x89: {  	s3 =	sld [smem:$0x3FFE];
	_ =	sdelay $0x1  }
0x8a: {  	s1 =	srdreg.scid  }
0x8b: {  	s0 =	sand.u32 $0x1, s1  }
0x8c: {  	s17 =	sshll.u32 s0, $0xA;
	s2 =	sadd.s32 s3, s2  }
0x8d: {  	s2 =	sadd.s32 s2, s17  }
0x8e: {  	[smem:$0x3FC6] =	sst s2  }
0x8f: {  	_ = 	snop  }
0x90: {  	(tm) =	ssettm $0x1  }
0x91: {  	s18 =	sld [smem:$0x3FFB];
	_ =	sdelay $0x3  }
0x92: {  	_ =	strace s18  }
0x93: {  	s2 =	sld [smem:$0x3FFC];
	_ =	sdelay $0x3  }
0x94: {  	_ =	strace s2  }
0x95: {  	s2 =	sld [smem:$0x3FFD];
	_ =	sdelay $0x3  }
0x96: {  	_ =	strace s2  }
0x97: {  	_ =	strace $0x8FFFFFFF  }
0x98: {  	s19 =	sld [smem:$0x3FDB];
	_ =	sdelay $0x1  }
0x99: {  	s20 =	simm.s32 $_scs_section_size  }
0x9a: {  	s4 =	simm.s32 $_size__tile_overlayer_lowered;
	s5 =	simm.s32 $_tile_overlayer_lowered  }
0x9b: {  	s6 =	simm.s32 $0x1BFF;
	s21 =	sshll.u32 s5, $0x1;
	s3 =	sadd.s32 s20, s19  }
0x9c: {  	s22 =	simm.s32 $0x0;
	s4 =	sshll.u32 s4, $0x1;
	s5 =	sadd.s32 s21, s3  }
0x9d: {  	[timem:s22], [sflag:s6] =	dma.local [hbm:s5], s4  }
0x9e: {  	_ =	swait.ge [sflag:s6], s4  }
0x9f: {  	s4 =	ssub.s32 $0x0, s4;
	[sflag:s6] =	ssyncset.done $0x0  }
0xa0: {  	[sflag:s6] =	ssyncadd.s32 s4;
	_ =	sdelay $0x1  }
0xa1: {  	s23 =	simm.s32 $0x1B8B  }
0xa2: {  	_ =	swait.ge [sflag:s23], $0x1  }
0xa3: {  	[sflag:s23] =	ssyncset.done $0x0  }
0xa4: {  	[sflag:s23] =	ssyncadd.s32 $0xFFFFFFFF  }
0xa5: {  	s4 =	sld [smem:$0x0]  }
0xa6: {  	s5 =	sand.u32 $0xFFFFFFFE, s1  }
0xa7: {  	p0 =	sne.s32 s1, s5  }
0xa8: {  	s5 =	sshll.u32 @p0 s5, $0xE  }
0xa9: {  	s5 =	sadd.s32 @p0 $0x11B8D, s5;
	s6 =	sshll.u32 @p0 s4, $0x11  }
0xaa: {  	s5 =	sor.u32 @p0 s6, s5  }
0xab: {  	[sflag:s5] =	ssyncadd.remote.s32 @p0 $0x1;
	_ =	sdelay $0x1  }
0xac: {  	s5 =	simm.s32 @p0 $0x1B8D  }
0xad: {  	_ =	swait.eq @p0 [sflag:s5], $0x1  }
0xae: {  	[sflag:s5] =	ssyncadd.s32 @p0 $0xFFFFFFFF  }
0xaf: {  	s6 =	sshll.u32 @!p0 s1, $0xE  }
0xb0: {  	s6 =	sor.u32 @!p0 $0x4000, s6;
	s5 =	simm.s32 @!p0 $0x1B8D  }
0xb1: {  	s4 =	sshll.u32 @!p0 s4, $0x11;
	s6 =	sadd.s32 @!p0 $0x11B8D, s6;
	_ =	swait.eq @!p0 [sflag:s5], $0x1  }
0xb2: {  	s4 =	sor.u32 @!p0 s4, s6;
	[sflag:s5] =	ssyncadd.s32 @!p0 $0xFFFFFFFF  }
0xb3: {  	s25 =	simm.s32 $0x1B8E;
	s24 =	sld [smem:$0x3FFE];
	[sflag:s4] =	ssyncadd.remote.s32 @!p0 $0x1  }
0xb4: {  	s26 =	simm.s32 $execute0_lowered;
	[smem:$0x3FD2] =	sst s25  }
0xb5: {  	s5 =	sshll.u32 s26, $0x1;
	_ =	strace $0x80000049;
	[dreg:$0x1] =	wrdreg $0xFFFFFFFF  }
0xb6: {  	s28 =	simm.s32 $_size_execute0_lowered;
	s3 =	sadd.s32 s3, s5;
	[dreg:$0x0] =	wrdreg $0x0  }
0xb7: {  	s5 =	sshll.u32 s28, $0x1;
	[dreg:$0x2] =	wrdreg s3  }
0xb8: {  	[dreg:$0x3] =	wrdreg s5  }
0xb9: {  	[dreg:$0x4] =	wrdreg $0xC0  }
0xba: {  	_ =	task [dreg:s22], $0x5FFFF  }
0xbb: {  	[dreg:$0x1] =	wrdreg $0xFFFFFFFF  }
0xbc: {  	[dreg:$0x0] =	wrdreg $0x60  }
0xbd: {  	[dreg:$0x2] =	wrdreg s24  }
0xbe: {  	[dreg:$0x3] =	wrdreg $0xA  }
0xbf: {  	_ =	task.clear_ibuf [dreg:s22], $0x4FFFF;
	_ =	strace $0x90000049  }
0xc0: {  	s29 =	simm.s32 $0xA;
	_ =	strace $0x8000004B  }
0xc1: {  	_ =	swait.ge [sflag:s29], $0x1  }
0xc2: {  	[sflag:s29] =	ssyncadd.s32 $0xFFFFFFFF  }
0xc3: {  	_ =	strace $0x9000004B  }
0xc4: {  	_ =	sfence  }
0xc5: {  	s30 =	sld [smem:$0x0];
	_ =	sdelay $0x2  }
0xc6: {  	s31 =	sshll.u32 s1, $0xD;
	s1 =	sshrl.u32 s1, $0x2  }
0xc7: {  	s4 =	sand.u32 $0x4000, s31;
	s1 =	sadd.s32 s1, s30  }
0xc8: {  	s0 =	sor.u32 s4, s0;
	s1 =	sshll.u32 s1, $0x11  }
0xc9: {  	s0 =	sor.u32 s1, s0  }
0xca: {  	s0 =	sadd.s32 $0x8F2B, s0  }
0xcb: {  	[sflag:s0] =	ssyncadd.remote.s32 $0x1  }
0xcc: {  	_ =	sfence.sel $0xFFFF  }
0xcd: {  	[dreg:$0x0] =	wrdreg $0xFFFFFFFF;
	(pc) =	sbr.abs _section_cstart, $3  }
0xce: {  	[dreg:$0x1] =	wrdreg $0xFFFFFFFF  }
0xcf: {  	_ =	task.clear_ibuf [dreg:s22], $0x2FFFF;
	_ =	strace $0x9FFFFFFF  }
0xd0: {  	(tm) =	ssettm $0x7FFFFFFF  }
0xd1: {  	_ =	shalt  }
tec
execute0_lowered:
.L_overlay_start_1:
0x0: {  	(tag) =	ssettag $0x1  }
0x1: {  	s1 =	srdreg.scid;
	s0 =	stileid.u32  }
0x2: {  	s4 =	rddreg [dreg:$0x0];
	s2 =	simm.s32 $0x0;
	s7 =	simm.s32 $0x1  }
0x3: {  	s11 =	simm.s32 $0x1000;
	s12 =	simm.s32 $0x5;
	s13 =	simm.s32 $0x1900  }
0x4: {  	s14 =	simm.s32 $0x3900;
	s15 =	simm.s32 $0x3;
	s16 =	simm.s32 $0x2  }
0x5: {  	s17 =	simm.s32 $0x4;
	s5 =	sand.u32 $0x1, s1;
	s3 =	sshll.u32 s0, $0x1  }
0x6: {  	s18 =	simm.s32 $0x0;
	s1 =	rddreg [dreg:$0x1];
	s6 =	sor.u32 s5, s3  }
0x7: {  	[smem:$0x7FF] =	sst s2;
	p1 =	seq.s32 s5, $0x1;
	p0 =	seq.s32 s6, $0x0  }
0x8: {  	s9 =	sadd.s32 $0x26D800, s4;
	_ =	strace $0x8000004A;
	p0 =	por !p0, !p1  }
0x9: {  	s3 =	sadd.s32 $0x1200, s4;
	s8 =	ssub.s32 $0x2, s5;
	p0 =	por !p0, !p0  }
0xa: {  	s10 =	sshll.u32 s5, $0xD;
	s6 =	sshll.u32 s6, $0x4;
	s7 =	simm.s32 @!p0 $0x0  }
0xb: {  	s30 =	sshrl.u32 s8, $0x1;
	s6 =	sadd.s32 s6, s4;
	s7 =	ssub.s32 s0, s7  }
0xc: {  	s8 =	ssub.s32 s8, s30;
	s4 =	simm.s32 $0x1;
	s7 =	sshll.u32 s7, $0xE  }
0xd: {  	s5 =	sadd.s32 $0xCAC00, s6;
	s6 =	smax.u32 s8, $0x1;
	s7 =	sor.u32 s10, s7  }
0xe: {  	s31 =	sadd.s32 $0xC40000, s7;
	s10 =	sadd.s32 $0x40000, s7;
	s7 =	sshrl.u32 s7, $0x3  }
0xf: {  	s8 =	sshrl.u32 s31, $0x3;
	s10 =	sshrl.u32 s10, $0x3;
	s7 =	sadd.s32 s9, s7  }
0x10: {  	s8 =	sadd.s32 s9, s8;
	s9 =	sadd.s32 s10, s9;
	s10 =	simm.s32 $0x80  }
.LBB2_1:
0x11: {  	[tilespmem:s2], [sflag:$0x5] =	stream.strided.gather [hbm4b:s5+s10], $0x1900, s11, s10, $0x38;
	[tilespmem:$0x5900] =	vst v63  }
0x12: {  	_ =	swait.ge [sflag:s12], $0x1900  }
0x13: {  	[sflag:s12] =	ssyncset.done $0x0  }
0x14: {  	[sflag:s12] =	ssyncadd.s32 $0xFFFFE700  }
0x15: {  	[tilespmem:s13], [sflag:$0x1] =	stream.indirect.gather [hbm4b:s3+s10], $0x40, s2, s10, $0xb8;
	[tilespmem:$0x5900] =	vst v63  }
0x16: {  	_ = 	snop  }
0x17: {  	[tilespmem:s14], [sflag:$0x2] =	stream.indirect.gather [hbm4b:s3+s10], $0x40, s10, s10, $0xb8;
	[tilespmem:$0x5900] =	vst v63  }
0x18: {  	s19 =	sand.u32 $0x1, s16;
	_ =	swait.ge [sflag:s4], $0x2000  }
0x19: {  	p0 =	seq.s32 s19, $0x1;
	[sflag:s4] =	ssyncset.done $0x0  }
0x1a: {  	s19 =	simm.s32 @p0 $0x4;
	[sflag:s4] =	ssyncadd.s32 $0xFFFFE000  }
0x1b: {  	[hbm4b:s7+s2] =	stream.linear.scatter [tilespmem:s13], [sflag:$0x3], $0x2000, $0x38;
	[tilespmem:$0x5900] =	vst v63  }
0x1c: {  	s22 =	simm.s32 $0x100;
	_ =	swait.ge @p0 [sflag:s19], $0x2000  }
0x1d: {  	s20 =	simm.s32 @p0 $0x1;
	[sflag:s19] =	ssyncset.done @p0 $0x0;
	p0 =	por p0, p0  }
0x1e: {  	[sflag:s19] =	ssyncadd.s32 @p0 $0xFFFFE000;
	s19 =	simm.s32 @p0 $0x80;
	s21 =	simm.s32 @p0 $0x3900  }
0x1f: {  	[tilespmem:s21], [sflag:$0x2] =	stream.indirect.gather @p0 [hbm4b:s3+s19], $0x40, s22, s19, $0xb8;
	[tilespmem:$0x5900] =	vst v63  }
0x20: {  	s24 =	simm.s32 $0x3;
	_ =	swait.ge @p0 [sflag:s20], $0x2000  }
0x21: {  	s31 =	sand.u32 $0x1, s24;
	s25 =	simm.s32 @!p0 $0x3;
	[sflag:s20] =	ssyncset.done @p0 $0x0  }
0x22: {  	s19 =	simm.s32 @p0 $0x0;
	[sflag:s20] =	ssyncadd.s32 @p0 $0xFFFFE000;
	s20 =	simm.s32 @p0 $0x1900  }
0x23: {  	[hbm4b:s9+s19] =	stream.linear.scatter @p0 [tilespmem:s20], [sflag:$0x3], $0x2000, $0x38;
	[tilespmem:$0x5900] =	vst v63  }
0x24: {  	p2 =	seq.s32 s31, $0x1;
	s23 =	simm.s32 @!p0 $0x2;
	_ =	swait.ge @!p0 [sflag:s25], $0x2000  }
0x25: {  	s26 =	simm.s32 @!p0 $0x1900;
	s24 =	simm.s32 @!p0 $0x3900;
	[sflag:s25] =	ssyncset.done @!p0 $0x0  }
0x26: {  	s21 =	simm.s32 $0x4;
	[sflag:s25] =	ssyncadd.s32 @!p0 $0xFFFFE000;
	s25 =	simm.s32 @!p0 $0x80  }
0x27: {  	[tilespmem:s26], [sflag:$0x1] =	stream.indirect.gather @!p0 [hbm4b:s3+s25], $0x40, s22, s25, $0xb8;
	[tilespmem:$0x5900] =	vst v63  }
0x28: {  	s19 =	sadd.s32 $0x8000, s9;
	s20 =	simm.s32 $0x180;
	_ =	swait.ge @!p0 [sflag:s23], $0x2000  }
0x29: {  	s25 =	simm.s32 @!p0 $0x0;
	s22 =	smov.u32 s9;
	[sflag:s23] =	ssyncset.done @!p0 $0x0  }
.LBB2_2:
0x2a: {  	s26 =	simm.s32 @p2 $0x4;
	[sflag:s23] =	ssyncadd.s32 @!p0 $0xFFFFE000  }
0x2b: {  	s28 =	smov.u32 s21;
	s21 =	sadd.s32 $0x1, s21;
	s29 =	smov.u32 s20  }
0x2c: {  	[hbm4b:s22+s25] =	stream.linear.scatter @!p0 [tilespmem:s24], [sflag:$0x4], $0x2000, $0x38;
	[tilespmem:$0x5900] =	vst v63  }
0x2d: {  	p1 =	sne.s32 s21, $0x32;
	s22 =	smov.u32 s19;
	_ =	swait.ge @p2 [sflag:s26], $0x2000  }
0x2e: {  	s23 =	simm.s32 @p2 $0x1;
	p0 =	por p2, p2;
	[sflag:s26] =	ssyncset.done @p2 $0x0  }
0x2f: {  	s24 =	simm.s32 @p0 $0x80;
	s25 =	simm.s32 @p0 $0x3900;
	[sflag:s26] =	ssyncadd.s32 @p0 $0xFFFFE000  }
0x30: {  	[tilespmem:s25], [sflag:$0x2] =	stream.indirect.gather @p0 [hbm4b:s3+s24], $0x40, s20, s24, $0xb8;
	[tilespmem:$0x5900] =	vst v63  }
0x31: {  	_ =	swait.ge @p0 [sflag:s23], $0x2000  }
0x32: {  	s24 =	simm.s32 @!p0 $0x3;
	[sflag:s23] =	ssyncset.done @p0 $0x0  }
0x33: {  	s25 =	simm.s32 @p0 $0x1900;
	[sflag:s23] =	ssyncadd.s32 @p0 $0xFFFFE000;
	s23 =	simm.s32 @p0 $0x0  }
0x34: {  	[hbm4b:s19+s23] =	stream.linear.scatter @p0 [tilespmem:s25], [sflag:$0x3], $0x2000, $0x38;
	[tilespmem:$0x5900] =	vst v63  }
0x35: {  	s20 =	sadd.s32 $0x80, s20;
	s19 =	sadd.s32 $0x8000, s19;
	_ =	swait.ge @!p0 [sflag:s24], $0x2000  }
.Ltmp0:
0x36: {  	s23 =	simm.s32 @!p0 $0x2;
	[sflag:s24] =	ssyncset.done @!p0 $0x0;
	(pc) =	sbr.rel @p1 .LBB2_2-.Ltmp0, $4  }
0x37: {  	s25 =	simm.s32 @!p0 $0x1900;
	[sflag:s24] =	ssyncadd.s32 @!p0 $0xFFFFE000;
	s24 =	simm.s32 @!p0 $0x80  }
0x38: {  	[tilespmem:s25], [sflag:$0x1] =	stream.indirect.gather @!p0 [hbm4b:s3+s24], $0x40, s29, s24, $0xb8;
	[tilespmem:$0x5900] =	vst v63  }
0x39: {  	s25 =	sand.u32 $0x1, s28;
	s24 =	simm.s32 @!p0 $0x3900;
	_ =	swait.ge @!p0 [sflag:s23], $0x2000  }
0x3a: {  	p2 =	seq.s32 s25, $0x1;
	s25 =	simm.s32 @!p0 $0x0;
	[sflag:s23] =	ssyncset.done @!p0 $0x0  }
0x3b: {  	s21 =	simm.s32 @p2 $0x4;
	[sflag:s23] =	ssyncadd.s32 @!p0 $0xFFFFE000  }
0x3c: {  	[hbm4b:s22+s25] =	stream.linear.scatter @!p0 [tilespmem:s24], [sflag:$0x4], $0x2000, $0x38;
	[tilespmem:$0x5900] =	vst v63  }
0x3d: {  	_ =	swait.ge @p2 [sflag:s21], $0x2000  }
0x3e: {  	s22 =	simm.s32 @p2 $0x1;
	p0 =	por p2, p2;
	[sflag:s21] =	ssyncset.done @p2 $0x0  }
0x3f: {  	s23 =	simm.s32 @p0 $0x3900;
	[sflag:s21] =	ssyncadd.s32 @p0 $0xFFFFE000;
	s21 =	simm.s32 @p0 $0x80  }
0x40: {  	[tilespmem:s23], [sflag:$0x2] =	stream.indirect.gather @p0 [hbm4b:s3+s21], $0x40, s20, s21, $0xb8;
	[tilespmem:$0x5900] =	vst v63  }
0x41: {  	_ =	swait.ge @p0 [sflag:s22], $0x2000  }
0x42: {  	s21 =	simm.s32 @!p0 $0x3;
	[sflag:s22] =	ssyncset.done @p0 $0x0  }
0x43: {  	s23 =	simm.s32 @p0 $0x1900;
	[sflag:s22] =	ssyncadd.s32 @p0 $0xFFFFE000;
	s22 =	simm.s32 @p0 $0x0  }
0x44: {  	[hbm4b:s19+s22] =	stream.linear.scatter @p0 [tilespmem:s23], [sflag:$0x3], $0x2000, $0x38;
	[tilespmem:$0x5900] =	vst v63  }
0x45: {  	_ =	swait.ge @!p0 [sflag:s21], $0x2000  }
0x46: {  	s22 =	simm.s32 @!p0 $0x2;
	[sflag:s21] =	ssyncset.done @!p0 $0x0  }
0x47: {  	s23 =	simm.s32 @!p0 $0x1900;
	[sflag:s21] =	ssyncadd.s32 @!p0 $0xFFFFE000;
	s21 =	simm.s32 @!p0 $0x80  }
0x48: {  	[tilespmem:s23], [sflag:$0x1] =	stream.indirect.gather @!p0 [hbm4b:s3+s21], $0x40, s20, s21, $0xb8;
	[tilespmem:$0x5900] =	vst v63  }
0x49: {  	_ =	swait.ge @!p0 [sflag:s22], $0x2000  }
0x4a: {  	[sflag:s22] =	ssyncset.done @!p0 $0x0  }
0x4b: {  	s20 =	simm.s32 @!p0 $0x3900;
	s21 =	simm.s32 @!p0 $0x0;
	[sflag:s22] =	ssyncadd.s32 @!p0 $0xFFFFE000  }
0x4c: {  	[hbm4b:s19+s21] =	stream.linear.scatter @!p0 [tilespmem:s20], [sflag:$0x4], $0x2000, $0x38;
	[tilespmem:$0x5900] =	vst v63  }
0x4d: {  	_ =	swait.ge [sflag:s15], $0x2000  }
0x4e: {  	[sflag:s15] =	ssyncset.done $0x0  }
0x4f: {  	[sflag:s15] =	ssyncadd.s32 $0xFFFFE000  }
0x50: {  	s18 =	sadd.s32 $0x1, s18;
	_ =	swait.ge [sflag:s16], $0x2000  }
0x51: {  	p0 =	sne.s32 s18, s6;
	[sflag:s16] =	ssyncset.done $0x0  }
.Ltmp1:
0x52: {  	[sflag:s16] =	ssyncadd.s32 $0xFFFFE000;
	(pc) =	sbr.rel @p0 .LBB2_1-.Ltmp1, $4  }
0x53: {  	[hbm4b:s8+s2] =	stream.linear.scatter [tilespmem:s14], [sflag:$0x4], $0x2000, $0x38;
	[tilespmem:$0x5900] =	vst v63  }
0x54: {  	_ =	swait.ge [sflag:s17], $0x2000  }
0x55: {  	[sflag:s17] =	ssyncset.done $0x0  }
0x56: {  	[sflag:s17] =	ssyncadd.s32 $0xFFFFE000  }
0x57: {  	_ =	sfence.sel $0x180000  }
0x58: {  	[bflag:$0x0] =	sbarrier.arrive $0xFFFF  }
0x59: {  	p0 =	sne.s32 s0, $0x0;
	_ =	strace $0x9000004A  }
0x5a: {  	s0 =	sadd.s32 @!p0 $0x100000, s1;
	[bflag:$0x2] =	sbarrier.arrive $0xFFFF  }
0x5b: {  	[sflag:s0] =	ssyncadd.tile.s32 @!p0 $0x1;
	_ =	shalt  }
.Lfunc_end2:
_tile_overlayer_lowered:
.L_overlay_start_2:
0x5c: {  	(tag) =	ssettag $0x2  }
0x5d: {  	s0 =	rddreg [dreg:$0x0];
	s2 =	stileid.u32  }
0x5e: {  	s1 =	rddreg [dreg:$0x1];
	p0 =	sne.s32 s2, $0x0  }
0x5f: {  	s3 =	rddreg [dreg:$0x2];
	[bflag:$0x3] =	sbarrier.arrive $0xFFFF;
	s2 =	simm.s32 @!p0 $0x1C05  }
0x60: {  	[timem:s3], [sflag:s2] =	dma.local @!p0 [hbm:s0], s1  }
0x61: {  	s0 =	simm.s32 @!p0 $0x5  }
0x62: {  	_ =	swait.ge @!p0 [sflag:s0], s1  }
0x63: {  	s1 =	ssub.s32 @!p0 $0x0, s1;
	[sflag:s0] =	ssyncset.done @!p0 $0x0  }
0x64: {  	[sflag:s0] =	ssyncadd.s32 @!p0 s1  }
0x65: {  	[bflag:$0x3] =	sbarrier.arrive $0xFFFF  }
0x66: {  	_ =	shalt  }

// kernel: _embed.16.cloned.1.call-start
scs
__scs_entry_jumppad:
0x0: {  	(pc) =	sbr.rel $0x88, $3  }
0x1: {  	(tag) =	ssettag $0x0;
	lr =	simm.s32 $0x1  }
0x2: {  	[smem:$0x3F9F] =	sst lr;
	_ =	strace $0xD0000000  }
0x3: {  	_ = 	snop  }
0x4: {  	_ = 	snop  }
0x5: {  	_ = 	snop  }
0x6: {  	_ = 	snop  }
0x7: {  	_ = 	snop  }
__scs_overlays_trampoline_lowered:
0x8: {  	[smem:$0x3FAE] =	sst s0  }
0x9: {  	[smem:$0x3FAF] =	sst s1  }
0xa: {  	[smem:$0x3FB0] =	sst s2  }
0xb: {  	[smem:$0x3FB1] =	sst s3  }
0xc: {  	[smem:$0x3FB2] =	sst s4  }
0xd: {  	[smem:$0x3FB3] =	sst s5  }
0xe: {  	[smem:$0x3FB4] =	sst s6  }
0xf: {  	[smem:$0x3FB5] =	sst s7  }
0x10: {  	[smem:$0x3FB6] =	sst s8  }
0x11: {  	[smem:$0x3FB7] =	sst s9;
	s0 =	simm.s32 @!p0 $0x0  }
0x12: {  	s1 =	sld [smem:$0x3F9D];
	s0 =	simm.s32 @p0 $0x1  }
0x13: {  	[smem:$0x3FB8] =	sst s0;
	s0 =	simm.s32 @!p1 $0x0  }
0x14: {  	s2 =	sld [smem:$0x3F9C];
	s0 =	simm.s32 @p1 $0x1  }
0x15: {  	[smem:$0x3FB9] =	sst s0;
	s0 =	simm.s32 @!p2 $0x0  }
0x16: {  	s3 =	sld [smem:$0x3FDB];
	s0 =	simm.s32 @p2 $0x1  }
0x17: {  	s4 =	simm.s32 $0x1BF5;
	[smem:$0x3FBB] =	sst s0  }
0x18: {  	s0 =	sld [smem:$0x3F9E];
	_ =	swait.ge [sflag:s4], $0x0  }
0x19: {  	s7 =	sld [smem:$0x3F9F]  }
0x1a: {  	s8 =	sadd.s32 $0xFFFFE003, lr  }
0x1b: {  	s9 =	sadd.s32 $0xFFFFFEF7, lr;
	s5 =	simm.s32 $0xFFFFFFFF;
	p2 =	slt.u32 s8, $0xFFFFF086  }
0x1c: {  	p1 =	slt.u32 s9, $0xF7A;
	s5 =	simm.s32 @!p2 $0x0  }
0x1d: {  	s5 =	simm.s32 @p1 $0x1;
	p0 =	seq.s32 s7, s2  }
0x1e: {  	s7 =	smul.u32 @!p0 $0xF7A, s2;
	p2 =	seq.s32 @!p0 s5, $0x0  }
0x1f: {  	s9 =	smul.u32 $0xF7A, s1;
	s8 =	simm.s32 @!p0 $0x1BF5;
	p2 =	por !p2, p0  }
0x20: {  	[sflag:s8] =	ssyncset.s32 @!p0 $0xFFFFF086;
	s6 =	sadd.s32 @!p0 s3, s7;
	s7 =	simm.s32 @!p0 $0x108  }
0x21: {  	s3 =	sadd.s32 s3, s9;
	s6 =	sadd.s32 @!p0 $0x88, s6;
	s7 =	simm.s32 @p2 $0x1082  }
0x22: {  	[simem:s7], [sflag:s8] =	dma.local @!p0 [hbm:s6], $0xF7A  }
0x23: {  	s9 =	sor.u32 $0xD0000000, s2;
	s6 =	simm.s32 $0x108;
	_ =	swait.ge @!p0 [sflag:s8], $0x0  }
0x24: {  	s3 =	sadd.s32 $0x88, s3;
	s6 =	simm.s32 @!p1 $0x1082;
	[sflag:s4] =	ssyncset.s32 $0xFFFFF086  }
0x25: {  	[simem:s6], [sflag:s4] =	dma.local [hbm:s3], $0xF7A  }
0x26: {  	[smem:$0x3F9F] =	sst s1;
	(tag) =	ssettag s2;
	_ =	strace s9  }
0x27: {  	s1 =	sld [smem:$0x3FAF]  }
0x28: {  	s2 =	sld [smem:$0x3FB0]  }
0x29: {  	s4 =	sld [smem:$0x3FB2]  }
0x2a: {  	p0 =	seq.s32 s5, $0x0;
	s5 =	sld [smem:$0x3FB3]  }
0x2b: {  	s6 =	sld [smem:$0x3FB4]  }
0x2c: {  	s7 =	sld [smem:$0x3FB5]  }
0x2d: {  	s3 =	simm.s32 $0x108;
	s8 =	sld [smem:$0x3FB6]  }
0x2e: {  	s3 =	simm.s32 @!p0 $0x1082;
	s9 =	sld [smem:$0x3FB7]  }
0x2f: {  	lr =	sadd.s32 s0, s3;
	s0 =	sld [smem:$0x3FAE]  }
0x30: {  	s3 =	sld [smem:$0x3FB1]  }
0x31: {  	[smem:$0x3FBA] =	sst s10  }
0x32: {  	s10 =	sld [smem:$0x3FB8];
	_ =	sdelay $0x3  }
0x33: {  	p0 =	seq.s32 s10, $0x1;
	s10 =	sld [smem:$0x3FBA];
	_ =	sdelay $0x3  }
0x34: {  	[smem:$0x3FBA] =	sst s10  }
0x35: {  	s10 =	sld [smem:$0x3FB9];
	_ =	sdelay $0x3  }
0x36: {  	p1 =	seq.s32 s10, $0x1;
	s10 =	sld [smem:$0x3FBA];
	_ =	sdelay $0x3  }
0x37: {  	[smem:$0x3FBA] =	sst s10  }
0x38: {  	s10 =	sld [smem:$0x3FBB]  }
0x39: {  	_ = 	snop;
	(pc) =	sbr.ind lr, $3  }
0x3a: {  	_ = 	snop  }
0x3b: {  	_ = 	snop  }
0x3c: {  	p2 =	seq.s32 s10, $0x1;
	s10 =	sld [smem:$0x3FBA]  }
0x3d: {  	_ =	shalt  }
0x3e: {  	_ =	shalt  }
0x3f: {  	_ =	shalt  }
0x40: {  	_ =	shalt  }
0x41: {  	_ =	shalt  }
0x42: {  	_ =	shalt  }
0x43: {  	_ =	shalt  }
0x44: {  	_ =	shalt  }
0x45: {  	_ =	shalt  }
0x46: {  	_ =	shalt  }
0x47: {  	_ =	shalt  }
0x48: {  	_ =	shalt  }
0x49: {  	_ =	shalt  }
0x4a: {  	_ =	shalt  }
0x4b: {  	_ =	shalt  }
0x4c: {  	_ =	shalt  }
0x4d: {  	_ =	shalt  }
0x4e: {  	_ =	shalt  }
0x4f: {  	_ =	shalt  }
0x50: {  	_ =	shalt  }
0x51: {  	_ =	shalt  }
0x52: {  	_ =	shalt  }
0x53: {  	_ =	shalt  }
0x54: {  	_ =	shalt  }
0x55: {  	_ =	shalt  }
0x56: {  	_ =	shalt  }
0x57: {  	_ =	shalt  }
0x58: {  	_ =	shalt  }
0x59: {  	_ =	shalt  }
0x5a: {  	_ =	shalt  }
0x5b: {  	_ =	shalt  }
0x5c: {  	_ =	shalt  }
0x5d: {  	_ =	shalt  }
0x5e: {  	_ =	shalt  }
0x5f: {  	_ =	shalt  }
0x60: {  	_ =	shalt  }
0x61: {  	_ =	shalt  }
0x62: {  	_ =	shalt  }
0x63: {  	_ =	shalt  }
0x64: {  	_ =	shalt  }
0x65: {  	_ =	shalt  }
0x66: {  	_ =	shalt  }
0x67: {  	_ =	shalt  }
0x68: {  	_ =	shalt  }
0x69: {  	_ =	shalt  }
0x6a: {  	_ =	shalt  }
0x6b: {  	_ =	shalt  }
0x6c: {  	_ =	shalt  }
0x6d: {  	_ =	shalt  }
0x6e: {  	_ =	shalt  }
0x6f: {  	_ =	shalt  }
0x70: {  	_ =	shalt  }
0x71: {  	_ =	shalt  }
0x72: {  	_ =	shalt  }
0x73: {  	_ =	shalt  }
0x74: {  	_ =	shalt  }
0x75: {  	_ =	shalt  }
0x76: {  	_ =	shalt  }
0x77: {  	_ =	shalt  }
0x78: {  	_ =	shalt  }
0x79: {  	_ =	shalt  }
0x7a: {  	_ =	shalt  }
0x7b: {  	_ =	shalt  }
0x7c: {  	_ =	shalt  }
0x7d: {  	_ =	shalt  }
0x7e: {  	_ =	shalt  }
0x7f: {  	_ =	shalt  }
0x80: {  	_ =	shalt  }
0x81: {  	_ =	shalt  }
0x82: {  	_ =	shalt  }
0x83: {  	_ =	shalt  }
0x84: {  	_ =	shalt  }
0x85: {  	_ =	shalt  }
0x86: {  	_ =	shalt  }
0x87: {  	_ =	shalt  }
.Lfunc_end0:
.L_simem_size_0:
called_computation.2_lowered:
.L_overlay_start_0:
0x88: {  	s2 =	sld [smem:$0x3FD9]  }
0x89: {  	s3 =	sld [smem:$0x3FFE];
	_ =	sdelay $0x1  }
0x8a: {  	s1 =	srdreg.scid  }
0x8b: {  	s0 =	sand.u32 $0x1, s1  }
0x8c: {  	s17 =	sshll.u32 s0, $0xA;
	s2 =	sadd.s32 s3, s2  }
0x8d: {  	s2 =	sadd.s32 s2, s17  }
0x8e: {  	[smem:$0x3FC6] =	sst s2  }
0x8f: {  	_ = 	snop  }
0x90: {  	(tm) =	ssettm $0x1  }
0x91: {  	s18 =	sld [smem:$0x3FFB];
	_ =	sdelay $0x3  }
0x92: {  	_ =	strace s18  }
0x93: {  	s2 =	sld [smem:$0x3FFC];
	_ =	sdelay $0x3  }
0x94: {  	_ =	strace s2  }
0x95: {  	s2 =	sld [smem:$0x3FFD];
	_ =	sdelay $0x3  }
0x96: {  	_ =	strace s2  }
0x97: {  	_ =	strace $0x8FFFFFFF  }
0x98: {  	s19 =	sld [smem:$0x3FDB];
	_ =	sdelay $0x1  }
0x99: {  	s20 =	simm.s32 $_scs_section_size  }
0x9a: {  	s4 =	simm.s32 $_size__tile_overlayer_lowered;
	s5 =	simm.s32 $_tile_overlayer_lowered  }
0x9b: {  	s6 =	simm.s32 $0x1BFF;
	s21 =	sshll.u32 s5, $0x1;
	s3 =	sadd.s32 s20, s19  }
0x9c: {  	s22 =	simm.s32 $0x0;
	s4 =	sshll.u32 s4, $0x1;
	s5 =	sadd.s32 s21, s3  }
0x9d: {  	[timem:s22], [sflag:s6] =	dma.local [hbm:s5], s4  }
0x9e: {  	_ =	swait.ge [sflag:s6], s4  }
0x9f: {  	s4 =	ssub.s32 $0x0, s4;
	[sflag:s6] =	ssyncset.done $0x0  }
0xa0: {  	[sflag:s6] =	ssyncadd.s32 s4;
	_ =	sdelay $0x1  }
0xa1: {  	s23 =	simm.s32 $0x1B8B  }
0xa2: {  	_ =	swait.ge [sflag:s23], $0x1  }
0xa3: {  	[sflag:s23] =	ssyncset.done $0x0  }
0xa4: {  	[sflag:s23] =	ssyncadd.s32 $0xFFFFFFFF  }
0xa5: {  	s4 =	sld [smem:$0x0]  }
0xa6: {  	s5 =	sand.u32 $0xFFFFFFFE, s1  }
0xa7: {  	p0 =	sne.s32 s1, s5  }
0xa8: {  	s5 =	sshll.u32 @p0 s5, $0xE  }
0xa9: {  	s5 =	sadd.s32 @p0 $0x11B8D, s5;
	s6 =	sshll.u32 @p0 s4, $0x11  }
0xaa: {  	s5 =	sor.u32 @p0 s6, s5  }
0xab: {  	[sflag:s5] =	ssyncadd.remote.s32 @p0 $0x1;
	_ =	sdelay $0x1  }
0xac: {  	s5 =	simm.s32 @p0 $0x1B8D  }
0xad: {  	_ =	swait.eq @p0 [sflag:s5], $0x1  }
0xae: {  	[sflag:s5] =	ssyncadd.s32 @p0 $0xFFFFFFFF  }
0xaf: {  	s6 =	sshll.u32 @!p0 s1, $0xE  }
0xb0: {  	s6 =	sor.u32 @!p0 $0x4000, s6;
	s5 =	simm.s32 @!p0 $0x1B8D  }
0xb1: {  	s4 =	sshll.u32 @!p0 s4, $0x11;
	s6 =	sadd.s32 @!p0 $0x11B8D, s6;
	_ =	swait.eq @!p0 [sflag:s5], $0x1  }
0xb2: {  	s4 =	sor.u32 @!p0 s4, s6;
	[sflag:s5] =	ssyncadd.s32 @!p0 $0xFFFFFFFF  }
0xb3: {  	s25 =	simm.s32 $0x1B8E;
	s24 =	sld [smem:$0x3FFE];
	[sflag:s4] =	ssyncadd.remote.s32 @!p0 $0x1  }
0xb4: {  	s26 =	simm.s32 $execute0_lowered;
	[smem:$0x3FD2] =	sst s25  }
0xb5: {  	s5 =	sshll.u32 s26, $0x1;
	_ =	strace $0x8000004C;
	[dreg:$0x1] =	wrdreg $0xFFFFFFFF  }
0xb6: {  	s28 =	simm.s32 $_size_execute0_lowered;
	s3 =	sadd.s32 s3, s5;
	[dreg:$0x0] =	wrdreg $0x0  }
0xb7: {  	s5 =	sshll.u32 s28, $0x1;
	[dreg:$0x2] =	wrdreg s3  }
0xb8: {  	[dreg:$0x3] =	wrdreg s5  }
0xb9: {  	[dreg:$0x4] =	wrdreg $0xC0  }
0xba: {  	_ =	task [dreg:s22], $0x5FFFF  }
0xbb: {  	[dreg:$0x1] =	wrdreg $0xFFFFFFFF  }
0xbc: {  	[dreg:$0x0] =	wrdreg $0x60  }
0xbd: {  	[dreg:$0x2] =	wrdreg s24  }
0xbe: {  	[dreg:$0x3] =	wrdreg $0xB  }
0xbf: {  	_ =	task.clear_ibuf [dreg:s22], $0x4FFFF;
	_ =	strace $0x9000004C  }
0xc0: {  	s29 =	simm.s32 $0xB;
	_ =	strace $0x8000004E  }
0xc1: {  	_ =	swait.ge [sflag:s29], $0x1  }
0xc2: {  	[sflag:s29] =	ssyncadd.s32 $0xFFFFFFFF  }
0xc3: {  	_ =	strace $0x9000004E  }
0xc4: {  	_ =	sfence  }
0xc5: {  	s30 =	sld [smem:$0x0];
	_ =	sdelay $0x2  }
0xc6: {  	s31 =	sshll.u32 s1, $0xD;
	s1 =	sshrl.u32 s1, $0x2  }
0xc7: {  	s4 =	sand.u32 $0x4000, s31;
	s1 =	sadd.s32 s1, s30  }
0xc8: {  	s0 =	sor.u32 s4, s0;
	s1 =	sshll.u32 s1, $0x11  }
0xc9: {  	s0 =	sor.u32 s1, s0  }
0xca: {  	s0 =	sadd.s32 $0x8F2B, s0  }
0xcb: {  	[sflag:s0] =	ssyncadd.remote.s32 $0x1  }
0xcc: {  	_ =	sfence.sel $0xFFFF  }
0xcd: {  	[dreg:$0x0] =	wrdreg $0xFFFFFFFF;
	(pc) =	sbr.abs _section_cstart, $3  }
0xce: {  	[dreg:$0x1] =	wrdreg $0xFFFFFFFF  }
0xcf: {  	_ =	task.clear_ibuf [dreg:s22], $0x2FFFF;
	_ =	strace $0x9FFFFFFF  }
0xd0: {  	(tm) =	ssettm $0x7FFFFFFF  }
0xd1: {  	_ =	shalt  }
tec
execute0_lowered:
.L_overlay_start_1:
0x0: {  	(tag) =	ssettag $0x1  }
0x1: {  	s1 =	srdreg.scid;
	s0 =	stileid.u32  }
0x2: {  	s4 =	rddreg [dreg:$0x0];
	s2 =	simm.s32 $0x0;
	s7 =	simm.s32 $0x1  }
0x3: {  	s11 =	simm.s32 $0x1000;
	s12 =	simm.s32 $0x5;
	s13 =	simm.s32 $0x1900  }
0x4: {  	s14 =	simm.s32 $0x3900;
	s15 =	simm.s32 $0x3;
	s16 =	simm.s32 $0x2  }
0x5: {  	s17 =	simm.s32 $0x4;
	s5 =	sand.u32 $0x1, s1;
	s3 =	sshll.u32 s0, $0x1  }
0x6: {  	s18 =	simm.s32 $0x0;
	s1 =	rddreg [dreg:$0x1];
	s6 =	sor.u32 s5, s3  }
0x7: {  	[smem:$0x7FF] =	sst s2;
	p1 =	seq.s32 s5, $0x1;
	p0 =	seq.s32 s6, $0x0  }
0x8: {  	s9 =	sadd.s32 $0x3FD800, s4;
	_ =	strace $0x8000004D;
	p0 =	por !p0, !p1  }
0x9: {  	s3 =	sadd.s32 $0x1200, s4;
	s8 =	ssub.s32 $0x2, s5;
	p0 =	por !p0, !p0  }
0xa: {  	s10 =	sshll.u32 s5, $0xD;
	s6 =	sshll.u32 s6, $0x4;
	s7 =	simm.s32 @!p0 $0x0  }
0xb: {  	s30 =	sshrl.u32 s8, $0x1;
	s6 =	sadd.s32 s6, s4;
	s7 =	ssub.s32 s0, s7  }
0xc: {  	s8 =	ssub.s32 s8, s30;
	s4 =	simm.s32 $0x1;
	s7 =	sshll.u32 s7, $0xE  }
0xd: {  	s5 =	sadd.s32 $0xD1000, s6;
	s6 =	smax.u32 s8, $0x1;
	s7 =	sor.u32 s10, s7  }
0xe: {  	s31 =	sadd.s32 $0xC40000, s7;
	s10 =	sadd.s32 $0x40000, s7;
	s7 =	sshrl.u32 s7, $0x3  }
0xf: {  	s8 =	sshrl.u32 s31, $0x3;
	s10 =	sshrl.u32 s10, $0x3;
	s7 =	sadd.s32 s9, s7  }
0x10: {  	s8 =	sadd.s32 s9, s8;
	s9 =	sadd.s32 s10, s9;
	s10 =	simm.s32 $0x80  }
.LBB2_1:
0x11: {  	[tilespmem:s2], [sflag:$0x5] =	stream.strided.gather [hbm4b:s5+s10], $0x1900, s11, s10, $0x38;
	[tilespmem:$0x5900] =	vst v63  }
0x12: {  	_ =	swait.ge [sflag:s12], $0x1900  }
0x13: {  	[sflag:s12] =	ssyncset.done $0x0  }
0x14: {  	[sflag:s12] =	ssyncadd.s32 $0xFFFFE700  }
0x15: {  	[tilespmem:s13], [sflag:$0x1] =	stream.indirect.gather [hbm4b:s3+s10], $0x40, s2, s10, $0xb8;
	[tilespmem:$0x5900] =	vst v63  }
0x16: {  	_ = 	snop  }
0x17: {  	[tilespmem:s14], [sflag:$0x2] =	stream.indirect.gather [hbm4b:s3+s10], $0x40, s10, s10, $0xb8;
	[tilespmem:$0x5900] =	vst v63  }
0x18: {  	s19 =	sand.u32 $0x1, s16;
	_ =	swait.ge [sflag:s4], $0x2000  }
0x19: {  	p0 =	seq.s32 s19, $0x1;
	[sflag:s4] =	ssyncset.done $0x0  }
0x1a: {  	s19 =	simm.s32 @p0 $0x4;
	[sflag:s4] =	ssyncadd.s32 $0xFFFFE000  }
0x1b: {  	[hbm4b:s7+s2] =	stream.linear.scatter [tilespmem:s13], [sflag:$0x3], $0x2000, $0x38;
	[tilespmem:$0x5900] =	vst v63  }
0x1c: {  	s22 =	simm.s32 $0x100;
	_ =	swait.ge @p0 [sflag:s19], $0x2000  }
0x1d: {  	s20 =	simm.s32 @p0 $0x1;
	[sflag:s19] =	ssyncset.done @p0 $0x0;
	p0 =	por p0, p0  }
0x1e: {  	[sflag:s19] =	ssyncadd.s32 @p0 $0xFFFFE000;
	s19 =	simm.s32 @p0 $0x80;
	s21 =	simm.s32 @p0 $0x3900  }
0x1f: {  	[tilespmem:s21], [sflag:$0x2] =	stream.indirect.gather @p0 [hbm4b:s3+s19], $0x40, s22, s19, $0xb8;
	[tilespmem:$0x5900] =	vst v63  }
0x20: {  	s24 =	simm.s32 $0x3;
	_ =	swait.ge @p0 [sflag:s20], $0x2000  }
0x21: {  	s31 =	sand.u32 $0x1, s24;
	s25 =	simm.s32 @!p0 $0x3;
	[sflag:s20] =	ssyncset.done @p0 $0x0  }
0x22: {  	s19 =	simm.s32 @p0 $0x0;
	[sflag:s20] =	ssyncadd.s32 @p0 $0xFFFFE000;
	s20 =	simm.s32 @p0 $0x1900  }
0x23: {  	[hbm4b:s9+s19] =	stream.linear.scatter @p0 [tilespmem:s20], [sflag:$0x3], $0x2000, $0x38;
	[tilespmem:$0x5900] =	vst v63  }
0x24: {  	p2 =	seq.s32 s31, $0x1;
	s23 =	simm.s32 @!p0 $0x2;
	_ =	swait.ge @!p0 [sflag:s25], $0x2000  }
0x25: {  	s26 =	simm.s32 @!p0 $0x1900;
	s24 =	simm.s32 @!p0 $0x3900;
	[sflag:s25] =	ssyncset.done @!p0 $0x0  }
0x26: {  	s21 =	simm.s32 $0x4;
	[sflag:s25] =	ssyncadd.s32 @!p0 $0xFFFFE000;
	s25 =	simm.s32 @!p0 $0x80  }
0x27: {  	[tilespmem:s26], [sflag:$0x1] =	stream.indirect.gather @!p0 [hbm4b:s3+s25], $0x40, s22, s25, $0xb8;
	[tilespmem:$0x5900] =	vst v63  }
0x28: {  	s19 =	sadd.s32 $0x8000, s9;
	s20 =	simm.s32 $0x180;
	_ =	swait.ge @!p0 [sflag:s23], $0x2000  }
0x29: {  	s25 =	simm.s32 @!p0 $0x0;
	s22 =	smov.u32 s9;
	[sflag:s23] =	ssyncset.done @!p0 $0x0  }
.LBB2_2:
0x2a: {  	s26 =	simm.s32 @p2 $0x4;
	[sflag:s23] =	ssyncadd.s32 @!p0 $0xFFFFE000  }
0x2b: {  	s28 =	smov.u32 s21;
	s21 =	sadd.s32 $0x1, s21;
	s29 =	smov.u32 s20  }
0x2c: {  	[hbm4b:s22+s25] =	stream.linear.scatter @!p0 [tilespmem:s24], [sflag:$0x4], $0x2000, $0x38;
	[tilespmem:$0x5900] =	vst v63  }
0x2d: {  	p1 =	sne.s32 s21, $0x32;
	s22 =	smov.u32 s19;
	_ =	swait.ge @p2 [sflag:s26], $0x2000  }
0x2e: {  	s23 =	simm.s32 @p2 $0x1;
	p0 =	por p2, p2;
	[sflag:s26] =	ssyncset.done @p2 $0x0  }
0x2f: {  	s24 =	simm.s32 @p0 $0x80;
	s25 =	simm.s32 @p0 $0x3900;
	[sflag:s26] =	ssyncadd.s32 @p0 $0xFFFFE000  }
0x30: {  	[tilespmem:s25], [sflag:$0x2] =	stream.indirect.gather @p0 [hbm4b:s3+s24], $0x40, s20, s24, $0xb8;
	[tilespmem:$0x5900] =	vst v63  }
0x31: {  	_ =	swait.ge @p0 [sflag:s23], $0x2000  }
0x32: {  	s24 =	simm.s32 @!p0 $0x3;
	[sflag:s23] =	ssyncset.done @p0 $0x0  }
0x33: {  	s25 =	simm.s32 @p0 $0x1900;
	[sflag:s23] =	ssyncadd.s32 @p0 $0xFFFFE000;
	s23 =	simm.s32 @p0 $0x0  }
0x34: {  	[hbm4b:s19+s23] =	stream.linear.scatter @p0 [tilespmem:s25], [sflag:$0x3], $0x2000, $0x38;
	[tilespmem:$0x5900] =	vst v63  }
0x35: {  	s20 =	sadd.s32 $0x80, s20;
	s19 =	sadd.s32 $0x8000, s19;
	_ =	swait.ge @!p0 [sflag:s24], $0x2000  }
.Ltmp0:
0x36: {  	s23 =	simm.s32 @!p0 $0x2;
	[sflag:s24] =	ssyncset.done @!p0 $0x0;
	(pc) =	sbr.rel @p1 .LBB2_2-.Ltmp0, $4  }
0x37: {  	s25 =	simm.s32 @!p0 $0x1900;
	[sflag:s24] =	ssyncadd.s32 @!p0 $0xFFFFE000;
	s24 =	simm.s32 @!p0 $0x80  }
0x38: {  	[tilespmem:s25], [sflag:$0x1] =	stream.indirect.gather @!p0 [hbm4b:s3+s24], $0x40, s29, s24, $0xb8;
	[tilespmem:$0x5900] =	vst v63  }
0x39: {  	s25 =	sand.u32 $0x1, s28;
	s24 =	simm.s32 @!p0 $0x3900;
	_ =	swait.ge @!p0 [sflag:s23], $0x2000  }
0x3a: {  	p2 =	seq.s32 s25, $0x1;
	s25 =	simm.s32 @!p0 $0x0;
	[sflag:s23] =	ssyncset.done @!p0 $0x0  }
0x3b: {  	s21 =	simm.s32 @p2 $0x4;
	[sflag:s23] =	ssyncadd.s32 @!p0 $0xFFFFE000  }
0x3c: {  	[hbm4b:s22+s25] =	stream.linear.scatter @!p0 [tilespmem:s24], [sflag:$0x4], $0x2000, $0x38;
	[tilespmem:$0x5900] =	vst v63  }
0x3d: {  	_ =	swait.ge @p2 [sflag:s21], $0x2000  }
0x3e: {  	s22 =	simm.s32 @p2 $0x1;
	p0 =	por p2, p2;
	[sflag:s21] =	ssyncset.done @p2 $0x0  }
0x3f: {  	s23 =	simm.s32 @p0 $0x3900;
	[sflag:s21] =	ssyncadd.s32 @p0 $0xFFFFE000;
	s21 =	simm.s32 @p0 $0x80  }
0x40: {  	[tilespmem:s23], [sflag:$0x2] =	stream.indirect.gather @p0 [hbm4b:s3+s21], $0x40, s20, s21, $0xb8;
	[tilespmem:$0x5900] =	vst v63  }
0x41: {  	_ =	swait.ge @p0 [sflag:s22], $0x2000  }
0x42: {  	s21 =	simm.s32 @!p0 $0x3;
	[sflag:s22] =	ssyncset.done @p0 $0x0  }
0x43: {  	s23 =	simm.s32 @p0 $0x1900;
	[sflag:s22] =	ssyncadd.s32 @p0 $0xFFFFE000;
	s22 =	simm.s32 @p0 $0x0  }
0x44: {  	[hbm4b:s19+s22] =	stream.linear.scatter @p0 [tilespmem:s23], [sflag:$0x3], $0x2000, $0x38;
	[tilespmem:$0x5900] =	vst v63  }
0x45: {  	_ =	swait.ge @!p0 [sflag:s21], $0x2000  }
0x46: {  	s22 =	simm.s32 @!p0 $0x2;
	[sflag:s21] =	ssyncset.done @!p0 $0x0  }
0x47: {  	s23 =	simm.s32 @!p0 $0x1900;
	[sflag:s21] =	ssyncadd.s32 @!p0 $0xFFFFE000;
	s21 =	simm.s32 @!p0 $0x80  }
0x48: {  	[tilespmem:s23], [sflag:$0x1] =	stream.indirect.gather @!p0 [hbm4b:s3+s21], $0x40, s20, s21, $0xb8;
	[tilespmem:$0x5900] =	vst v63  }
0x49: {  	_ =	swait.ge @!p0 [sflag:s22], $0x2000  }
0x4a: {  	[sflag:s22] =	ssyncset.done @!p0 $0x0  }
0x4b: {  	s20 =	simm.s32 @!p0 $0x3900;
	s21 =	simm.s32 @!p0 $0x0;
	[sflag:s22] =	ssyncadd.s32 @!p0 $0xFFFFE000  }
0x4c: {  	[hbm4b:s19+s21] =	stream.linear.scatter @!p0 [tilespmem:s20], [sflag:$0x4], $0x2000, $0x38;
	[tilespmem:$0x5900] =	vst v63  }
0x4d: {  	_ =	swait.ge [sflag:s15], $0x2000  }
0x4e: {  	[sflag:s15] =	ssyncset.done $0x0  }
0x4f: {  	[sflag:s15] =	ssyncadd.s32 $0xFFFFE000  }
0x50: {  	s18 =	sadd.s32 $0x1, s18;
	_ =	swait.ge [sflag:s16], $0x2000  }
0x51: {  	p0 =	sne.s32 s18, s6;
	[sflag:s16] =	ssyncset.done $0x0  }
.Ltmp1:
0x52: {  	[sflag:s16] =	ssyncadd.s32 $0xFFFFE000;
	(pc) =	sbr.rel @p0 .LBB2_1-.Ltmp1, $4  }
0x53: {  	[hbm4b:s8+s2] =	stream.linear.scatter [tilespmem:s14], [sflag:$0x4], $0x2000, $0x38;
	[tilespmem:$0x5900] =	vst v63  }
0x54: {  	_ =	swait.ge [sflag:s17], $0x2000  }
0x55: {  	[sflag:s17] =	ssyncset.done $0x0  }
0x56: {  	[sflag:s17] =	ssyncadd.s32 $0xFFFFE000  }
0x57: {  	_ =	sfence.sel $0x180000  }
0x58: {  	[bflag:$0x0] =	sbarrier.arrive $0xFFFF  }
0x59: {  	p0 =	sne.s32 s0, $0x0;
	_ =	strace $0x9000004D  }
0x5a: {  	s0 =	sadd.s32 @!p0 $0x100000, s1;
	[bflag:$0x2] =	sbarrier.arrive $0xFFFF  }
0x5b: {  	[sflag:s0] =	ssyncadd.tile.s32 @!p0 $0x1;
	_ =	shalt  }
.Lfunc_end2:
_tile_overlayer_lowered:
.L_overlay_start_2:
0x5c: {  	(tag) =	ssettag $0x2  }
0x5d: {  	s0 =	rddreg [dreg:$0x0];
	s2 =	stileid.u32  }
0x5e: {  	s1 =	rddreg [dreg:$0x1];
	p0 =	sne.s32 s2, $0x0  }
0x5f: {  	s3 =	rddreg [dreg:$0x2];
	[bflag:$0x3] =	sbarrier.arrive $0xFFFF;
	s2 =	simm.s32 @!p0 $0x1C05  }
0x60: {  	[timem:s3], [sflag:s2] =	dma.local @!p0 [hbm:s0], s1  }
0x61: {  	s0 =	simm.s32 @!p0 $0x5  }
0x62: {  	_ =	swait.ge @!p0 [sflag:s0], s1  }
0x63: {  	s1 =	ssub.s32 @!p0 $0x0, s1;
	[sflag:s0] =	ssyncset.done @!p0 $0x0  }
0x64: {  	[sflag:s0] =	ssyncadd.s32 @!p0 s1  }
0x65: {  	[bflag:$0x3] =	sbarrier.arrive $0xFFFF  }
0x66: {  	_ =	shalt  }

// kernel: _embed.19.cloned.1.call-start
scs
__scs_entry_jumppad:
0x0: {  	(pc) =	sbr.rel $0x88, $3  }
0x1: {  	(tag) =	ssettag $0x0;
	lr =	simm.s32 $0x1  }
0x2: {  	[smem:$0x3F9F] =	sst lr;
	_ =	strace $0xD0000000  }
0x3: {  	_ = 	snop  }
0x4: {  	_ = 	snop  }
0x5: {  	_ = 	snop  }
0x6: {  	_ = 	snop  }
0x7: {  	_ = 	snop  }
__scs_overlays_trampoline_lowered:
0x8: {  	[smem:$0x3FAE] =	sst s0  }
0x9: {  	[smem:$0x3FAF] =	sst s1  }
0xa: {  	[smem:$0x3FB0] =	sst s2  }
0xb: {  	[smem:$0x3FB1] =	sst s3  }
0xc: {  	[smem:$0x3FB2] =	sst s4  }
0xd: {  	[smem:$0x3FB3] =	sst s5  }
0xe: {  	[smem:$0x3FB4] =	sst s6  }
0xf: {  	[smem:$0x3FB5] =	sst s7  }
0x10: {  	[smem:$0x3FB6] =	sst s8  }
0x11: {  	[smem:$0x3FB7] =	sst s9;
	s0 =	simm.s32 @!p0 $0x0  }
0x12: {  	s1 =	sld [smem:$0x3F9D];
	s0 =	simm.s32 @p0 $0x1  }
0x13: {  	[smem:$0x3FB8] =	sst s0;
	s0 =	simm.s32 @!p1 $0x0  }
0x14: {  	s2 =	sld [smem:$0x3F9C];
	s0 =	simm.s32 @p1 $0x1  }
0x15: {  	[smem:$0x3FB9] =	sst s0;
	s0 =	simm.s32 @!p2 $0x0  }
0x16: {  	s3 =	sld [smem:$0x3FDB];
	s0 =	simm.s32 @p2 $0x1  }
0x17: {  	s4 =	simm.s32 $0x1BF5;
	[smem:$0x3FBB] =	sst s0  }
0x18: {  	s0 =	sld [smem:$0x3F9E];
	_ =	swait.ge [sflag:s4], $0x0  }
0x19: {  	s7 =	sld [smem:$0x3F9F]  }
0x1a: {  	s8 =	sadd.s32 $0xFFFFE003, lr  }
0x1b: {  	s9 =	sadd.s32 $0xFFFFFEF7, lr;
	s5 =	simm.s32 $0xFFFFFFFF;
	p2 =	slt.u32 s8, $0xFFFFF086  }
0x1c: {  	p1 =	slt.u32 s9, $0xF7A;
	s5 =	simm.s32 @!p2 $0x0  }
0x1d: {  	s5 =	simm.s32 @p1 $0x1;
	p0 =	seq.s32 s7, s2  }
0x1e: {  	s7 =	smul.u32 @!p0 $0xF7A, s2;
	p2 =	seq.s32 @!p0 s5, $0x0  }
0x1f: {  	s9 =	smul.u32 $0xF7A, s1;
	s8 =	simm.s32 @!p0 $0x1BF5;
	p2 =	por !p2, p0  }
0x20: {  	[sflag:s8] =	ssyncset.s32 @!p0 $0xFFFFF086;
	s6 =	sadd.s32 @!p0 s3, s7;
	s7 =	simm.s32 @!p0 $0x108  }
0x21: {  	s3 =	sadd.s32 s3, s9;
	s6 =	sadd.s32 @!p0 $0x88, s6;
	s7 =	simm.s32 @p2 $0x1082  }
0x22: {  	[simem:s7], [sflag:s8] =	dma.local @!p0 [hbm:s6], $0xF7A  }
0x23: {  	s9 =	sor.u32 $0xD0000000, s2;
	s6 =	simm.s32 $0x108;
	_ =	swait.ge @!p0 [sflag:s8], $0x0  }
0x24: {  	s3 =	sadd.s32 $0x88, s3;
	s6 =	simm.s32 @!p1 $0x1082;
	[sflag:s4] =	ssyncset.s32 $0xFFFFF086  }
0x25: {  	[simem:s6], [sflag:s4] =	dma.local [hbm:s3], $0xF7A  }
0x26: {  	[smem:$0x3F9F] =	sst s1;
	(tag) =	ssettag s2;
	_ =	strace s9  }
0x27: {  	s1 =	sld [smem:$0x3FAF]  }
0x28: {  	s2 =	sld [smem:$0x3FB0]  }
0x29: {  	s4 =	sld [smem:$0x3FB2]  }
0x2a: {  	p0 =	seq.s32 s5, $0x0;
	s5 =	sld [smem:$0x3FB3]  }
0x2b: {  	s6 =	sld [smem:$0x3FB4]  }
0x2c: {  	s7 =	sld [smem:$0x3FB5]  }
0x2d: {  	s3 =	simm.s32 $0x108;
	s8 =	sld [smem:$0x3FB6]  }
0x2e: {  	s3 =	simm.s32 @!p0 $0x1082;
	s9 =	sld [smem:$0x3FB7]  }
0x2f: {  	lr =	sadd.s32 s0, s3;
	s0 =	sld [smem:$0x3FAE]  }
0x30: {  	s3 =	sld [smem:$0x3FB1]  }
0x31: {  	[smem:$0x3FBA] =	sst s10  }
0x32: {  	s10 =	sld [smem:$0x3FB8];
	_ =	sdelay $0x3  }
0x33: {  	p0 =	seq.s32 s10, $0x1;
	s10 =	sld [smem:$0x3FBA];
	_ =	sdelay $0x3  }
0x34: {  	[smem:$0x3FBA] =	sst s10  }
0x35: {  	s10 =	sld [smem:$0x3FB9];
	_ =	sdelay $0x3  }
0x36: {  	p1 =	seq.s32 s10, $0x1;
	s10 =	sld [smem:$0x3FBA];
	_ =	sdelay $0x3  }
0x37: {  	[smem:$0x3FBA] =	sst s10  }
0x38: {  	s10 =	sld [smem:$0x3FBB]  }
0x39: {  	_ = 	snop;
	(pc) =	sbr.ind lr, $3  }
0x3a: {  	_ = 	snop  }
0x3b: {  	_ = 	snop  }
0x3c: {  	p2 =	seq.s32 s10, $0x1;
	s10 =	sld [smem:$0x3FBA]  }
0x3d: {  	_ =	shalt  }
0x3e: {  	_ =	shalt  }
0x3f: {  	_ =	shalt  }
0x40: {  	_ =	shalt  }
0x41: {  	_ =	shalt  }
0x42: {  	_ =	shalt  }
0x43: {  	_ =	shalt  }
0x44: {  	_ =	shalt  }
0x45: {  	_ =	shalt  }
0x46: {  	_ =	shalt  }
0x47: {  	_ =	shalt  }
0x48: {  	_ =	shalt  }
0x49: {  	_ =	shalt  }
0x4a: {  	_ =	shalt  }
0x4b: {  	_ =	shalt  }
0x4c: {  	_ =	shalt  }
0x4d: {  	_ =	shalt  }
0x4e: {  	_ =	shalt  }
0x4f: {  	_ =	shalt  }
0x50: {  	_ =	shalt  }
0x51: {  	_ =	shalt  }
0x52: {  	_ =	shalt  }
0x53: {  	_ =	shalt  }
0x54: {  	_ =	shalt  }
0x55: {  	_ =	shalt  }
0x56: {  	_ =	shalt  }
0x57: {  	_ =	shalt  }
0x58: {  	_ =	shalt  }
0x59: {  	_ =	shalt  }
0x5a: {  	_ =	shalt  }
0x5b: {  	_ =	shalt  }
0x5c: {  	_ =	shalt  }
0x5d: {  	_ =	shalt  }
0x5e: {  	_ =	shalt  }
0x5f: {  	_ =	shalt  }
0x60: {  	_ =	shalt  }
0x61: {  	_ =	shalt  }
0x62: {  	_ =	shalt  }
0x63: {  	_ =	shalt  }
0x64: {  	_ =	shalt  }
0x65: {  	_ =	shalt  }
0x66: {  	_ =	shalt  }
0x67: {  	_ =	shalt  }
0x68: {  	_ =	shalt  }
0x69: {  	_ =	shalt  }
0x6a: {  	_ =	shalt  }
0x6b: {  	_ =	shalt  }
0x6c: {  	_ =	shalt  }
0x6d: {  	_ =	shalt  }
0x6e: {  	_ =	shalt  }
0x6f: {  	_ =	shalt  }
0x70: {  	_ =	shalt  }
0x71: {  	_ =	shalt  }
0x72: {  	_ =	shalt  }
0x73: {  	_ =	shalt  }
0x74: {  	_ =	shalt  }
0x75: {  	_ =	shalt  }
0x76: {  	_ =	shalt  }
0x77: {  	_ =	shalt  }
0x78: {  	_ =	shalt  }
0x79: {  	_ =	shalt  }
0x7a: {  	_ =	shalt  }
0x7b: {  	_ =	shalt  }
0x7c: {  	_ =	shalt  }
0x7d: {  	_ =	shalt  }
0x7e: {  	_ =	shalt  }
0x7f: {  	_ =	shalt  }
0x80: {  	_ =	shalt  }
0x81: {  	_ =	shalt  }
0x82: {  	_ =	shalt  }
0x83: {  	_ =	shalt  }
0x84: {  	_ =	shalt  }
0x85: {  	_ =	shalt  }
0x86: {  	_ =	shalt  }
0x87: {  	_ =	shalt  }
.Lfunc_end0:
.L_simem_size_0:
called_computation.3_lowered:
.L_overlay_start_0:
0x88: {  	s2 =	sld [smem:$0x3FD9]  }
0x89: {  	s3 =	sld [smem:$0x3FFE];
	_ =	sdelay $0x1  }
0x8a: {  	s1 =	srdreg.scid  }
0x8b: {  	s0 =	sand.u32 $0x1, s1  }
0x8c: {  	s17 =	sshll.u32 s0, $0xA;
	s2 =	sadd.s32 s3, s2  }
0x8d: {  	s2 =	sadd.s32 s2, s17  }
0x8e: {  	[smem:$0x3FC6] =	sst s2  }
0x8f: {  	_ = 	snop  }
0x90: {  	(tm) =	ssettm $0x1  }
0x91: {  	s18 =	sld [smem:$0x3FFB];
	_ =	sdelay $0x3  }
0x92: {  	_ =	strace s18  }
0x93: {  	s2 =	sld [smem:$0x3FFC];
	_ =	sdelay $0x3  }
0x94: {  	_ =	strace s2  }
0x95: {  	s2 =	sld [smem:$0x3FFD];
	_ =	sdelay $0x3  }
0x96: {  	_ =	strace s2  }
0x97: {  	_ =	strace $0x8FFFFFFF  }
0x98: {  	s19 =	sld [smem:$0x3FDB];
	_ =	sdelay $0x1  }
0x99: {  	s20 =	simm.s32 $_scs_section_size  }
0x9a: {  	s4 =	simm.s32 $_size__tile_overlayer_lowered;
	s5 =	simm.s32 $_tile_overlayer_lowered  }
0x9b: {  	s6 =	simm.s32 $0x1BFF;
	s21 =	sshll.u32 s5, $0x1;
	s3 =	sadd.s32 s20, s19  }
0x9c: {  	s22 =	simm.s32 $0x0;
	s4 =	sshll.u32 s4, $0x1;
	s5 =	sadd.s32 s21, s3  }
0x9d: {  	[timem:s22], [sflag:s6] =	dma.local [hbm:s5], s4  }
0x9e: {  	_ =	swait.ge [sflag:s6], s4  }
0x9f: {  	s4 =	ssub.s32 $0x0, s4;
	[sflag:s6] =	ssyncset.done $0x0  }
0xa0: {  	[sflag:s6] =	ssyncadd.s32 s4;
	_ =	sdelay $0x1  }
0xa1: {  	s23 =	simm.s32 $0x1B8B  }
0xa2: {  	_ =	swait.ge [sflag:s23], $0x1  }
0xa3: {  	[sflag:s23] =	ssyncset.done $0x0  }
0xa4: {  	[sflag:s23] =	ssyncadd.s32 $0xFFFFFFFF  }
0xa5: {  	s4 =	sld [smem:$0x0]  }
0xa6: {  	s5 =	sand.u32 $0xFFFFFFFE, s1  }
0xa7: {  	p0 =	sne.s32 s1, s5  }
0xa8: {  	s5 =	sshll.u32 @p0 s5, $0xE  }
0xa9: {  	s5 =	sadd.s32 @p0 $0x11B8D, s5;
	s6 =	sshll.u32 @p0 s4, $0x11  }
0xaa: {  	s5 =	sor.u32 @p0 s6, s5  }
0xab: {  	[sflag:s5] =	ssyncadd.remote.s32 @p0 $0x1;
	_ =	sdelay $0x1  }
0xac: {  	s5 =	simm.s32 @p0 $0x1B8D  }
0xad: {  	_ =	swait.eq @p0 [sflag:s5], $0x1  }
0xae: {  	[sflag:s5] =	ssyncadd.s32 @p0 $0xFFFFFFFF  }
0xaf: {  	s6 =	sshll.u32 @!p0 s1, $0xE  }
0xb0: {  	s6 =	sor.u32 @!p0 $0x4000, s6;
	s5 =	simm.s32 @!p0 $0x1B8D  }
0xb1: {  	s4 =	sshll.u32 @!p0 s4, $0x11;
	s6 =	sadd.s32 @!p0 $0x11B8D, s6;
	_ =	swait.eq @!p0 [sflag:s5], $0x1  }
0xb2: {  	s4 =	sor.u32 @!p0 s4, s6;
	[sflag:s5] =	ssyncadd.s32 @!p0 $0xFFFFFFFF  }
0xb3: {  	s25 =	simm.s32 $0x1B8E;
	s24 =	sld [smem:$0x3FFE];
	[sflag:s4] =	ssyncadd.remote.s32 @!p0 $0x1  }
0xb4: {  	s26 =	simm.s32 $execute0_lowered;
	[smem:$0x3FD2] =	sst s25  }
0xb5: {  	s5 =	sshll.u32 s26, $0x1;
	_ =	strace $0x8000004F;
	[dreg:$0x1] =	wrdreg $0xFFFFFFFF  }
0xb6: {  	s28 =	simm.s32 $_size_execute0_lowered;
	s3 =	sadd.s32 s3, s5;
	[dreg:$0x0] =	wrdreg $0x0  }
0xb7: {  	s5 =	sshll.u32 s28, $0x1;
	[dreg:$0x2] =	wrdreg s3  }
0xb8: {  	[dreg:$0x3] =	wrdreg s5  }
0xb9: {  	[dreg:$0x4] =	wrdreg $0xC0  }
0xba: {  	_ =	task [dreg:s22], $0x5FFFF  }
0xbb: {  	[dreg:$0x1] =	wrdreg $0xFFFFFFFF  }
0xbc: {  	[dreg:$0x0] =	wrdreg $0x60  }
0xbd: {  	[dreg:$0x2] =	wrdreg s24  }
0xbe: {  	[dreg:$0x3] =	wrdreg $0xC  }
0xbf: {  	_ =	task.clear_ibuf [dreg:s22], $0x4FFFF;
	_ =	strace $0x9000004F  }
0xc0: {  	s29 =	simm.s32 $0xC;
	_ =	strace $0x80000051  }
0xc1: {  	_ =	swait.ge [sflag:s29], $0x1  }
0xc2: {  	[sflag:s29] =	ssyncadd.s32 $0xFFFFFFFF  }
0xc3: {  	_ =	strace $0x90000051  }
0xc4: {  	_ =	sfence  }
0xc5: {  	s30 =	sld [smem:$0x0];
	_ =	sdelay $0x2  }
0xc6: {  	s31 =	sshll.u32 s1, $0xD;
	s1 =	sshrl.u32 s1, $0x2  }
0xc7: {  	s4 =	sand.u32 $0x4000, s31;
	s1 =	sadd.s32 s1, s30  }
0xc8: {  	s0 =	sor.u32 s4, s0;
	s1 =	sshll.u32 s1, $0x11  }
0xc9: {  	s0 =	sor.u32 s1, s0  }
0xca: {  	s0 =	sadd.s32 $0x8F2B, s0  }
0xcb: {  	[sflag:s0] =	ssyncadd.remote.s32 $0x1  }
0xcc: {  	_ =	sfence.sel $0xFFFF  }
0xcd: {  	[dreg:$0x0] =	wrdreg $0xFFFFFFFF;
	(pc) =	sbr.abs _section_cstart, $3  }
0xce: {  	[dreg:$0x1] =	wrdreg $0xFFFFFFFF  }
0xcf: {  	_ =	task.clear_ibuf [dreg:s22], $0x2FFFF;
	_ =	strace $0x9FFFFFFF  }
0xd0: {  	(tm) =	ssettm $0x7FFFFFFF  }
0xd1: {  	_ =	shalt  }
tec
execute0_lowered:
.L_overlay_start_1:
0x0: {  	(tag) =	ssettag $0x1  }
0x1: {  	s1 =	srdreg.scid;
	s0 =	stileid.u32  }
0x2: {  	s4 =	rddreg [dreg:$0x0];
	s2 =	simm.s32 $0x0;
	s7 =	simm.s32 $0x1  }
0x3: {  	s11 =	simm.s32 $0x1000;
	s12 =	simm.s32 $0x5;
	s13 =	simm.s32 $0x1900  }
0x4: {  	s14 =	simm.s32 $0x3900;
	s15 =	simm.s32 $0x3;
	s16 =	simm.s32 $0x2  }
0x5: {  	s17 =	simm.s32 $0x4;
	s5 =	sand.u32 $0x1, s1;
	s3 =	sshll.u32 s0, $0x1  }
0x6: {  	s18 =	simm.s32 $0x0;
	s1 =	rddreg [dreg:$0x1];
	s6 =	sor.u32 s5, s3  }
0x7: {  	[smem:$0x7FF] =	sst s2;
	p1 =	seq.s32 s5, $0x1;
	p0 =	seq.s32 s6, $0x0  }
0x8: {  	s9 =	sadd.s32 $0x58D800, s4;
	_ =	strace $0x80000050;
	p0 =	por !p0, !p1  }
0x9: {  	s3 =	sadd.s32 $0x1200, s4;
	s8 =	ssub.s32 $0x2, s5;
	p0 =	por !p0, !p0  }
0xa: {  	s10 =	sshll.u32 s5, $0xD;
	s6 =	sshll.u32 s6, $0x4;
	s7 =	simm.s32 @!p0 $0x0  }
0xb: {  	s30 =	sshrl.u32 s8, $0x1;
	s6 =	sadd.s32 s6, s4;
	s7 =	ssub.s32 s0, s7  }
0xc: {  	s8 =	ssub.s32 s8, s30;
	s4 =	simm.s32 $0x1;
	s7 =	sshll.u32 s7, $0xE  }
0xd: {  	s5 =	sadd.s32 $0xD7400, s6;
	s6 =	smax.u32 s8, $0x1;
	s7 =	sor.u32 s10, s7  }
0xe: {  	s31 =	sadd.s32 $0xC40000, s7;
	s10 =	sadd.s32 $0x40000, s7;
	s7 =	sshrl.u32 s7, $0x3  }
0xf: {  	s8 =	sshrl.u32 s31, $0x3;
	s10 =	sshrl.u32 s10, $0x3;
	s7 =	sadd.s32 s9, s7  }
0x10: {  	s8 =	sadd.s32 s9, s8;
	s9 =	sadd.s32 s10, s9;
	s10 =	simm.s32 $0x80  }
.LBB2_1:
0x11: {  	[tilespmem:s2], [sflag:$0x5] =	stream.strided.gather [hbm4b:s5+s10], $0x1900, s11, s10, $0x38;
	[tilespmem:$0x5900] =	vst v63  }
0x12: {  	_ =	swait.ge [sflag:s12], $0x1900  }
0x13: {  	[sflag:s12] =	ssyncset.done $0x0  }
0x14: {  	[sflag:s12] =	ssyncadd.s32 $0xFFFFE700  }
0x15: {  	[tilespmem:s13], [sflag:$0x1] =	stream.indirect.gather [hbm4b:s3+s10], $0x40, s2, s10, $0xb8;
	[tilespmem:$0x5900] =	vst v63  }
0x16: {  	_ = 	snop  }
0x17: {  	[tilespmem:s14], [sflag:$0x2] =	stream.indirect.gather [hbm4b:s3+s10], $0x40, s10, s10, $0xb8;
	[tilespmem:$0x5900] =	vst v63  }
0x18: {  	s19 =	sand.u32 $0x1, s16;
	_ =	swait.ge [sflag:s4], $0x2000  }
0x19: {  	p0 =	seq.s32 s19, $0x1;
	[sflag:s4] =	ssyncset.done $0x0  }
0x1a: {  	s19 =	simm.s32 @p0 $0x4;
	[sflag:s4] =	ssyncadd.s32 $0xFFFFE000  }
0x1b: {  	[hbm4b:s7+s2] =	stream.linear.scatter [tilespmem:s13], [sflag:$0x3], $0x2000, $0x38;
	[tilespmem:$0x5900] =	vst v63  }
0x1c: {  	s22 =	simm.s32 $0x100;
	_ =	swait.ge @p0 [sflag:s19], $0x2000  }
0x1d: {  	s20 =	simm.s32 @p0 $0x1;
	[sflag:s19] =	ssyncset.done @p0 $0x0;
	p0 =	por p0, p0  }
0x1e: {  	[sflag:s19] =	ssyncadd.s32 @p0 $0xFFFFE000;
	s19 =	simm.s32 @p0 $0x80;
	s21 =	simm.s32 @p0 $0x3900  }
0x1f: {  	[tilespmem:s21], [sflag:$0x2] =	stream.indirect.gather @p0 [hbm4b:s3+s19], $0x40, s22, s19, $0xb8;
	[tilespmem:$0x5900] =	vst v63  }
0x20: {  	s24 =	simm.s32 $0x3;
	_ =	swait.ge @p0 [sflag:s20], $0x2000  }
0x21: {  	s31 =	sand.u32 $0x1, s24;
	s25 =	simm.s32 @!p0 $0x3;
	[sflag:s20] =	ssyncset.done @p0 $0x0  }
0x22: {  	s19 =	simm.s32 @p0 $0x0;
	[sflag:s20] =	ssyncadd.s32 @p0 $0xFFFFE000;
	s20 =	simm.s32 @p0 $0x1900  }
0x23: {  	[hbm4b:s9+s19] =	stream.linear.scatter @p0 [tilespmem:s20], [sflag:$0x3], $0x2000, $0x38;
	[tilespmem:$0x5900] =	vst v63  }
0x24: {  	p2 =	seq.s32 s31, $0x1;
	s23 =	simm.s32 @!p0 $0x2;
	_ =	swait.ge @!p0 [sflag:s25], $0x2000  }
0x25: {  	s26 =	simm.s32 @!p0 $0x1900;
	s24 =	simm.s32 @!p0 $0x3900;
	[sflag:s25] =	ssyncset.done @!p0 $0x0  }
0x26: {  	s21 =	simm.s32 $0x4;
	[sflag:s25] =	ssyncadd.s32 @!p0 $0xFFFFE000;
	s25 =	simm.s32 @!p0 $0x80  }
0x27: {  	[tilespmem:s26], [sflag:$0x1] =	stream.indirect.gather @!p0 [hbm4b:s3+s25], $0x40, s22, s25, $0xb8;
	[tilespmem:$0x5900] =	vst v63  }
0x28: {  	s19 =	sadd.s32 $0x8000, s9;
	s20 =	simm.s32 $0x180;
	_ =	swait.ge @!p0 [sflag:s23], $0x2000  }
0x29: {  	s25 =	simm.s32 @!p0 $0x0;
	s22 =	smov.u32 s9;
	[sflag:s23] =	ssyncset.done @!p0 $0x0  }
.LBB2_2:
0x2a: {  	s26 =	simm.s32 @p2 $0x4;
	[sflag:s23] =	ssyncadd.s32 @!p0 $0xFFFFE000  }
0x2b: {  	s28 =	smov.u32 s21;
	s21 =	sadd.s32 $0x1, s21;
	s29 =	smov.u32 s20  }
0x2c: {  	[hbm4b:s22+s25] =	stream.linear.scatter @!p0 [tilespmem:s24], [sflag:$0x4], $0x2000, $0x38;
	[tilespmem:$0x5900] =	vst v63  }
0x2d: {  	p1 =	sne.s32 s21, $0x32;
	s22 =	smov.u32 s19;
	_ =	swait.ge @p2 [sflag:s26], $0x2000  }
0x2e: {  	s23 =	simm.s32 @p2 $0x1;
	p0 =	por p2, p2;
	[sflag:s26] =	ssyncset.done @p2 $0x0  }
0x2f: {  	s24 =	simm.s32 @p0 $0x80;
	s25 =	simm.s32 @p0 $0x3900;
	[sflag:s26] =	ssyncadd.s32 @p0 $0xFFFFE000  }
0x30: {  	[tilespmem:s25], [sflag:$0x2] =	stream.indirect.gather @p0 [hbm4b:s3+s24], $0x40, s20, s24, $0xb8;
	[tilespmem:$0x5900] =	vst v63  }
0x31: {  	_ =	swait.ge @p0 [sflag:s23], $0x2000  }
0x32: {  	s24 =	simm.s32 @!p0 $0x3;
	[sflag:s23] =	ssyncset.done @p0 $0x0  }
0x33: {  	s25 =	simm.s32 @p0 $0x1900;
	[sflag:s23] =	ssyncadd.s32 @p0 $0xFFFFE000;
	s23 =	simm.s32 @p0 $0x0  }
0x34: {  	[hbm4b:s19+s23] =	stream.linear.scatter @p0 [tilespmem:s25], [sflag:$0x3], $0x2000, $0x38;
	[tilespmem:$0x5900] =	vst v63  }
0x35: {  	s20 =	sadd.s32 $0x80, s20;
	s19 =	sadd.s32 $0x8000, s19;
	_ =	swait.ge @!p0 [sflag:s24], $0x2000  }
.Ltmp0:
0x36: {  	s23 =	simm.s32 @!p0 $0x2;
	[sflag:s24] =	ssyncset.done @!p0 $0x0;
	(pc) =	sbr.rel @p1 .LBB2_2-.Ltmp0, $4  }
0x37: {  	s25 =	simm.s32 @!p0 $0x1900;
	[sflag:s24] =	ssyncadd.s32 @!p0 $0xFFFFE000;
	s24 =	simm.s32 @!p0 $0x80  }
0x38: {  	[tilespmem:s25], [sflag:$0x1] =	stream.indirect.gather @!p0 [hbm4b:s3+s24], $0x40, s29, s24, $0xb8;
	[tilespmem:$0x5900] =	vst v63  }
0x39: {  	s25 =	sand.u32 $0x1, s28;
	s24 =	simm.s32 @!p0 $0x3900;
	_ =	swait.ge @!p0 [sflag:s23], $0x2000  }
0x3a: {  	p2 =	seq.s32 s25, $0x1;
	s25 =	simm.s32 @!p0 $0x0;
	[sflag:s23] =	ssyncset.done @!p0 $0x0  }
0x3b: {  	s21 =	simm.s32 @p2 $0x4;
	[sflag:s23] =	ssyncadd.s32 @!p0 $0xFFFFE000  }
0x3c: {  	[hbm4b:s22+s25] =	stream.linear.scatter @!p0 [tilespmem:s24], [sflag:$0x4], $0x2000, $0x38;
	[tilespmem:$0x5900] =	vst v63  }
0x3d: {  	_ =	swait.ge @p2 [sflag:s21], $0x2000  }
0x3e: {  	s22 =	simm.s32 @p2 $0x1;
	p0 =	por p2, p2;
	[sflag:s21] =	ssyncset.done @p2 $0x0  }
0x3f: {  	s23 =	simm.s32 @p0 $0x3900;
	[sflag:s21] =	ssyncadd.s32 @p0 $0xFFFFE000;
	s21 =	simm.s32 @p0 $0x80  }
0x40: {  	[tilespmem:s23], [sflag:$0x2] =	stream.indirect.gather @p0 [hbm4b:s3+s21], $0x40, s20, s21, $0xb8;
	[tilespmem:$0x5900] =	vst v63  }
0x41: {  	_ =	swait.ge @p0 [sflag:s22], $0x2000  }
0x42: {  	s21 =	simm.s32 @!p0 $0x3;
	[sflag:s22] =	ssyncset.done @p0 $0x0  }
0x43: {  	s23 =	simm.s32 @p0 $0x1900;
	[sflag:s22] =	ssyncadd.s32 @p0 $0xFFFFE000;
	s22 =	simm.s32 @p0 $0x0  }
0x44: {  	[hbm4b:s19+s22] =	stream.linear.scatter @p0 [tilespmem:s23], [sflag:$0x3], $0x2000, $0x38;
	[tilespmem:$0x5900] =	vst v63  }
0x45: {  	_ =	swait.ge @!p0 [sflag:s21], $0x2000  }
0x46: {  	s22 =	simm.s32 @!p0 $0x2;
	[sflag:s21] =	ssyncset.done @!p0 $0x0  }
0x47: {  	s23 =	simm.s32 @!p0 $0x1900;
	[sflag:s21] =	ssyncadd.s32 @!p0 $0xFFFFE000;
	s21 =	simm.s32 @!p0 $0x80  }
0x48: {  	[tilespmem:s23], [sflag:$0x1] =	stream.indirect.gather @!p0 [hbm4b:s3+s21], $0x40, s20, s21, $0xb8;
	[tilespmem:$0x5900] =	vst v63  }
0x49: {  	_ =	swait.ge @!p0 [sflag:s22], $0x2000  }
0x4a: {  	[sflag:s22] =	ssyncset.done @!p0 $0x0  }
0x4b: {  	s20 =	simm.s32 @!p0 $0x3900;
	s21 =	simm.s32 @!p0 $0x0;
	[sflag:s22] =	ssyncadd.s32 @!p0 $0xFFFFE000  }
0x4c: {  	[hbm4b:s19+s21] =	stream.linear.scatter @!p0 [tilespmem:s20], [sflag:$0x4], $0x2000, $0x38;
	[tilespmem:$0x5900] =	vst v63  }
0x4d: {  	_ =	swait.ge [sflag:s15], $0x2000  }
0x4e: {  	[sflag:s15] =	ssyncset.done $0x0  }
0x4f: {  	[sflag:s15] =	ssyncadd.s32 $0xFFFFE000  }
0x50: {  	s18 =	sadd.s32 $0x1, s18;
	_ =	swait.ge [sflag:s16], $0x2000  }
0x51: {  	p0 =	sne.s32 s18, s6;
	[sflag:s16] =	ssyncset.done $0x0  }
.Ltmp1:
0x52: {  	[sflag:s16] =	ssyncadd.s32 $0xFFFFE000;
	(pc) =	sbr.rel @p0 .LBB2_1-.Ltmp1, $4  }
0x53: {  	[hbm4b:s8+s2] =	stream.linear.scatter [tilespmem:s14], [sflag:$0x4], $0x2000, $0x38;
	[tilespmem:$0x5900] =	vst v63  }
0x54: {  	_ =	swait.ge [sflag:s17], $0x2000  }
0x55: {  	[sflag:s17] =	ssyncset.done $0x0  }
0x56: {  	[sflag:s17] =	ssyncadd.s32 $0xFFFFE000  }
0x57: {  	_ =	sfence.sel $0x180000  }
0x58: {  	[bflag:$0x0] =	sbarrier.arrive $0xFFFF  }
0x59: {  	p0 =	sne.s32 s0, $0x0;
	_ =	strace $0x90000050  }
0x5a: {  	s0 =	sadd.s32 @!p0 $0x100000, s1;
	[bflag:$0x2] =	sbarrier.arrive $0xFFFF  }
0x5b: {  	[sflag:s0] =	ssyncadd.tile.s32 @!p0 $0x1;
	_ =	shalt  }
.Lfunc_end2:
_tile_overlayer_lowered:
.L_overlay_start_2:
0x5c: {  	(tag) =	ssettag $0x2  }
0x5d: {  	s0 =	rddreg [dreg:$0x0];
	s2 =	stileid.u32  }
0x5e: {  	s1 =	rddreg [dreg:$0x1];
	p0 =	sne.s32 s2, $0x0  }
0x5f: {  	s3 =	rddreg [dreg:$0x2];
	[bflag:$0x3] =	sbarrier.arrive $0xFFFF;
	s2 =	simm.s32 @!p0 $0x1C05  }
0x60: {  	[timem:s3], [sflag:s2] =	dma.local @!p0 [hbm:s0], s1  }
0x61: {  	s0 =	simm.s32 @!p0 $0x5  }
0x62: {  	_ =	swait.ge @!p0 [sflag:s0], s1  }
0x63: {  	s1 =	ssub.s32 @!p0 $0x0, s1;
	[sflag:s0] =	ssyncset.done @!p0 $0x0  }
0x64: {  	[sflag:s0] =	ssyncadd.s32 @!p0 s1  }
0x65: {  	[bflag:$0x3] =	sbarrier.arrive $0xFFFF  }
0x66: {  	_ =	shalt  }

</sc_bundles>
